<compile_context>
chip_gen: v7x
topology: tpu7x:2x2x1
jax: 0.10.2.dev20260603
libtpu: 0.0.44.dev20260713+nightly
codegen_flags: <defaults>
</compile_context>

<pallas_src>
import functools

import jax
import jax.numpy as jnp
from jax import lax
from jax.experimental import pallas as pl
from jax.experimental.pallas import tpu as pltpu
from jax.experimental.pallas import tpu_sc as plsc

HID = 128
FDIM = 4
NC = 2
NS = 16
NW = NC * NS
CHUNK = 64

BN = 256

N_NODE = 75000
P_NODE = 75008
N_MSG = 100000
P_MSG = 100352
N_OUT = 50000
P_OUT = 50176


def _pad_cols(mat_t, p):
    k, n = mat_t.shape
    out = jnp.zeros((k, p), dtype=jnp.int32)
    out = lax.dynamic_update_slice(out, mat_t.astype(jnp.int32), (0, 0))
    return out.reshape(k * p)


def _sc_gather(table, idx_flat):
    b = idx_flat.shape[0]
    d = table.shape[1]
    b_per_w = b // NW
    n_chunks = b_per_w // CHUNK
    mesh = plsc.VectorSubcoreMesh(core_axis_name="c", subcore_axis_name="s")

    def body(table_hbm, idx_hbm, out_hbm, idx_v, rows_v, sem):
        wid = lax.axis_index("s") * NC + lax.axis_index("c")
        base = wid * b_per_w
        pltpu.sync_copy(idx_hbm.at[pl.ds(base, b_per_w)], idx_v)

        @pl.loop(0, n_chunks)
        def _(i):
            off = i * CHUNK
            pltpu.async_copy(
                table_hbm.at[idx_v.at[pl.ds(off, CHUNK)]], rows_v, sem
            ).wait()
            pltpu.sync_copy(rows_v, out_hbm.at[pl.ds(base + off, CHUNK)])

    f = pl.kernel(
        body,
        out_type=jax.ShapeDtypeStruct((b, d), jnp.float32),
        mesh=mesh,
        scratch_types=[
            pltpu.VMEM((b_per_w,), jnp.int32),
            pltpu.VMEM((CHUNK, d), jnp.float32),
            pltpu.SemaphoreType.DMA,
        ],
        compiler_params=pltpu.CompilerParams(use_tc_tiling_on_sc=(d % 128 == 0)),
    )
    return f(table, idx_flat)


def _rows(pid, n):
    return pid * BN + lax.broadcasted_iota(jnp.int32, (BN, n), 0)


def _k1_body(g_ref, idx_ref, out_ref):
    pid = pl.program_id(0)
    acc = jnp.where((idx_ref[0][:, None] >= 200000), 0.0, g_ref[0])
    for k in range(1, 8):
        v = jnp.where((idx_ref[k][:, None] >= 200000), 0.0, g_ref[k])
        acc = jnp.maximum(acc, v)
    acc = jnp.where(_rows(pid, HID) < N_NODE, acc, 0.0)
    out_ref[...] = acc


def _k1(g, asg_pad):
    return pl.pallas_call(
        _k1_body,
        grid=(P_NODE // BN,),
        in_specs=[
            pl.BlockSpec((8, BN, HID), lambda i: (0, i, 0)),
            pl.BlockSpec((8, BN), lambda i: (0, i)),
        ],
        out_specs=pl.BlockSpec((BN, HID), lambda i: (i, 0)),
        out_shape=jax.ShapeDtypeStruct((P_NODE, HID), jnp.float32),
    )(g, asg_pad)


def _k2_body(lab_ref, emb_ref, wlab_ref, wemb_ref, b_ref, l_ref, m_ref):
    pid = pl.program_id(0)
    labs = lab_ref[0] + lab_ref[1] + lab_ref[2] + lab_ref[3]
    embs = emb_ref[0] + emb_ref[1] + emb_ref[2] + emb_ref[3]
    l_all = (
        jnp.dot(labs, wlab_ref[...], preferred_element_type=jnp.float32)
        + jnp.dot(embs, wemb_ref[...], preferred_element_type=jnp.float32)
        + b_ref[...]
    )
    m1 = jax.nn.sigmoid(l_all[:, 0:HID]) * jnp.tanh(l_all[:, 2 * HID : 3 * HID])
    m1 = jnp.where(_rows(pid, HID) == 0, 0.0, m1)
    l_ref[...] = l_all
    m_ref[...] = m1


def _k2(lab, emb, wlab_t, wemb_t, b_all):
    return pl.pallas_call(
        _k2_body,
        grid=(P_MSG // BN,),
        in_specs=[
            pl.BlockSpec((4, BN, 16), lambda i: (0, i, 0)),
            pl.BlockSpec((4, BN, HID), lambda i: (0, i, 0)),
            pl.BlockSpec((16, 3 * HID), lambda i: (0, 0)),
            pl.BlockSpec((HID, 3 * HID), lambda i: (0, 0)),
            pl.BlockSpec((1, 3 * HID), lambda i: (0, 0)),
        ],
        out_specs=[
            pl.BlockSpec((BN, 3 * HID), lambda i: (i, 0)),
            pl.BlockSpec((BN, HID), lambda i: (i, 0)),
        ],
        out_shape=[
            jax.ShapeDtypeStruct((P_MSG, 3 * HID), jnp.float32),
            jax.ShapeDtypeStruct((P_MSG, HID), jnp.float32),
        ],
    )(lab, emb, wlab_t, wemb_t, b_all)


def _k3_body(m_ref, l_ref, wz_ref, ur_ref, wh_ref, urb_ref, out_ref):
    pid = pl.program_id(0)
    m0, m1, m2, m3 = m_ref[0], m_ref[1], m_ref[2], m_ref[3]
    summsg = m0 + m1 + m2 + m3
    l_all = l_ref[...]
    z = jax.nn.sigmoid(
        l_all[:, 0:HID]
        + jnp.dot(summsg, wz_ref[...], preferred_element_type=jnp.float32)
    )
    lrb = l_all[:, HID : 2 * HID] + urb_ref[...]
    sg = jnp.zeros_like(summsg)
    for mk in (m0, m1, m2, m3):
        r = jax.nn.sigmoid(
            lrb + jnp.dot(mk, ur_ref[...], preferred_element_type=jnp.float32)
        )
        sg = sg + r * mk
    pre = jnp.tanh(
        l_all[:, 2 * HID : 3 * HID]
        + jnp.dot(sg, wh_ref[...], preferred_element_type=jnp.float32)
    )
    out = (1.0 - z) * summsg + z * pre
    out = jnp.where(_rows(pid, HID) == 0, 0.0, out)
    out_ref[...] = out


def _k3(m, l_all, wz_t, ur_t, wh_t, ur_b):
    return pl.pallas_call(
        _k3_body,
        grid=(P_MSG // BN,),
        in_specs=[
            pl.BlockSpec((4, BN, HID), lambda i: (0, i, 0)),
            pl.BlockSpec((BN, 3 * HID), lambda i: (i, 0)),
            pl.BlockSpec((HID, HID), lambda i: (0, 0)),
            pl.BlockSpec((HID, HID), lambda i: (0, 0)),
            pl.BlockSpec((HID, HID), lambda i: (0, 0)),
            pl.BlockSpec((1, HID), lambda i: (0, 0)),
        ],
        out_specs=pl.BlockSpec((BN, HID), lambda i: (i, 0)),
        out_shape=jax.ShapeDtypeStruct((P_MSG, HID), jnp.float32),
    )(m, l_all, wz_t, ur_t, wh_t, ur_b)


def _k4_body(lab_ref, emb_ref, inc_ref, wl_ref, we_ref, wi_ref, b_ref, out_ref):
    labs = lab_ref[0] + lab_ref[1] + lab_ref[2] + lab_ref[3]
    embs = emb_ref[0] + emb_ref[1] + emb_ref[2] + emb_ref[3]
    incs = inc_ref[0] + inc_ref[1] + inc_ref[2] + inc_ref[3]
    h = (
        jnp.dot(labs, wl_ref[...], preferred_element_type=jnp.float32)
        + jnp.dot(embs, we_ref[...], preferred_element_type=jnp.float32)
        + jnp.dot(incs, wi_ref[...], preferred_element_type=jnp.float32)
        + b_ref[...]
    )
    out_ref[...] = jnp.maximum(h, 0.0)


def _k4(lab, emb, inc, wl_t, we_t, wi_t, b):
    return pl.pallas_call(
        _k4_body,
        grid=(P_OUT // BN,),
        in_specs=[
            pl.BlockSpec((4, BN, 16), lambda i: (0, i, 0)),
            pl.BlockSpec((4, BN, HID), lambda i: (0, i, 0)),
            pl.BlockSpec((4, BN, HID), lambda i: (0, i, 0)),
            pl.BlockSpec((16, HID), lambda i: (0, 0)),
            pl.BlockSpec((HID, HID), lambda i: (0, 0)),
            pl.BlockSpec((HID, HID), lambda i: (0, 0)),
            pl.BlockSpec((1, HID), lambda i: (0, 0)),
        ],
        out_specs=pl.BlockSpec((BN, HID), lambda i: (i, 0)),
        out_shape=jax.ShapeDtypeStruct((P_OUT, HID), jnp.float32),
    )(lab, emb, inc, wl_t, we_t, wi_t, b)


def _k5_body(x_ref, w_ref, b_ref, out_ref):
    out_ref[...] = (
        jnp.dot(x_ref[...], w_ref[...], preferred_element_type=jnp.float32)
        + b_ref[...]
    )


def _k5(seq, w_t, b):
    n = seq.shape[0]
    return pl.pallas_call(
        _k5_body,
        grid=(n // BN,),
        in_specs=[
            pl.BlockSpec((BN, HID), lambda i: (i, 0)),
            pl.BlockSpec((HID, 512), lambda i: (0, 0)),
            pl.BlockSpec((1, 512), lambda i: (0, 0)),
        ],
        out_specs=pl.BlockSpec((BN, 512), lambda i: (i, 0)),
        out_shape=jax.ShapeDtypeStruct((n, 512), jnp.float32),
    )(seq, w_t, b)


H2 = HID // 2
T_STEPS = 512
BATCH = 64


def _lstm_step(g, h, c, whh_ref):
    g = g + jnp.dot(h, whh_ref[...], preferred_element_type=jnp.float32)
    i = jax.nn.sigmoid(g[:, 0:H2])
    f = jax.nn.sigmoid(g[:, H2 : 2 * H2])
    gg = jnp.tanh(g[:, 2 * H2 : 3 * H2])
    o = jax.nn.sigmoid(g[:, 3 * H2 : 4 * H2])
    c_new = f * c + i * gg
    h_new = o * jnp.tanh(c_new)
    return h_new, c_new


def _k6_body(gf_ref, gb_ref, whf_ref, whb_ref, out_ref, hf, cf, hb, cb, mf, mb):
    t = pl.program_id(0)

    @pl.when(t == 0)
    def _():
        z = jnp.zeros((BATCH, H2), jnp.float32)
        hf[...] = z
        cf[...] = z
        hb[...] = z
        cb[...] = z
        mf[...] = jnp.full((BATCH, H2), -jnp.inf, jnp.float32)
        mb[...] = jnp.full((BATCH, H2), -jnp.inf, jnp.float32)

    h_new, c_new = _lstm_step(gf_ref[0], hf[...], cf[...], whf_ref)
    hf[...] = h_new
    cf[...] = c_new
    mf[...] = jnp.maximum(mf[...], h_new)

    h_new, c_new = _lstm_step(gb_ref[0], hb[...], cb[...], whb_ref)
    hb[...] = h_new
    cb[...] = c_new
    mb[...] = jnp.maximum(mb[...], h_new)

    @pl.when(t == T_STEPS - 1)
    def _():
        out_ref[...] = jnp.concatenate([mf[...], mb[...]], axis=1)


def _k6(gates3, whf_t, whb_t):
    return pl.pallas_call(
        _k6_body,
        grid=(T_STEPS,),
        in_specs=[
            pl.BlockSpec((1, BATCH, 4 * H2), lambda t: (t, 0, 0)),
            pl.BlockSpec((1, BATCH, 4 * H2), lambda t: (T_STEPS - 1 - t, 0, 1)),
            pl.BlockSpec((H2, 4 * H2), lambda t: (0, 0)),
            pl.BlockSpec((H2, 4 * H2), lambda t: (0, 0)),
        ],
        out_specs=pl.BlockSpec((BATCH, HID), lambda t: (0, 0)),
        out_shape=jax.ShapeDtypeStruct((BATCH, HID), jnp.float32),
        scratch_shapes=[pltpu.VMEM((BATCH, H2), jnp.float32)] * 6,
    )(gates3, gates3, whf_t, whb_t)


def kernel(nuc_embedding, f_node_label, f_node_assignment, f_message, node_graph,
           message_graph, scope, all_dfs_idx,
           Wz_w, Wz_b, Wr_w, Ur_w, Ur_b, Wh_w, Wh_b, Out_w, Out_b,
           Wih_f, Whh_f, bih_f, bhh_f, Wih_b, Whh_b, bih_b, bhh_b):
    f32 = jnp.float32

    wlab_t = jnp.zeros((16, 3 * HID), f32)
    wlab = jnp.concatenate(
        [Wz_w[:, 0:FDIM], Wr_w[:, 0:FDIM], Wh_w[:, 0:FDIM]], axis=0
    )
    wlab_t = lax.dynamic_update_slice(wlab_t, wlab.T, (0, 0))
    wemb_t = jnp.concatenate(
        [Wz_w[:, FDIM : FDIM + HID], Wr_w[:, FDIM:], Wh_w[:, FDIM : FDIM + HID]],
        axis=0,
    ).T
    b_all = jnp.concatenate([Wz_b, jnp.zeros((HID,), f32), Wh_b]).reshape(1, 3 * HID)
    wz2_t = Wz_w[:, FDIM + HID :].T
    wh2_t = Wh_w[:, FDIM + HID :].T
    ur_t = Ur_w.T
    ur_b = Ur_b.reshape(1, HID)

    olab_t = jnp.zeros((16, HID), f32)
    olab_t = lax.dynamic_update_slice(olab_t, Out_w[:, 0:FDIM].T, (0, 0))
    oemb_t = Out_w[:, FDIM : FDIM + HID].T
    oinc_t = Out_w[:, FDIM + HID :].T
    out_b = Out_b.reshape(1, HID)

    wih_t = jnp.concatenate([Wih_f, Wih_b], axis=0).T
    bcat = jnp.concatenate([bih_f + bhh_f, bih_b + bhh_b]).reshape(1, 512)
    whf_t = Whh_f.T
    whb_t = Whh_b.T

    asg = f_node_assignment.astype(jnp.int32).T
    asg_pad = jnp.zeros((8, P_NODE), jnp.int32)
    asg_pad = lax.dynamic_update_slice(asg_pad, asg, (0, 0))
    nuc_idx = jnp.minimum(asg_pad, 200000 - 1).reshape(8 * P_NODE)

    fmsg_idx = _pad_cols(f_message.T, P_MSG)
    mg_idx = _pad_cols(message_graph.T, P_MSG)
    ng_idx = _pad_cols(node_graph.T, P_OUT)
    dfs_idx = all_dfs_idx.astype(jnp.int32).T.reshape(T_STEPS * BATCH)

    lab_tab = jnp.zeros((P_NODE, 16), f32)
    lab_tab = lax.dynamic_update_slice(lab_tab, f_node_label, (0, 0))

    g_nuc = _sc_gather(nuc_embedding, nuc_idx).reshape(8, P_NODE, HID)
    node_emb = _k1(g_nuc, asg_pad)

    loc_lab = _sc_gather(lab_tab, fmsg_idx).reshape(4, P_MSG, 16)
    loc_emb = _sc_gather(node_emb, fmsg_idx).reshape(4, P_MSG, HID)
    l_all, messages = _k2(loc_lab, loc_emb, wlab_t, wemb_t, b_all)

    for _ in range(1):
        m_nei = _sc_gather(messages, mg_idx).reshape(4, P_MSG, HID)
        messages = _k3(m_nei, l_all, wz2_t, ur_t, wh2_t, ur_b)

    fn2_lab = _sc_gather(lab_tab, ng_idx).reshape(4, P_OUT, 16)
    fn2_emb = _sc_gather(node_emb, ng_idx).reshape(4, P_OUT, HID)
    inc = _sc_gather(messages, ng_idx).reshape(4, P_OUT, HID)
    hpn = _k4(fn2_lab, fn2_emb, inc, olab_t, oemb_t, oinc_t, out_b)

    seq = _sc_gather(hpn, dfs_idx)
    gates = _k5(seq, wih_t, bcat)
    gates3 = gates.reshape(T_STEPS, BATCH, 512)
    return _k6(gates3, whf_t, whb_t)

# --- scband reference (transcript-rebuilt; emitter-appended) ---
"""Pipeline reference for scband-branched-tree-encoder-22041772163417 (READ-ONLY COPY).

The authoritative reference and input builder live on the scoring server;
editing this copy changes nothing except your own understanding.
"""

import jax, jax.numpy as jnp
import numpy as np

HID = 128
FDIM = 4
DEPTH = 2


def setup_inputs(seed: int = 0) -> dict:
    key = jax.random.key(seed)
    ks = jax.random.split(key, 24)
    inp = {}
    inp["nuc_embedding"] = jax.random.normal(ks[0], (200000, HID), dtype=jnp.float32)
    inp["f_node_label"] = jax.random.uniform(ks[1], (75000, FDIM), dtype=jnp.float32)
    inp["f_node_assignment"] = jax.random.randint(ks[2], (75000, 8), 0, 200001)
    inp["f_message"] = jax.random.randint(ks[3], (100000, 4), 0, 75001)
    inp["node_graph"] = jax.random.randint(ks[4], (50000, 4), 0, 75000)
    inp["message_graph"] = jax.random.randint(ks[5], (100000, 4), 0, 100000)
    inp["scope"] = jax.random.randint(ks[6], (64, 2), 0, 50000)
    inp["all_dfs_idx"] = jax.random.randint(ks[7], (64, 512), 0, 50000)
    s = 0.05
    inp["Wz_w"] = jax.random.normal(ks[8], (HID, FDIM + 2 * HID), dtype=jnp.float32) * s
    inp["Wz_b"] = jnp.zeros((HID,), dtype=jnp.float32)
    inp["Wr_w"] = jax.random.normal(ks[9], (HID, FDIM + HID), dtype=jnp.float32) * s
    inp["Ur_w"] = jax.random.normal(ks[10], (HID, HID), dtype=jnp.float32) * s
    inp["Ur_b"] = jnp.zeros((HID,), dtype=jnp.float32)
    inp["Wh_w"] = jax.random.normal(ks[11], (HID, FDIM + 2 * HID), dtype=jnp.float32) * s
    inp["Wh_b"] = jnp.zeros((HID,), dtype=jnp.float32)
    inp["Out_w"] = jax.random.normal(ks[12], (HID, FDIM + 2 * HID), dtype=jnp.float32) * s
    inp["Out_b"] = jnp.zeros((HID,), dtype=jnp.float32)
    H2 = HID // 2
    inp["Wih_f"] = jax.random.normal(ks[13], (4 * H2, HID), dtype=jnp.float32) * s
    inp["Whh_f"] = jax.random.normal(ks[14], (4 * H2, H2), dtype=jnp.float32) * s
    inp["bih_f"] = jnp.zeros((4 * H2,), dtype=jnp.float32)
    inp["bhh_f"] = jnp.zeros((4 * H2,), dtype=jnp.float32)
    inp["Wih_b"] = jax.random.normal(ks[15], (4 * H2, HID), dtype=jnp.float32) * s
    inp["Whh_b"] = jax.random.normal(ks[16], (4 * H2, H2), dtype=jnp.float32) * s
    inp["bih_b"] = jnp.zeros((4 * H2,), dtype=jnp.float32)
    inp["bhh_b"] = jnp.zeros((4 * H2,), dtype=jnp.float32)
    return inp


def _lstm_scan(x, Wih, Whh, bih, bhh, reverse):
    B, T, D = x.shape
    H = Whh.shape[1]

    def step(carry, xt):
        h, c = carry
        g = xt @ Wih.T + bih + h @ Whh.T + bhh
        i, f, gg, o = jnp.split(g, 4, axis=-1)
        i = jax.nn.sigmoid(i)
        f = jax.nn.sigmoid(f)
        gg = jnp.tanh(gg)
        o = jax.nn.sigmoid(o)
        c = f * c + i * gg
        h = o * jnp.tanh(c)
        return (h, c), h

    xs = jnp.swapaxes(x, 0, 1)
    init = (jnp.zeros((B, H), dtype=x.dtype), jnp.zeros((B, H), dtype=x.dtype))
    _, hs = jax.lax.scan(step, init, xs, reverse=reverse)
    return jnp.swapaxes(hs, 0, 1)


def reference(nuc_embedding, f_node_label, f_node_assignment, f_message, node_graph,
              message_graph, scope, all_dfs_idx,
              Wz_w, Wz_b, Wr_w, Ur_w, Ur_b, Wh_w, Wh_b, Out_w, Out_b,
              Wih_f, Whh_f, bih_f, bhh_f, Wih_b, Whh_b, bih_b, bhh_b):
    nuc_emb = jnp.concatenate([nuc_embedding, jnp.zeros((1, HID), dtype=nuc_embedding.dtype)], axis=0)
    fna = jnp.max(nuc_emb[f_node_assignment], axis=1)
    f_node = jnp.concatenate([f_node_label, fna], axis=1)
    f_node_pad = jnp.concatenate([f_node, jnp.zeros((1, FDIM + HID), dtype=f_node.dtype)], axis=0)
    local = jnp.sum(f_node_pad[f_message], axis=1)
    M = message_graph.shape[0]
    messages = jnp.zeros((M, HID), dtype=jnp.float32)
    mask = jnp.ones((M, 1), dtype=jnp.float32).at[0].set(0.0)
    for _ in range(DEPTH):
        msg_nei = messages[message_graph]
        sum_msg = jnp.sum(msg_nei, axis=1)
        z = jax.nn.sigmoid(jnp.concatenate([local, sum_msg], axis=1) @ Wz_w.T + Wz_b)
        r1 = (local @ Wr_w.T)[:, None, :]
        r2 = msg_nei @ Ur_w.T + Ur_b
        r = jax.nn.sigmoid(r1 + r2)
        sum_gated = jnp.sum(r * msg_nei, axis=1)
        pre = jnp.tanh(jnp.concatenate([local, sum_gated], axis=1) @ Wh_w.T + Wh_b)
        messages = ((1.0 - z) * sum_msg + z * pre) * mask
    incoming = jnp.sum(messages[node_graph], axis=1)
    fn2 = jnp.sum(f_node[node_graph], axis=1)
    hpn = jax.nn.relu(jnp.concatenate([fn2, incoming], axis=1) @ Out_w.T + Out_b)
    seq = hpn[all_dfs_idx]
    hf = _lstm_scan(seq, Wih_f, Whh_f, bih_f, bhh_f, False)
    hb = _lstm_scan(seq, Wih_b, Whh_b, bih_b, bhh_b, True)
    out = jnp.concatenate([hf, hb], axis=-1)
    return jnp.max(out, axis=1)

if __name__ == "__main__":
    import jax
    _d = setup_inputs()
    print(jax.jit(kernel)(*tuple(_d.values())))

</pallas_src>

<mosaic_0001>
#map = affine_map<(d0, d1) -> (0, 0)>
#map1 = affine_map<(d0, d1) -> (0)>
module attributes {stable_mosaic.version = 14 : i64} {
  func.func @body(%arg0: i32, %arg1: i32, %arg2: memref<75008x16xf32, #tpu.memory_space<hbm>>, %arg3: memref<401408xi32, #tpu.memory_space<hbm>>, %arg4: memref<401408x16xf32, #tpu.memory_space<hbm>>, %arg5: memref<12544xi32, #tpu.memory_space<vmem>>, %arg6: memref<64x16xf32, #tpu.memory_space<vmem>>, %arg7: memref<!tpu.dma_semaphore, #tpu.memory_space<semaphore_mem>>) attributes {dimension_semantics = [#tpu.dimension_semantics<core_parallel>, #tpu.dimension_semantics<subcore_parallel>], iteration_bounds = array<i64: 2, 16>, scalar_prefetch = 0 : i64, scratch_operands = 3 : i64, tpu.core_type = #tpu.core_type<sc_vector_subcore>, window_params = [{transform_indices = #map}, {transform_indices = #map1}, {transform_indices = #map}]} {
    %mul3A = arith.constant 2 : i32
    %mul3A_0 = arith.muli %arg1, %mul3A : i32
    %add3A = arith.addi %mul3A_0, %arg0 : i32
    %mul3A_1 = arith.constant 12544 : i32
    %mul3A_2 = arith.muli %add3A, %mul3A_1 : i32
    "tpu.region"() ({
      %run_scoped3A = tpu.sem_alloc : memref<!tpu.dma_semaphore, #tpu.memory_space<semaphore_mem>>
      %dma_start3A = tpu.memref_slice %arg3[%mul3A_2] : memref<401408xi32, #tpu.memory_space<hbm>> -> memref<12544xi32, #tpu.memory_space<hbm>>
      %dma_start3A_7 = tpu.memref_slice %arg3[%mul3A_2] : memref<401408xi32, #tpu.memory_space<hbm>> -> memref<12544xi32, #tpu.memory_space<hbm>>
      tpu.enqueue_dma source(%dma_start3A_7 : memref<12544xi32, #tpu.memory_space<hbm>>) target(%arg5 : memref<12544xi32, #tpu.memory_space<vmem>>) target_semaphore(%run_scoped3A : memref<!tpu.dma_semaphore, #tpu.memory_space<semaphore_mem>>)
      %dma_wait3A = tpu.memref_slice %arg3[%mul3A_2] : memref<401408xi32, #tpu.memory_space<hbm>> -> memref<12544xi32, #tpu.memory_space<hbm>>
      %dma_wait3A_8 = tpu.memref_slice %arg3[%mul3A_2] : memref<401408xi32, #tpu.memory_space<hbm>> -> memref<12544xi32, #tpu.memory_space<hbm>>
      tpu.wait_dma2 semaphore(%run_scoped3A : memref<!tpu.dma_semaphore, #tpu.memory_space<semaphore_mem>>) src(%dma_wait3A_8 : memref<12544xi32, #tpu.memory_space<hbm>>) dst(%arg5 : memref<12544xi32, #tpu.memory_space<vmem>>)
      tpu.yield
    }) : () -> ()
    %scan3A = arith.constant 0 : i32
    %scan3A_3 = arith.constant 196 : i32
    %scan3A_4 = arith.addi %scan3A, %scan3A_3 : i32
    %scan3A_5 = arith.constant 1 : i32
    scf.for %scan3A_7 = %scan3A to %scan3A_4 step %scan3A_5  : i32 {
      %mul3A_8 = arith.constant 1 : i32
      %mul3A_9 = arith.muli %scan3A_7, %mul3A_8 : i32
      %add3A_10 = arith.constant 0 : i32
      %add3A_11 = arith.addi %add3A_10, %mul3A_9 : i32
      %mul3A_12 = arith.constant 64 : i32
      %mul3A_13 = arith.muli %add3A_11, %mul3A_12 : i32
      %dma_start3A = tpu.memref_slice %arg5[%mul3A_13] : memref<12544xi32, #tpu.memory_space<vmem>> -> memref<64xi32, #tpu.memory_space<vmem>>
      %dma_start3A_14 = arith.constant 0 : i32
      %dma_start3A_15 = arith.constant 0 : i32
      %dma_start3A_16 = tpu.memref_slice %arg2[%dma_start3A_14, %dma_start3A_15] : memref<75008x16xf32, #tpu.memory_space<hbm>> -> memref<75008x16xf32, #tpu.memory_space<hbm>>
      tpu.enqueue_indirect_dma source(%dma_start3A_16 : memref<75008x16xf32, #tpu.memory_space<hbm>>) target(%arg6 : memref<64x16xf32, #tpu.memory_space<vmem>>) offsets(%dma_start3A : memref<64xi32, #tpu.memory_space<vmem>>) semaphore(%arg7 : memref<!tpu.dma_semaphore, #tpu.memory_space<semaphore_mem>>)
      %dma_wait3A = tpu.memref_slice %arg5[%mul3A_13] : memref<12544xi32, #tpu.memory_space<vmem>> -> memref<64xi32, #tpu.memory_space<vmem>>
      %dma_wait3A_17 = arith.constant 0 : i32
      %dma_wait3A_18 = arith.constant 0 : i32
      %dma_wait3A_19 = tpu.memref_slice %arg2[%dma_wait3A_17, %dma_wait3A_18] : memref<75008x16xf32, #tpu.memory_space<hbm>> -> memref<75008x16xf32, #tpu.memory_space<hbm>>
      tpu.wait_indirect_dma semaphore(%arg7 : memref<!tpu.dma_semaphore, #tpu.memory_space<semaphore_mem>>) src(%dma_wait3A_19 : memref<75008x16xf32, #tpu.memory_space<hbm>>) dst(%arg6 : memref<64x16xf32, #tpu.memory_space<vmem>>)
      %add3A_20 = arith.addi %mul3A_2, %mul3A_13 : i32
      "tpu.region"() ({
        %run_scoped3A = tpu.sem_alloc : memref<!tpu.dma_semaphore, #tpu.memory_space<semaphore_mem>>
        %dma_start3A_21 = arith.constant 0 : i32
        %dma_start3A_22 = tpu.memref_slice %arg4[%add3A_20, %dma_start3A_21] : memref<401408x16xf32, #tpu.memory_space<hbm>> -> memref<64x16xf32, #tpu.memory_space<hbm>>
        %dma_start3A_23 = arith.constant 0 : i32
        %dma_start3A_24 = tpu.memref_slice %arg4[%add3A_20, %dma_start3A_23] : memref<401408x16xf32, #tpu.memory_space<hbm>> -> memref<64x16xf32, #tpu.memory_space<hbm>>
        tpu.enqueue_dma source(%arg6 : memref<64x16xf32, #tpu.memory_space<vmem>>) target(%dma_start3A_24 : memref<64x16xf32, #tpu.memory_space<hbm>>) target_semaphore(%run_scoped3A : memref<!tpu.dma_semaphore, #tpu.memory_space<semaphore_mem>>)
        %dma_wait3A_25 = arith.constant 0 : i32
        %dma_wait3A_26 = tpu.memref_slice %arg4[%add3A_20, %dma_wait3A_25] : memref<401408x16xf32, #tpu.memory_space<hbm>> -> memref<64x16xf32, #tpu.memory_space<hbm>>
        %dma_wait3A_27 = arith.constant 0 : i32
        %dma_wait3A_28 = tpu.memref_slice %arg4[%add3A_20, %dma_wait3A_27] : memref<401408x16xf32, #tpu.memory_space<hbm>> -> memref<64x16xf32, #tpu.memory_space<hbm>>
        tpu.wait_dma2 semaphore(%run_scoped3A : memref<!tpu.dma_semaphore, #tpu.memory_space<semaphore_mem>>) src(%arg6 : memref<64x16xf32, #tpu.memory_space<vmem>>) dst(%dma_wait3A_28 : memref<64x16xf32, #tpu.memory_space<hbm>>)
        tpu.yield
      }) : () -> ()
    }
    %scan3A_6 = arith.constant 196 : i32
    return
  }
}

#map = affine_map<(d0, d1) -> (0, 0)>
#map1 = affine_map<(d0, d1) -> (0)>
module attributes {stable_mosaic.version = 14 : i64} {
  func.func @body(%arg0: i32, %arg1: i32, %arg2: memref<75008x128xf32, #tpu.memory_space<hbm>>, %arg3: memref<401408xi32, #tpu.memory_space<hbm>>, %arg4: memref<401408x128xf32, #tpu.memory_space<hbm>>, %arg5: memref<12544xi32, #tpu.memory_space<vmem>>, %arg6: memref<64x128xf32, #tpu.memory_space<vmem>>, %arg7: memref<!tpu.dma_semaphore, #tpu.memory_space<semaphore_mem>>) attributes {dimension_semantics = [#tpu.dimension_semantics<core_parallel>, #tpu.dimension_semantics<subcore_parallel>], iteration_bounds = array<i64: 2, 16>, scalar_prefetch = 0 : i64, scratch_operands = 3 : i64, tpu.core_type = #tpu.core_type<sc_vector_subcore>, window_params = [{transform_indices = #map}, {transform_indices = #map1}, {transform_indices = #map}]} {
    %mul3A = arith.constant 2 : i32
    %mul3A_0 = arith.muli %arg1, %mul3A : i32
    %add3A = arith.addi %mul3A_0, %arg0 : i32
    %mul3A_1 = arith.constant 12544 : i32
    %mul3A_2 = arith.muli %add3A, %mul3A_1 : i32
    "tpu.region"() ({
      %run_scoped3A = tpu.sem_alloc : memref<!tpu.dma_semaphore, #tpu.memory_space<semaphore_mem>>
      %dma_start3A = tpu.memref_slice %arg3[%mul3A_2] : memref<401408xi32, #tpu.memory_space<hbm>> -> memref<12544xi32, #tpu.memory_space<hbm>>
      %dma_start3A_7 = tpu.memref_slice %arg3[%mul3A_2] : memref<401408xi32, #tpu.memory_space<hbm>> -> memref<12544xi32, #tpu.memory_space<hbm>>
      tpu.enqueue_dma source(%dma_start3A_7 : memref<12544xi32, #tpu.memory_space<hbm>>) target(%arg5 : memref<12544xi32, #tpu.memory_space<vmem>>) target_semaphore(%run_scoped3A : memref<!tpu.dma_semaphore, #tpu.memory_space<semaphore_mem>>)
      %dma_wait3A = tpu.memref_slice %arg3[%mul3A_2] : memref<401408xi32, #tpu.memory_space<hbm>> -> memref<12544xi32, #tpu.memory_space<hbm>>
      %dma_wait3A_8 = tpu.memref_slice %arg3[%mul3A_2] : memref<401408xi32, #tpu.memory_space<hbm>> -> memref<12544xi32, #tpu.memory_space<hbm>>
      tpu.wait_dma2 semaphore(%run_scoped3A : memref<!tpu.dma_semaphore, #tpu.memory_space<semaphore_mem>>) src(%dma_wait3A_8 : memref<12544xi32, #tpu.memory_space<hbm>>) dst(%arg5 : memref<12544xi32, #tpu.memory_space<vmem>>)
      tpu.yield
    }) : () -> ()
    %scan3A = arith.constant 0 : i32
    %scan3A_3 = arith.constant 196 : i32
    %scan3A_4 = arith.addi %scan3A, %scan3A_3 : i32
    %scan3A_5 = arith.constant 1 : i32
    scf.for %scan3A_7 = %scan3A to %scan3A_4 step %scan3A_5  : i32 {
      %mul3A_8 = arith.constant 1 : i32
      %mul3A_9 = arith.muli %scan3A_7, %mul3A_8 : i32
      %add3A_10 = arith.constant 0 : i32
      %add3A_11 = arith.addi %add3A_10, %mul3A_9 : i32
      %mul3A_12 = arith.constant 64 : i32
      %mul3A_13 = arith.muli %add3A_11, %mul3A_12 : i32
      %dma_start3A = tpu.memref_slice %arg5[%mul3A_13] : memref<12544xi32, #tpu.memory_space<vmem>> -> memref<64xi32, #tpu.memory_space<vmem>>
      %dma_start3A_14 = arith.constant 0 : i32
      %dma_start3A_15 = arith.constant 0 : i32
      %dma_start3A_16 = tpu.memref_slice %arg2[%dma_start3A_14, %dma_start3A_15] : memref<75008x128xf32, #tpu.memory_space<hbm>> -> memref<75008x128xf32, #tpu.memory_space<hbm>>
      tpu.enqueue_indirect_dma source(%dma_start3A_16 : memref<75008x128xf32, #tpu.memory_space<hbm>>) target(%arg6 : memref<64x128xf32, #tpu.memory_space<vmem>>) offsets(%dma_start3A : memref<64xi32, #tpu.memory_space<vmem>>) semaphore(%arg7 : memref<!tpu.dma_semaphore, #tpu.memory_space<semaphore_mem>>)
      %dma_wait3A = tpu.memref_slice %arg5[%mul3A_13] : memref<12544xi32, #tpu.memory_space<vmem>> -> memref<64xi32, #tpu.memory_space<vmem>>
      %dma_wait3A_17 = arith.constant 0 : i32
      %dma_wait3A_18 = arith.constant 0 : i32
      %dma_wait3A_19 = tpu.memref_slice %arg2[%dma_wait3A_17, %dma_wait3A_18] : memref<75008x128xf32, #tpu.memory_space<hbm>> -> memref<75008x128xf32, #tpu.memory_space<hbm>>
      tpu.wait_indirect_dma semaphore(%arg7 : memref<!tpu.dma_semaphore, #tpu.memory_space<semaphore_mem>>) src(%dma_wait3A_19 : memref<75008x128xf32, #tpu.memory_space<hbm>>) dst(%arg6 : memref<64x128xf32, #tpu.memory_space<vmem>>)
      %add3A_20 = arith.addi %mul3A_2, %mul3A_13 : i32
      "tpu.region"() ({
        %run_scoped3A = tpu.sem_alloc : memref<!tpu.dma_semaphore, #tpu.memory_space<semaphore_mem>>
        %dma_start3A_21 = arith.constant 0 : i32
        %dma_start3A_22 = tpu.memref_slice %arg4[%add3A_20, %dma_start3A_21] : memref<401408x128xf32, #tpu.memory_space<hbm>> -> memref<64x128xf32, #tpu.memory_space<hbm>>
        %dma_start3A_23 = arith.constant 0 : i32
        %dma_start3A_24 = tpu.memref_slice %arg4[%add3A_20, %dma_start3A_23] : memref<401408x128xf32, #tpu.memory_space<hbm>> -> memref<64x128xf32, #tpu.memory_space<hbm>>
        tpu.enqueue_dma source(%arg6 : memref<64x128xf32, #tpu.memory_space<vmem>>) target(%dma_start3A_24 : memref<64x128xf32, #tpu.memory_space<hbm>>) target_semaphore(%run_scoped3A : memref<!tpu.dma_semaphore, #tpu.memory_space<semaphore_mem>>)
        %dma_wait3A_25 = arith.constant 0 : i32
        %dma_wait3A_26 = tpu.memref_slice %arg4[%add3A_20, %dma_wait3A_25] : memref<401408x128xf32, #tpu.memory_space<hbm>> -> memref<64x128xf32, #tpu.memory_space<hbm>>
        %dma_wait3A_27 = arith.constant 0 : i32
        %dma_wait3A_28 = tpu.memref_slice %arg4[%add3A_20, %dma_wait3A_27] : memref<401408x128xf32, #tpu.memory_space<hbm>> -> memref<64x128xf32, #tpu.memory_space<hbm>>
        tpu.wait_dma2 semaphore(%run_scoped3A : memref<!tpu.dma_semaphore, #tpu.memory_space<semaphore_mem>>) src(%arg6 : memref<64x128xf32, #tpu.memory_space<vmem>>) dst(%dma_wait3A_28 : memref<64x128xf32, #tpu.memory_space<hbm>>)
        tpu.yield
      }) : () -> ()
    }
    %scan3A_6 = arith.constant 196 : i32
    return
  }
}

#map = affine_map<(d0, d1) -> (0, 0)>
#map1 = affine_map<(d0, d1) -> (0)>
module attributes {stable_mosaic.version = 14 : i64} {
  func.func @body(%arg0: i32, %arg1: i32, %arg2: memref<200000x128xf32, #tpu.memory_space<hbm>>, %arg3: memref<600064xi32, #tpu.memory_space<hbm>>, %arg4: memref<600064x128xf32, #tpu.memory_space<hbm>>, %arg5: memref<18752xi32, #tpu.memory_space<vmem>>, %arg6: memref<64x128xf32, #tpu.memory_space<vmem>>, %arg7: memref<!tpu.dma_semaphore, #tpu.memory_space<semaphore_mem>>) attributes {dimension_semantics = [#tpu.dimension_semantics<core_parallel>, #tpu.dimension_semantics<subcore_parallel>], iteration_bounds = array<i64: 2, 16>, scalar_prefetch = 0 : i64, scratch_operands = 3 : i64, tpu.core_type = #tpu.core_type<sc_vector_subcore>, window_params = [{transform_indices = #map}, {transform_indices = #map1}, {transform_indices = #map}]} {
    %mul3A = arith.constant 2 : i32
    %mul3A_0 = arith.muli %arg1, %mul3A : i32
    %add3A = arith.addi %mul3A_0, %arg0 : i32
    %mul3A_1 = arith.constant 18752 : i32
    %mul3A_2 = arith.muli %add3A, %mul3A_1 : i32
    "tpu.region"() ({
      %run_scoped3A = tpu.sem_alloc : memref<!tpu.dma_semaphore, #tpu.memory_space<semaphore_mem>>
      %dma_start3A = tpu.memref_slice %arg3[%mul3A_2] : memref<600064xi32, #tpu.memory_space<hbm>> -> memref<18752xi32, #tpu.memory_space<hbm>>
      %dma_start3A_7 = tpu.memref_slice %arg3[%mul3A_2] : memref<600064xi32, #tpu.memory_space<hbm>> -> memref<18752xi32, #tpu.memory_space<hbm>>
      tpu.enqueue_dma source(%dma_start3A_7 : memref<18752xi32, #tpu.memory_space<hbm>>) target(%arg5 : memref<18752xi32, #tpu.memory_space<vmem>>) target_semaphore(%run_scoped3A : memref<!tpu.dma_semaphore, #tpu.memory_space<semaphore_mem>>)
      %dma_wait3A = tpu.memref_slice %arg3[%mul3A_2] : memref<600064xi32, #tpu.memory_space<hbm>> -> memref<18752xi32, #tpu.memory_space<hbm>>
      %dma_wait3A_8 = tpu.memref_slice %arg3[%mul3A_2] : memref<600064xi32, #tpu.memory_space<hbm>> -> memref<18752xi32, #tpu.memory_space<hbm>>
      tpu.wait_dma2 semaphore(%run_scoped3A : memref<!tpu.dma_semaphore, #tpu.memory_space<semaphore_mem>>) src(%dma_wait3A_8 : memref<18752xi32, #tpu.memory_space<hbm>>) dst(%arg5 : memref<18752xi32, #tpu.memory_space<vmem>>)
      tpu.yield
    }) : () -> ()
    %scan3A = arith.constant 0 : i32
    %scan3A_3 = arith.constant 293 : i32
    %scan3A_4 = arith.addi %scan3A, %scan3A_3 : i32
    %scan3A_5 = arith.constant 1 : i32
    scf.for %scan3A_7 = %scan3A to %scan3A_4 step %scan3A_5  : i32 {
      %mul3A_8 = arith.constant 1 : i32
      %mul3A_9 = arith.muli %scan3A_7, %mul3A_8 : i32
      %add3A_10 = arith.constant 0 : i32
      %add3A_11 = arith.addi %add3A_10, %mul3A_9 : i32
      %mul3A_12 = arith.constant 64 : i32
      %mul3A_13 = arith.muli %add3A_11, %mul3A_12 : i32
      %dma_start3A = tpu.memref_slice %arg5[%mul3A_13] : memref<18752xi32, #tpu.memory_space<vmem>> -> memref<64xi32, #tpu.memory_space<vmem>>
      %dma_start3A_14 = arith.constant 0 : i32
      %dma_start3A_15 = arith.constant 0 : i32
      %dma_start3A_16 = tpu.memref_slice %arg2[%dma_start3A_14, %dma_start3A_15] : memref<200000x128xf32, #tpu.memory_space<hbm>> -> memref<200000x128xf32, #tpu.memory_space<hbm>>
      tpu.enqueue_indirect_dma source(%dma_start3A_16 : memref<200000x128xf32, #tpu.memory_space<hbm>>) target(%arg6 : memref<64x128xf32, #tpu.memory_space<vmem>>) offsets(%dma_start3A : memref<64xi32, #tpu.memory_space<vmem>>) semaphore(%arg7 : memref<!tpu.dma_semaphore, #tpu.memory_space<semaphore_mem>>)
      %dma_wait3A = tpu.memref_slice %arg5[%mul3A_13] : memref<18752xi32, #tpu.memory_space<vmem>> -> memref<64xi32, #tpu.memory_space<vmem>>
      %dma_wait3A_17 = arith.constant 0 : i32
      %dma_wait3A_18 = arith.constant 0 : i32
      %dma_wait3A_19 = tpu.memref_slice %arg2[%dma_wait3A_17, %dma_wait3A_18] : memref<200000x128xf32, #tpu.memory_space<hbm>> -> memref<200000x128xf32, #tpu.memory_space<hbm>>
      tpu.wait_indirect_dma semaphore(%arg7 : memref<!tpu.dma_semaphore, #tpu.memory_space<semaphore_mem>>) src(%dma_wait3A_19 : memref<200000x128xf32, #tpu.memory_space<hbm>>) dst(%arg6 : memref<64x128xf32, #tpu.memory_space<vmem>>)
      %add3A_20 = arith.addi %mul3A_2, %mul3A_13 : i32
      "tpu.region"() ({
        %run_scoped3A = tpu.sem_alloc : memref<!tpu.dma_semaphore, #tpu.memory_space<semaphore_mem>>
        %dma_start3A_21 = arith.constant 0 : i32
        %dma_start3A_22 = tpu.memref_slice %arg4[%add3A_20, %dma_start3A_21] : memref<600064x128xf32, #tpu.memory_space<hbm>> -> memref<64x128xf32, #tpu.memory_space<hbm>>
        %dma_start3A_23 = arith.constant 0 : i32
        %dma_start3A_24 = tpu.memref_slice %arg4[%add3A_20, %dma_start3A_23] : memref<600064x128xf32, #tpu.memory_space<hbm>> -> memref<64x128xf32, #tpu.memory_space<hbm>>
        tpu.enqueue_dma source(%arg6 : memref<64x128xf32, #tpu.memory_space<vmem>>) target(%dma_start3A_24 : memref<64x128xf32, #tpu.memory_space<hbm>>) target_semaphore(%run_scoped3A : memref<!tpu.dma_semaphore, #tpu.memory_space<semaphore_mem>>)
        %dma_wait3A_25 = arith.constant 0 : i32
        %dma_wait3A_26 = tpu.memref_slice %arg4[%add3A_20, %dma_wait3A_25] : memref<600064x128xf32, #tpu.memory_space<hbm>> -> memref<64x128xf32, #tpu.memory_space<hbm>>
        %dma_wait3A_27 = arith.constant 0 : i32
        %dma_wait3A_28 = tpu.memref_slice %arg4[%add3A_20, %dma_wait3A_27] : memref<600064x128xf32, #tpu.memory_space<hbm>> -> memref<64x128xf32, #tpu.memory_space<hbm>>
        tpu.wait_dma2 semaphore(%run_scoped3A : memref<!tpu.dma_semaphore, #tpu.memory_space<semaphore_mem>>) src(%arg6 : memref<64x128xf32, #tpu.memory_space<vmem>>) dst(%dma_wait3A_28 : memref<64x128xf32, #tpu.memory_space<hbm>>)
        tpu.yield
      }) : () -> ()
    }
    %scan3A_6 = arith.constant 293 : i32
    return
  }
}

#map = affine_map<(d0, d1) -> (0, 0)>
#map1 = affine_map<(d0, d1) -> (0)>
module attributes {stable_mosaic.version = 14 : i64} {
  func.func @body(%arg0: i32, %arg1: i32, %arg2: memref<100352x128xf32, #tpu.memory_space<hbm>>, %arg3: memref<401408xi32, #tpu.memory_space<hbm>>, %arg4: memref<401408x128xf32, #tpu.memory_space<hbm>>, %arg5: memref<12544xi32, #tpu.memory_space<vmem>>, %arg6: memref<64x128xf32, #tpu.memory_space<vmem>>, %arg7: memref<!tpu.dma_semaphore, #tpu.memory_space<semaphore_mem>>) attributes {dimension_semantics = [#tpu.dimension_semantics<core_parallel>, #tpu.dimension_semantics<subcore_parallel>], iteration_bounds = array<i64: 2, 16>, scalar_prefetch = 0 : i64, scratch_operands = 3 : i64, tpu.core_type = #tpu.core_type<sc_vector_subcore>, window_params = [{transform_indices = #map}, {transform_indices = #map1}, {transform_indices = #map}]} {
    %mul3A = arith.constant 2 : i32
    %mul3A_0 = arith.muli %arg1, %mul3A : i32
    %add3A = arith.addi %mul3A_0, %arg0 : i32
    %mul3A_1 = arith.constant 12544 : i32
    %mul3A_2 = arith.muli %add3A, %mul3A_1 : i32
    "tpu.region"() ({
      %run_scoped3A = tpu.sem_alloc : memref<!tpu.dma_semaphore, #tpu.memory_space<semaphore_mem>>
      %dma_start3A = tpu.memref_slice %arg3[%mul3A_2] : memref<401408xi32, #tpu.memory_space<hbm>> -> memref<12544xi32, #tpu.memory_space<hbm>>
      %dma_start3A_7 = tpu.memref_slice %arg3[%mul3A_2] : memref<401408xi32, #tpu.memory_space<hbm>> -> memref<12544xi32, #tpu.memory_space<hbm>>
      tpu.enqueue_dma source(%dma_start3A_7 : memref<12544xi32, #tpu.memory_space<hbm>>) target(%arg5 : memref<12544xi32, #tpu.memory_space<vmem>>) target_semaphore(%run_scoped3A : memref<!tpu.dma_semaphore, #tpu.memory_space<semaphore_mem>>)
      %dma_wait3A = tpu.memref_slice %arg3[%mul3A_2] : memref<401408xi32, #tpu.memory_space<hbm>> -> memref<12544xi32, #tpu.memory_space<hbm>>
      %dma_wait3A_8 = tpu.memref_slice %arg3[%mul3A_2] : memref<401408xi32, #tpu.memory_space<hbm>> -> memref<12544xi32, #tpu.memory_space<hbm>>
      tpu.wait_dma2 semaphore(%run_scoped3A : memref<!tpu.dma_semaphore, #tpu.memory_space<semaphore_mem>>) src(%dma_wait3A_8 : memref<12544xi32, #tpu.memory_space<hbm>>) dst(%arg5 : memref<12544xi32, #tpu.memory_space<vmem>>)
      tpu.yield
    }) : () -> ()
    %scan3A = arith.constant 0 : i32
    %scan3A_3 = arith.constant 196 : i32
    %scan3A_4 = arith.addi %scan3A, %scan3A_3 : i32
    %scan3A_5 = arith.constant 1 : i32
    scf.for %scan3A_7 = %scan3A to %scan3A_4 step %scan3A_5  : i32 {
      %mul3A_8 = arith.constant 1 : i32
      %mul3A_9 = arith.muli %scan3A_7, %mul3A_8 : i32
      %add3A_10 = arith.constant 0 : i32
      %add3A_11 = arith.addi %add3A_10, %mul3A_9 : i32
      %mul3A_12 = arith.constant 64 : i32
      %mul3A_13 = arith.muli %add3A_11, %mul3A_12 : i32
      %dma_start3A = tpu.memref_slice %arg5[%mul3A_13] : memref<12544xi32, #tpu.memory_space<vmem>> -> memref<64xi32, #tpu.memory_space<vmem>>
      %dma_start3A_14 = arith.constant 0 : i32
      %dma_start3A_15 = arith.constant 0 : i32
      %dma_start3A_16 = tpu.memref_slice %arg2[%dma_start3A_14, %dma_start3A_15] : memref<100352x128xf32, #tpu.memory_space<hbm>> -> memref<100352x128xf32, #tpu.memory_space<hbm>>
      tpu.enqueue_indirect_dma source(%dma_start3A_16 : memref<100352x128xf32, #tpu.memory_space<hbm>>) target(%arg6 : memref<64x128xf32, #tpu.memory_space<vmem>>) offsets(%dma_start3A : memref<64xi32, #tpu.memory_space<vmem>>) semaphore(%arg7 : memref<!tpu.dma_semaphore, #tpu.memory_space<semaphore_mem>>)
      %dma_wait3A = tpu.memref_slice %arg5[%mul3A_13] : memref<12544xi32, #tpu.memory_space<vmem>> -> memref<64xi32, #tpu.memory_space<vmem>>
      %dma_wait3A_17 = arith.constant 0 : i32
      %dma_wait3A_18 = arith.constant 0 : i32
      %dma_wait3A_19 = tpu.memref_slice %arg2[%dma_wait3A_17, %dma_wait3A_18] : memref<100352x128xf32, #tpu.memory_space<hbm>> -> memref<100352x128xf32, #tpu.memory_space<hbm>>
      tpu.wait_indirect_dma semaphore(%arg7 : memref<!tpu.dma_semaphore, #tpu.memory_space<semaphore_mem>>) src(%dma_wait3A_19 : memref<100352x128xf32, #tpu.memory_space<hbm>>) dst(%arg6 : memref<64x128xf32, #tpu.memory_space<vmem>>)
      %add3A_20 = arith.addi %mul3A_2, %mul3A_13 : i32
      "tpu.region"() ({
        %run_scoped3A = tpu.sem_alloc : memref<!tpu.dma_semaphore, #tpu.memory_space<semaphore_mem>>
        %dma_start3A_21 = arith.constant 0 : i32
        %dma_start3A_22 = tpu.memref_slice %arg4[%add3A_20, %dma_start3A_21] : memref<401408x128xf32, #tpu.memory_space<hbm>> -> memref<64x128xf32, #tpu.memory_space<hbm>>
        %dma_start3A_23 = arith.constant 0 : i32
        %dma_start3A_24 = tpu.memref_slice %arg4[%add3A_20, %dma_start3A_23] : memref<401408x128xf32, #tpu.memory_space<hbm>> -> memref<64x128xf32, #tpu.memory_space<hbm>>
        tpu.enqueue_dma source(%arg6 : memref<64x128xf32, #tpu.memory_space<vmem>>) target(%dma_start3A_24 : memref<64x128xf32, #tpu.memory_space<hbm>>) target_semaphore(%run_scoped3A : memref<!tpu.dma_semaphore, #tpu.memory_space<semaphore_mem>>)
        %dma_wait3A_25 = arith.constant 0 : i32
        %dma_wait3A_26 = tpu.memref_slice %arg4[%add3A_20, %dma_wait3A_25] : memref<401408x128xf32, #tpu.memory_space<hbm>> -> memref<64x128xf32, #tpu.memory_space<hbm>>
        %dma_wait3A_27 = arith.constant 0 : i32
        %dma_wait3A_28 = tpu.memref_slice %arg4[%add3A_20, %dma_wait3A_27] : memref<401408x128xf32, #tpu.memory_space<hbm>> -> memref<64x128xf32, #tpu.memory_space<hbm>>
        tpu.wait_dma2 semaphore(%run_scoped3A : memref<!tpu.dma_semaphore, #tpu.memory_space<semaphore_mem>>) src(%arg6 : memref<64x128xf32, #tpu.memory_space<vmem>>) dst(%dma_wait3A_28 : memref<64x128xf32, #tpu.memory_space<hbm>>)
        tpu.yield
      }) : () -> ()
    }
    %scan3A_6 = arith.constant 196 : i32
    return
  }
}

#map = affine_map<(d0, d1) -> (0, 0)>
#map1 = affine_map<(d0, d1) -> (0)>
module attributes {stable_mosaic.version = 14 : i64} {
  func.func @body(%arg0: i32, %arg1: i32, %arg2: memref<75008x128xf32, #tpu.memory_space<hbm>>, %arg3: memref<200704xi32, #tpu.memory_space<hbm>>, %arg4: memref<200704x128xf32, #tpu.memory_space<hbm>>, %arg5: memref<6272xi32, #tpu.memory_space<vmem>>, %arg6: memref<64x128xf32, #tpu.memory_space<vmem>>, %arg7: memref<!tpu.dma_semaphore, #tpu.memory_space<semaphore_mem>>) attributes {dimension_semantics = [#tpu.dimension_semantics<core_parallel>, #tpu.dimension_semantics<subcore_parallel>], iteration_bounds = array<i64: 2, 16>, scalar_prefetch = 0 : i64, scratch_operands = 3 : i64, tpu.core_type = #tpu.core_type<sc_vector_subcore>, window_params = [{transform_indices = #map}, {transform_indices = #map1}, {transform_indices = #map}]} {
    %mul3A = arith.constant 2 : i32
    %mul3A_0 = arith.muli %arg1, %mul3A : i32
    %add3A = arith.addi %mul3A_0, %arg0 : i32
    %mul3A_1 = arith.constant 6272 : i32
    %mul3A_2 = arith.muli %add3A, %mul3A_1 : i32
    "tpu.region"() ({
      %run_scoped3A = tpu.sem_alloc : memref<!tpu.dma_semaphore, #tpu.memory_space<semaphore_mem>>
      %dma_start3A = tpu.memref_slice %arg3[%mul3A_2] : memref<200704xi32, #tpu.memory_space<hbm>> -> memref<6272xi32, #tpu.memory_space<hbm>>
      %dma_start3A_7 = tpu.memref_slice %arg3[%mul3A_2] : memref<200704xi32, #tpu.memory_space<hbm>> -> memref<6272xi32, #tpu.memory_space<hbm>>
      tpu.enqueue_dma source(%dma_start3A_7 : memref<6272xi32, #tpu.memory_space<hbm>>) target(%arg5 : memref<6272xi32, #tpu.memory_space<vmem>>) target_semaphore(%run_scoped3A : memref<!tpu.dma_semaphore, #tpu.memory_space<semaphore_mem>>)
      %dma_wait3A = tpu.memref_slice %arg3[%mul3A_2] : memref<200704xi32, #tpu.memory_space<hbm>> -> memref<6272xi32, #tpu.memory_space<hbm>>
      %dma_wait3A_8 = tpu.memref_slice %arg3[%mul3A_2] : memref<200704xi32, #tpu.memory_space<hbm>> -> memref<6272xi32, #tpu.memory_space<hbm>>
      tpu.wait_dma2 semaphore(%run_scoped3A : memref<!tpu.dma_semaphore, #tpu.memory_space<semaphore_mem>>) src(%dma_wait3A_8 : memref<6272xi32, #tpu.memory_space<hbm>>) dst(%arg5 : memref<6272xi32, #tpu.memory_space<vmem>>)
      tpu.yield
    }) : () -> ()
    %scan3A = arith.constant 0 : i32
    %scan3A_3 = arith.constant 98 : i32
    %scan3A_4 = arith.addi %scan3A, %scan3A_3 : i32
    %scan3A_5 = arith.constant 1 : i32
    scf.for %scan3A_7 = %scan3A to %scan3A_4 step %scan3A_5  : i32 {
      %mul3A_8 = arith.constant 1 : i32
      %mul3A_9 = arith.muli %scan3A_7, %mul3A_8 : i32
      %add3A_10 = arith.constant 0 : i32
      %add3A_11 = arith.addi %add3A_10, %mul3A_9 : i32
      %mul3A_12 = arith.constant 64 : i32
      %mul3A_13 = arith.muli %add3A_11, %mul3A_12 : i32
      %dma_start3A = tpu.memref_slice %arg5[%mul3A_13] : memref<6272xi32, #tpu.memory_space<vmem>> -> memref<64xi32, #tpu.memory_space<vmem>>
      %dma_start3A_14 = arith.constant 0 : i32
      %dma_start3A_15 = arith.constant 0 : i32
      %dma_start3A_16 = tpu.memref_slice %arg2[%dma_start3A_14, %dma_start3A_15] : memref<75008x128xf32, #tpu.memory_space<hbm>> -> memref<75008x128xf32, #tpu.memory_space<hbm>>
      tpu.enqueue_indirect_dma source(%dma_start3A_16 : memref<75008x128xf32, #tpu.memory_space<hbm>>) target(%arg6 : memref<64x128xf32, #tpu.memory_space<vmem>>) offsets(%dma_start3A : memref<64xi32, #tpu.memory_space<vmem>>) semaphore(%arg7 : memref<!tpu.dma_semaphore, #tpu.memory_space<semaphore_mem>>)
      %dma_wait3A = tpu.memref_slice %arg5[%mul3A_13] : memref<6272xi32, #tpu.memory_space<vmem>> -> memref<64xi32, #tpu.memory_space<vmem>>
      %dma_wait3A_17 = arith.constant 0 : i32
      %dma_wait3A_18 = arith.constant 0 : i32
      %dma_wait3A_19 = tpu.memref_slice %arg2[%dma_wait3A_17, %dma_wait3A_18] : memref<75008x128xf32, #tpu.memory_space<hbm>> -> memref<75008x128xf32, #tpu.memory_space<hbm>>
      tpu.wait_indirect_dma semaphore(%arg7 : memref<!tpu.dma_semaphore, #tpu.memory_space<semaphore_mem>>) src(%dma_wait3A_19 : memref<75008x128xf32, #tpu.memory_space<hbm>>) dst(%arg6 : memref<64x128xf32, #tpu.memory_space<vmem>>)
      %add3A_20 = arith.addi %mul3A_2, %mul3A_13 : i32
      "tpu.region"() ({
        %run_scoped3A = tpu.sem_alloc : memref<!tpu.dma_semaphore, #tpu.memory_space<semaphore_mem>>
        %dma_start3A_21 = arith.constant 0 : i32
        %dma_start3A_22 = tpu.memref_slice %arg4[%add3A_20, %dma_start3A_21] : memref<200704x128xf32, #tpu.memory_space<hbm>> -> memref<64x128xf32, #tpu.memory_space<hbm>>
        %dma_start3A_23 = arith.constant 0 : i32
        %dma_start3A_24 = tpu.memref_slice %arg4[%add3A_20, %dma_start3A_23] : memref<200704x128xf32, #tpu.memory_space<hbm>> -> memref<64x128xf32, #tpu.memory_space<hbm>>
        tpu.enqueue_dma source(%arg6 : memref<64x128xf32, #tpu.memory_space<vmem>>) target(%dma_start3A_24 : memref<64x128xf32, #tpu.memory_space<hbm>>) target_semaphore(%run_scoped3A : memref<!tpu.dma_semaphore, #tpu.memory_space<semaphore_mem>>)
        %dma_wait3A_25 = arith.constant 0 : i32
        %dma_wait3A_26 = tpu.memref_slice %arg4[%add3A_20, %dma_wait3A_25] : memref<200704x128xf32, #tpu.memory_space<hbm>> -> memref<64x128xf32, #tpu.memory_space<hbm>>
        %dma_wait3A_27 = arith.constant 0 : i32
        %dma_wait3A_28 = tpu.memref_slice %arg4[%add3A_20, %dma_wait3A_27] : memref<200704x128xf32, #tpu.memory_space<hbm>> -> memref<64x128xf32, #tpu.memory_space<hbm>>
        tpu.wait_dma2 semaphore(%run_scoped3A : memref<!tpu.dma_semaphore, #tpu.memory_space<semaphore_mem>>) src(%arg6 : memref<64x128xf32, #tpu.memory_space<vmem>>) dst(%dma_wait3A_28 : memref<64x128xf32, #tpu.memory_space<hbm>>)
        tpu.yield
      }) : () -> ()
    }
    %scan3A_6 = arith.constant 98 : i32
    return
  }
}

#map = affine_map<(d0, d1) -> (0, 0)>
#map1 = affine_map<(d0, d1) -> (0)>
module attributes {stable_mosaic.version = 14 : i64} {
  func.func @body(%arg0: i32, %arg1: i32, %arg2: memref<75008x16xf32, #tpu.memory_space<hbm>>, %arg3: memref<200704xi32, #tpu.memory_space<hbm>>, %arg4: memref<200704x16xf32, #tpu.memory_space<hbm>>, %arg5: memref<6272xi32, #tpu.memory_space<vmem>>, %arg6: memref<64x16xf32, #tpu.memory_space<vmem>>, %arg7: memref<!tpu.dma_semaphore, #tpu.memory_space<semaphore_mem>>) attributes {dimension_semantics = [#tpu.dimension_semantics<core_parallel>, #tpu.dimension_semantics<subcore_parallel>], iteration_bounds = array<i64: 2, 16>, scalar_prefetch = 0 : i64, scratch_operands = 3 : i64, tpu.core_type = #tpu.core_type<sc_vector_subcore>, window_params = [{transform_indices = #map}, {transform_indices = #map1}, {transform_indices = #map}]} {
    %mul3A = arith.constant 2 : i32
    %mul3A_0 = arith.muli %arg1, %mul3A : i32
    %add3A = arith.addi %mul3A_0, %arg0 : i32
    %mul3A_1 = arith.constant 6272 : i32
    %mul3A_2 = arith.muli %add3A, %mul3A_1 : i32
    "tpu.region"() ({
      %run_scoped3A = tpu.sem_alloc : memref<!tpu.dma_semaphore, #tpu.memory_space<semaphore_mem>>
      %dma_start3A = tpu.memref_slice %arg3[%mul3A_2] : memref<200704xi32, #tpu.memory_space<hbm>> -> memref<6272xi32, #tpu.memory_space<hbm>>
      %dma_start3A_7 = tpu.memref_slice %arg3[%mul3A_2] : memref<200704xi32, #tpu.memory_space<hbm>> -> memref<6272xi32, #tpu.memory_space<hbm>>
      tpu.enqueue_dma source(%dma_start3A_7 : memref<6272xi32, #tpu.memory_space<hbm>>) target(%arg5 : memref<6272xi32, #tpu.memory_space<vmem>>) target_semaphore(%run_scoped3A : memref<!tpu.dma_semaphore, #tpu.memory_space<semaphore_mem>>)
      %dma_wait3A = tpu.memref_slice %arg3[%mul3A_2] : memref<200704xi32, #tpu.memory_space<hbm>> -> memref<6272xi32, #tpu.memory_space<hbm>>
      %dma_wait3A_8 = tpu.memref_slice %arg3[%mul3A_2] : memref<200704xi32, #tpu.memory_space<hbm>> -> memref<6272xi32, #tpu.memory_space<hbm>>
      tpu.wait_dma2 semaphore(%run_scoped3A : memref<!tpu.dma_semaphore, #tpu.memory_space<semaphore_mem>>) src(%dma_wait3A_8 : memref<6272xi32, #tpu.memory_space<hbm>>) dst(%arg5 : memref<6272xi32, #tpu.memory_space<vmem>>)
      tpu.yield
    }) : () -> ()
    %scan3A = arith.constant 0 : i32
    %scan3A_3 = arith.constant 98 : i32
    %scan3A_4 = arith.addi %scan3A, %scan3A_3 : i32
    %scan3A_5 = arith.constant 1 : i32
    scf.for %scan3A_7 = %scan3A to %scan3A_4 step %scan3A_5  : i32 {
      %mul3A_8 = arith.constant 1 : i32
      %mul3A_9 = arith.muli %scan3A_7, %mul3A_8 : i32
      %add3A_10 = arith.constant 0 : i32
      %add3A_11 = arith.addi %add3A_10, %mul3A_9 : i32
      %mul3A_12 = arith.constant 64 : i32
      %mul3A_13 = arith.muli %add3A_11, %mul3A_12 : i32
      %dma_start3A = tpu.memref_slice %arg5[%mul3A_13] : memref<6272xi32, #tpu.memory_space<vmem>> -> memref<64xi32, #tpu.memory_space<vmem>>
      %dma_start3A_14 = arith.constant 0 : i32
      %dma_start3A_15 = arith.constant 0 : i32
      %dma_start3A_16 = tpu.memref_slice %arg2[%dma_start3A_14, %dma_start3A_15] : memref<75008x16xf32, #tpu.memory_space<hbm>> -> memref<75008x16xf32, #tpu.memory_space<hbm>>
      tpu.enqueue_indirect_dma source(%dma_start3A_16 : memref<75008x16xf32, #tpu.memory_space<hbm>>) target(%arg6 : memref<64x16xf32, #tpu.memory_space<vmem>>) offsets(%dma_start3A : memref<64xi32, #tpu.memory_space<vmem>>) semaphore(%arg7 : memref<!tpu.dma_semaphore, #tpu.memory_space<semaphore_mem>>)
      %dma_wait3A = tpu.memref_slice %arg5[%mul3A_13] : memref<6272xi32, #tpu.memory_space<vmem>> -> memref<64xi32, #tpu.memory_space<vmem>>
      %dma_wait3A_17 = arith.constant 0 : i32
      %dma_wait3A_18 = arith.constant 0 : i32
      %dma_wait3A_19 = tpu.memref_slice %arg2[%dma_wait3A_17, %dma_wait3A_18] : memref<75008x16xf32, #tpu.memory_space<hbm>> -> memref<75008x16xf32, #tpu.memory_space<hbm>>
      tpu.wait_indirect_dma semaphore(%arg7 : memref<!tpu.dma_semaphore, #tpu.memory_space<semaphore_mem>>) src(%dma_wait3A_19 : memref<75008x16xf32, #tpu.memory_space<hbm>>) dst(%arg6 : memref<64x16xf32, #tpu.memory_space<vmem>>)
      %add3A_20 = arith.addi %mul3A_2, %mul3A_13 : i32
      "tpu.region"() ({
        %run_scoped3A = tpu.sem_alloc : memref<!tpu.dma_semaphore, #tpu.memory_space<semaphore_mem>>
        %dma_start3A_21 = arith.constant 0 : i32
        %dma_start3A_22 = tpu.memref_slice %arg4[%add3A_20, %dma_start3A_21] : memref<200704x16xf32, #tpu.memory_space<hbm>> -> memref<64x16xf32, #tpu.memory_space<hbm>>
        %dma_start3A_23 = arith.constant 0 : i32
        %dma_start3A_24 = tpu.memref_slice %arg4[%add3A_20, %dma_start3A_23] : memref<200704x16xf32, #tpu.memory_space<hbm>> -> memref<64x16xf32, #tpu.memory_space<hbm>>
        tpu.enqueue_dma source(%arg6 : memref<64x16xf32, #tpu.memory_space<vmem>>) target(%dma_start3A_24 : memref<64x16xf32, #tpu.memory_space<hbm>>) target_semaphore(%run_scoped3A : memref<!tpu.dma_semaphore, #tpu.memory_space<semaphore_mem>>)
        %dma_wait3A_25 = arith.constant 0 : i32
        %dma_wait3A_26 = tpu.memref_slice %arg4[%add3A_20, %dma_wait3A_25] : memref<200704x16xf32, #tpu.memory_space<hbm>> -> memref<64x16xf32, #tpu.memory_space<hbm>>
        %dma_wait3A_27 = arith.constant 0 : i32
        %dma_wait3A_28 = tpu.memref_slice %arg4[%add3A_20, %dma_wait3A_27] : memref<200704x16xf32, #tpu.memory_space<hbm>> -> memref<64x16xf32, #tpu.memory_space<hbm>>
        tpu.wait_dma2 semaphore(%run_scoped3A : memref<!tpu.dma_semaphore, #tpu.memory_space<semaphore_mem>>) src(%arg6 : memref<64x16xf32, #tpu.memory_space<vmem>>) dst(%dma_wait3A_28 : memref<64x16xf32, #tpu.memory_space<hbm>>)
        tpu.yield
      }) : () -> ()
    }
    %scan3A_6 = arith.constant 98 : i32
    return
  }
}

#map = affine_map<(d0, d1) -> (0, 0)>
#map1 = affine_map<(d0, d1) -> (0)>
module attributes {stable_mosaic.version = 14 : i64} {
  func.func @body(%arg0: i32, %arg1: i32, %arg2: memref<100352x128xf32, #tpu.memory_space<hbm>>, %arg3: memref<200704xi32, #tpu.memory_space<hbm>>, %arg4: memref<200704x128xf32, #tpu.memory_space<hbm>>, %arg5: memref<6272xi32, #tpu.memory_space<vmem>>, %arg6: memref<64x128xf32, #tpu.memory_space<vmem>>, %arg7: memref<!tpu.dma_semaphore, #tpu.memory_space<semaphore_mem>>) attributes {dimension_semantics = [#tpu.dimension_semantics<core_parallel>, #tpu.dimension_semantics<subcore_parallel>], iteration_bounds = array<i64: 2, 16>, scalar_prefetch = 0 : i64, scratch_operands = 3 : i64, tpu.core_type = #tpu.core_type<sc_vector_subcore>, window_params = [{transform_indices = #map}, {transform_indices = #map1}, {transform_indices = #map}]} {
    %mul3A = arith.constant 2 : i32
    %mul3A_0 = arith.muli %arg1, %mul3A : i32
    %add3A = arith.addi %mul3A_0, %arg0 : i32
    %mul3A_1 = arith.constant 6272 : i32
    %mul3A_2 = arith.muli %add3A, %mul3A_1 : i32
    "tpu.region"() ({
      %run_scoped3A = tpu.sem_alloc : memref<!tpu.dma_semaphore, #tpu.memory_space<semaphore_mem>>
      %dma_start3A = tpu.memref_slice %arg3[%mul3A_2] : memref<200704xi32, #tpu.memory_space<hbm>> -> memref<6272xi32, #tpu.memory_space<hbm>>
      %dma_start3A_7 = tpu.memref_slice %arg3[%mul3A_2] : memref<200704xi32, #tpu.memory_space<hbm>> -> memref<6272xi32, #tpu.memory_space<hbm>>
      tpu.enqueue_dma source(%dma_start3A_7 : memref<6272xi32, #tpu.memory_space<hbm>>) target(%arg5 : memref<6272xi32, #tpu.memory_space<vmem>>) target_semaphore(%run_scoped3A : memref<!tpu.dma_semaphore, #tpu.memory_space<semaphore_mem>>)
      %dma_wait3A = tpu.memref_slice %arg3[%mul3A_2] : memref<200704xi32, #tpu.memory_space<hbm>> -> memref<6272xi32, #tpu.memory_space<hbm>>
      %dma_wait3A_8 = tpu.memref_slice %arg3[%mul3A_2] : memref<200704xi32, #tpu.memory_space<hbm>> -> memref<6272xi32, #tpu.memory_space<hbm>>
      tpu.wait_dma2 semaphore(%run_scoped3A : memref<!tpu.dma_semaphore, #tpu.memory_space<semaphore_mem>>) src(%dma_wait3A_8 : memref<6272xi32, #tpu.memory_space<hbm>>) dst(%arg5 : memref<6272xi32, #tpu.memory_space<vmem>>)
      tpu.yield
    }) : () -> ()
    %scan3A = arith.constant 0 : i32
    %scan3A_3 = arith.constant 98 : i32
    %scan3A_4 = arith.addi %scan3A, %scan3A_3 : i32
    %scan3A_5 = arith.constant 1 : i32
    scf.for %scan3A_7 = %scan3A to %scan3A_4 step %scan3A_5  : i32 {
      %mul3A_8 = arith.constant 1 : i32
      %mul3A_9 = arith.muli %scan3A_7, %mul3A_8 : i32
      %add3A_10 = arith.constant 0 : i32
      %add3A_11 = arith.addi %add3A_10, %mul3A_9 : i32
      %mul3A_12 = arith.constant 64 : i32
      %mul3A_13 = arith.muli %add3A_11, %mul3A_12 : i32
      %dma_start3A = tpu.memref_slice %arg5[%mul3A_13] : memref<6272xi32, #tpu.memory_space<vmem>> -> memref<64xi32, #tpu.memory_space<vmem>>
      %dma_start3A_14 = arith.constant 0 : i32
      %dma_start3A_15 = arith.constant 0 : i32
      %dma_start3A_16 = tpu.memref_slice %arg2[%dma_start3A_14, %dma_start3A_15] : memref<100352x128xf32, #tpu.memory_space<hbm>> -> memref<100352x128xf32, #tpu.memory_space<hbm>>
      tpu.enqueue_indirect_dma source(%dma_start3A_16 : memref<100352x128xf32, #tpu.memory_space<hbm>>) target(%arg6 : memref<64x128xf32, #tpu.memory_space<vmem>>) offsets(%dma_start3A : memref<64xi32, #tpu.memory_space<vmem>>) semaphore(%arg7 : memref<!tpu.dma_semaphore, #tpu.memory_space<semaphore_mem>>)
      %dma_wait3A = tpu.memref_slice %arg5[%mul3A_13] : memref<6272xi32, #tpu.memory_space<vmem>> -> memref<64xi32, #tpu.memory_space<vmem>>
      %dma_wait3A_17 = arith.constant 0 : i32
      %dma_wait3A_18 = arith.constant 0 : i32
      %dma_wait3A_19 = tpu.memref_slice %arg2[%dma_wait3A_17, %dma_wait3A_18] : memref<100352x128xf32, #tpu.memory_space<hbm>> -> memref<100352x128xf32, #tpu.memory_space<hbm>>
      tpu.wait_indirect_dma semaphore(%arg7 : memref<!tpu.dma_semaphore, #tpu.memory_space<semaphore_mem>>) src(%dma_wait3A_19 : memref<100352x128xf32, #tpu.memory_space<hbm>>) dst(%arg6 : memref<64x128xf32, #tpu.memory_space<vmem>>)
      %add3A_20 = arith.addi %mul3A_2, %mul3A_13 : i32
      "tpu.region"() ({
        %run_scoped3A = tpu.sem_alloc : memref<!tpu.dma_semaphore, #tpu.memory_space<semaphore_mem>>
        %dma_start3A_21 = arith.constant 0 : i32
        %dma_start3A_22 = tpu.memref_slice %arg4[%add3A_20, %dma_start3A_21] : memref<200704x128xf32, #tpu.memory_space<hbm>> -> memref<64x128xf32, #tpu.memory_space<hbm>>
        %dma_start3A_23 = arith.constant 0 : i32
        %dma_start3A_24 = tpu.memref_slice %arg4[%add3A_20, %dma_start3A_23] : memref<200704x128xf32, #tpu.memory_space<hbm>> -> memref<64x128xf32, #tpu.memory_space<hbm>>
        tpu.enqueue_dma source(%arg6 : memref<64x128xf32, #tpu.memory_space<vmem>>) target(%dma_start3A_24 : memref<64x128xf32, #tpu.memory_space<hbm>>) target_semaphore(%run_scoped3A : memref<!tpu.dma_semaphore, #tpu.memory_space<semaphore_mem>>)
        %dma_wait3A_25 = arith.constant 0 : i32
        %dma_wait3A_26 = tpu.memref_slice %arg4[%add3A_20, %dma_wait3A_25] : memref<200704x128xf32, #tpu.memory_space<hbm>> -> memref<64x128xf32, #tpu.memory_space<hbm>>
        %dma_wait3A_27 = arith.constant 0 : i32
        %dma_wait3A_28 = tpu.memref_slice %arg4[%add3A_20, %dma_wait3A_27] : memref<200704x128xf32, #tpu.memory_space<hbm>> -> memref<64x128xf32, #tpu.memory_space<hbm>>
        tpu.wait_dma2 semaphore(%run_scoped3A : memref<!tpu.dma_semaphore, #tpu.memory_space<semaphore_mem>>) src(%arg6 : memref<64x128xf32, #tpu.memory_space<vmem>>) dst(%dma_wait3A_28 : memref<64x128xf32, #tpu.memory_space<hbm>>)
        tpu.yield
      }) : () -> ()
    }
    %scan3A_6 = arith.constant 98 : i32
    return
  }
}

#map = affine_map<(d0, d1) -> (0, 0)>
#map1 = affine_map<(d0, d1) -> (0)>
module attributes {stable_mosaic.version = 14 : i64} {
  func.func @body(%arg0: i32, %arg1: i32, %arg2: memref<50176x128xf32, #tpu.memory_space<hbm>>, %arg3: memref<32768xi32, #tpu.memory_space<hbm>>, %arg4: memref<32768x128xf32, #tpu.memory_space<hbm>>, %arg5: memref<1024xi32, #tpu.memory_space<vmem>>, %arg6: memref<64x128xf32, #tpu.memory_space<vmem>>, %arg7: memref<!tpu.dma_semaphore, #tpu.memory_space<semaphore_mem>>) attributes {dimension_semantics = [#tpu.dimension_semantics<core_parallel>, #tpu.dimension_semantics<subcore_parallel>], iteration_bounds = array<i64: 2, 16>, scalar_prefetch = 0 : i64, scratch_operands = 3 : i64, tpu.core_type = #tpu.core_type<sc_vector_subcore>, window_params = [{transform_indices = #map}, {transform_indices = #map1}, {transform_indices = #map}]} {
    %mul3A = arith.constant 2 : i32
    %mul3A_0 = arith.muli %arg1, %mul3A : i32
    %add3A = arith.addi %mul3A_0, %arg0 : i32
    %mul3A_1 = arith.constant 1024 : i32
    %mul3A_2 = arith.muli %add3A, %mul3A_1 : i32
    "tpu.region"() ({
      %run_scoped3A = tpu.sem_alloc : memref<!tpu.dma_semaphore, #tpu.memory_space<semaphore_mem>>
      %dma_start3A = tpu.memref_slice %arg3[%mul3A_2] : memref<32768xi32, #tpu.memory_space<hbm>> -> memref<1024xi32, #tpu.memory_space<hbm>>
      %dma_start3A_7 = tpu.memref_slice %arg3[%mul3A_2] : memref<32768xi32, #tpu.memory_space<hbm>> -> memref<1024xi32, #tpu.memory_space<hbm>>
      tpu.enqueue_dma source(%dma_start3A_7 : memref<1024xi32, #tpu.memory_space<hbm>>) target(%arg5 : memref<1024xi32, #tpu.memory_space<vmem>>) target_semaphore(%run_scoped3A : memref<!tpu.dma_semaphore, #tpu.memory_space<semaphore_mem>>)
      %dma_wait3A = tpu.memref_slice %arg3[%mul3A_2] : memref<32768xi32, #tpu.memory_space<hbm>> -> memref<1024xi32, #tpu.memory_space<hbm>>
      %dma_wait3A_8 = tpu.memref_slice %arg3[%mul3A_2] : memref<32768xi32, #tpu.memory_space<hbm>> -> memref<1024xi32, #tpu.memory_space<hbm>>
      tpu.wait_dma2 semaphore(%run_scoped3A : memref<!tpu.dma_semaphore, #tpu.memory_space<semaphore_mem>>) src(%dma_wait3A_8 : memref<1024xi32, #tpu.memory_space<hbm>>) dst(%arg5 : memref<1024xi32, #tpu.memory_space<vmem>>)
      tpu.yield
    }) : () -> ()
    %scan3A = arith.constant 0 : i32
    %scan3A_3 = arith.constant 16 : i32
    %scan3A_4 = arith.addi %scan3A, %scan3A_3 : i32
    %scan3A_5 = arith.constant 1 : i32
    scf.for %scan3A_7 = %scan3A to %scan3A_4 step %scan3A_5  : i32 {
      %mul3A_8 = arith.constant 1 : i32
      %mul3A_9 = arith.muli %scan3A_7, %mul3A_8 : i32
      %add3A_10 = arith.constant 0 : i32
      %add3A_11 = arith.addi %add3A_10, %mul3A_9 : i32
      %mul3A_12 = arith.constant 64 : i32
      %mul3A_13 = arith.muli %add3A_11, %mul3A_12 : i32
      %dma_start3A = tpu.memref_slice %arg5[%mul3A_13] : memref<1024xi32, #tpu.memory_space<vmem>> -> memref<64xi32, #tpu.memory_space<vmem>>
      %dma_start3A_14 = arith.constant 0 : i32
      %dma_start3A_15 = arith.constant 0 : i32
      %dma_start3A_16 = tpu.memref_slice %arg2[%dma_start3A_14, %dma_start3A_15] : memref<50176x128xf32, #tpu.memory_space<hbm>> -> memref<50176x128xf32, #tpu.memory_space<hbm>>
      tpu.enqueue_indirect_dma source(%dma_start3A_16 : memref<50176x128xf32, #tpu.memory_space<hbm>>) target(%arg6 : memref<64x128xf32, #tpu.memory_space<vmem>>) offsets(%dma_start3A : memref<64xi32, #tpu.memory_space<vmem>>) semaphore(%arg7 : memref<!tpu.dma_semaphore, #tpu.memory_space<semaphore_mem>>)
      %dma_wait3A = tpu.memref_slice %arg5[%mul3A_13] : memref<1024xi32, #tpu.memory_space<vmem>> -> memref<64xi32, #tpu.memory_space<vmem>>
      %dma_wait3A_17 = arith.constant 0 : i32
      %dma_wait3A_18 = arith.constant 0 : i32
      %dma_wait3A_19 = tpu.memref_slice %arg2[%dma_wait3A_17, %dma_wait3A_18] : memref<50176x128xf32, #tpu.memory_space<hbm>> -> memref<50176x128xf32, #tpu.memory_space<hbm>>
      tpu.wait_indirect_dma semaphore(%arg7 : memref<!tpu.dma_semaphore, #tpu.memory_space<semaphore_mem>>) src(%dma_wait3A_19 : memref<50176x128xf32, #tpu.memory_space<hbm>>) dst(%arg6 : memref<64x128xf32, #tpu.memory_space<vmem>>)
      %add3A_20 = arith.addi %mul3A_2, %mul3A_13 : i32
      "tpu.region"() ({
        %run_scoped3A = tpu.sem_alloc : memref<!tpu.dma_semaphore, #tpu.memory_space<semaphore_mem>>
        %dma_start3A_21 = arith.constant 0 : i32
        %dma_start3A_22 = tpu.memref_slice %arg4[%add3A_20, %dma_start3A_21] : memref<32768x128xf32, #tpu.memory_space<hbm>> -> memref<64x128xf32, #tpu.memory_space<hbm>>
        %dma_start3A_23 = arith.constant 0 : i32
        %dma_start3A_24 = tpu.memref_slice %arg4[%add3A_20, %dma_start3A_23] : memref<32768x128xf32, #tpu.memory_space<hbm>> -> memref<64x128xf32, #tpu.memory_space<hbm>>
        tpu.enqueue_dma source(%arg6 : memref<64x128xf32, #tpu.memory_space<vmem>>) target(%dma_start3A_24 : memref<64x128xf32, #tpu.memory_space<hbm>>) target_semaphore(%run_scoped3A : memref<!tpu.dma_semaphore, #tpu.memory_space<semaphore_mem>>)
        %dma_wait3A_25 = arith.constant 0 : i32
        %dma_wait3A_26 = tpu.memref_slice %arg4[%add3A_20, %dma_wait3A_25] : memref<32768x128xf32, #tpu.memory_space<hbm>> -> memref<64x128xf32, #tpu.memory_space<hbm>>
        %dma_wait3A_27 = arith.constant 0 : i32
        %dma_wait3A_28 = tpu.memref_slice %arg4[%add3A_20, %dma_wait3A_27] : memref<32768x128xf32, #tpu.memory_space<hbm>> -> memref<64x128xf32, #tpu.memory_space<hbm>>
        tpu.wait_dma2 semaphore(%run_scoped3A : memref<!tpu.dma_semaphore, #tpu.memory_space<semaphore_mem>>) src(%arg6 : memref<64x128xf32, #tpu.memory_space<vmem>>) dst(%dma_wait3A_28 : memref<64x128xf32, #tpu.memory_space<hbm>>)
        tpu.yield
      }) : () -> ()
    }
    %scan3A_6 = arith.constant 16 : i32
    return
  }
}

module attributes {stable_mosaic.version = 14 : i64} {
  func.func @_k1_body(%arg0: i32, %arg1: memref<8x256x128xf32, #tpu.memory_space<vmem>>, %arg2: memref<8x256xi32, #tpu.memory_space<vmem>>, %arg3: memref<256x128xf32, #tpu.memory_space<vmem>>) attributes {dimension_semantics = [#tpu.dimension_semantics<arbitrary>], iteration_bounds = array<i64: 293>, scalar_prefetch = 0 : i64, scratch_operands = 0 : i64, tpu.core_type = #tpu.core_type<tc>, window_params = [{transform_indices = @transform_0, window_bounds = array<i64: 8, 256, 128>}, {transform_indices = @transform_1, window_bounds = array<i64: 8, 256>}, {transform_indices = @transform_2, window_bounds = array<i64: 256, 128>}]} {
    %get3A = arith.constant 0 : index
    %get3A_0 = arith.constant 0 : index
    %get3A_1 = vector.load %arg2[%get3A, %get3A_0] : memref<8x256xi32, #tpu.memory_space<vmem>>, vector<1x256xi32>
    %get3A_2 = vector.shape_cast %get3A_1 : vector<1x256xi32> to vector<256xi32>
    %broadcast_in_dim3A = vector.shape_cast %get3A_2 : vector<256xi32> to vector<256x1xi32>
    %ge3A = arith.constant 200000 : i32
    %ge3A_3 = vector.broadcast %ge3A : i32 to vector<256x1xi32>
    %ge3A_4 = arith.cmpi sge, %broadcast_in_dim3A, %ge3A_3 : vector<256x1xi32>
    %get3A_5 = arith.constant 0 : index
    %get3A_6 = arith.constant 0 : index
    %get3A_7 = arith.constant 0 : index
    %get3A_8 = vector.load %arg1[%get3A_5, %get3A_6, %get3A_7] : memref<8x256x128xf32, #tpu.memory_space<vmem>>, vector<1x256x128xf32>
    %get3A_9 = vector.shape_cast %get3A_8 : vector<1x256x128xf32> to vector<256x128xf32>
    %jit3A = arith.constant 0.000000e+00 : f32
    %broadcast_in_dim3A_10 = vector.shape_cast %ge3A_4 : vector<256x1xi1> to vector<256x1xi1>
    %broadcast_in_dim3A_11 = vector.broadcast %broadcast_in_dim3A_10 : vector<256x1xi1> to vector<256x128xi1>
    %broadcast_in_dim3A_12 = vector.broadcast %jit3A : f32 to vector<256x128xf32>
    %select_n3A = arith.select %broadcast_in_dim3A_11, %broadcast_in_dim3A_12, %get3A_9 : vector<256x128xi1>, vector<256x128xf32>
    %get3A_13 = arith.constant 1 : index
    %get3A_14 = arith.constant 0 : index
    %get3A_15 = vector.load %arg2[%get3A_13, %get3A_14] : memref<8x256xi32, #tpu.memory_space<vmem>>, vector<1x256xi32>
    %get3A_16 = vector.shape_cast %get3A_15 : vector<1x256xi32> to vector<256xi32>
    %broadcast_in_dim3A_17 = vector.shape_cast %get3A_16 : vector<256xi32> to vector<256x1xi32>
    %ge3A_18 = arith.constant 200000 : i32
    %ge3A_19 = vector.broadcast %ge3A_18 : i32 to vector<256x1xi32>
    %ge3A_20 = arith.cmpi sge, %broadcast_in_dim3A_17, %ge3A_19 : vector<256x1xi32>
    %get3A_21 = arith.constant 1 : index
    %get3A_22 = arith.constant 0 : index
    %get3A_23 = arith.constant 0 : index
    %get3A_24 = vector.load %arg1[%get3A_21, %get3A_22, %get3A_23] : memref<8x256x128xf32, #tpu.memory_space<vmem>>, vector<1x256x128xf32>
    %get3A_25 = vector.shape_cast %get3A_24 : vector<1x256x128xf32> to vector<256x128xf32>
    %jit3A_26 = arith.constant 0.000000e+00 : f32
    %broadcast_in_dim3A_27 = vector.shape_cast %ge3A_20 : vector<256x1xi1> to vector<256x1xi1>
    %broadcast_in_dim3A_28 = vector.broadcast %broadcast_in_dim3A_27 : vector<256x1xi1> to vector<256x128xi1>
    %broadcast_in_dim3A_29 = vector.broadcast %jit3A_26 : f32 to vector<256x128xf32>
    %select_n3A_30 = arith.select %broadcast_in_dim3A_28, %broadcast_in_dim3A_29, %get3A_25 : vector<256x128xi1>, vector<256x128xf32>
    %max3A = arith.maximumf %select_n3A, %select_n3A_30 : vector<256x128xf32>
    %get3A_31 = arith.constant 2 : index
    %get3A_32 = arith.constant 0 : index
    %get3A_33 = vector.load %arg2[%get3A_31, %get3A_32] : memref<8x256xi32, #tpu.memory_space<vmem>>, vector<1x256xi32>
    %get3A_34 = vector.shape_cast %get3A_33 : vector<1x256xi32> to vector<256xi32>
    %broadcast_in_dim3A_35 = vector.shape_cast %get3A_34 : vector<256xi32> to vector<256x1xi32>
    %ge3A_36 = arith.constant 200000 : i32
    %ge3A_37 = vector.broadcast %ge3A_36 : i32 to vector<256x1xi32>
    %ge3A_38 = arith.cmpi sge, %broadcast_in_dim3A_35, %ge3A_37 : vector<256x1xi32>
    %get3A_39 = arith.constant 2 : index
    %get3A_40 = arith.constant 0 : index
    %get3A_41 = arith.constant 0 : index
    %get3A_42 = vector.load %arg1[%get3A_39, %get3A_40, %get3A_41] : memref<8x256x128xf32, #tpu.memory_space<vmem>>, vector<1x256x128xf32>
    %get3A_43 = vector.shape_cast %get3A_42 : vector<1x256x128xf32> to vector<256x128xf32>
    %jit3A_44 = arith.constant 0.000000e+00 : f32
    %broadcast_in_dim3A_45 = vector.shape_cast %ge3A_38 : vector<256x1xi1> to vector<256x1xi1>
    %broadcast_in_dim3A_46 = vector.broadcast %broadcast_in_dim3A_45 : vector<256x1xi1> to vector<256x128xi1>
    %broadcast_in_dim3A_47 = vector.broadcast %jit3A_44 : f32 to vector<256x128xf32>
    %select_n3A_48 = arith.select %broadcast_in_dim3A_46, %broadcast_in_dim3A_47, %get3A_43 : vector<256x128xi1>, vector<256x128xf32>
    %max3A_49 = arith.maximumf %max3A, %select_n3A_48 : vector<256x128xf32>
    %get3A_50 = arith.constant 3 : index
    %get3A_51 = arith.constant 0 : index
    %get3A_52 = vector.load %arg2[%get3A_50, %get3A_51] : memref<8x256xi32, #tpu.memory_space<vmem>>, vector<1x256xi32>
    %get3A_53 = vector.shape_cast %get3A_52 : vector<1x256xi32> to vector<256xi32>
    %broadcast_in_dim3A_54 = vector.shape_cast %get3A_53 : vector<256xi32> to vector<256x1xi32>
    %ge3A_55 = arith.constant 200000 : i32
    %ge3A_56 = vector.broadcast %ge3A_55 : i32 to vector<256x1xi32>
    %ge3A_57 = arith.cmpi sge, %broadcast_in_dim3A_54, %ge3A_56 : vector<256x1xi32>
    %get3A_58 = arith.constant 3 : index
    %get3A_59 = arith.constant 0 : index
    %get3A_60 = arith.constant 0 : index
    %get3A_61 = vector.load %arg1[%get3A_58, %get3A_59, %get3A_60] : memref<8x256x128xf32, #tpu.memory_space<vmem>>, vector<1x256x128xf32>
    %get3A_62 = vector.shape_cast %get3A_61 : vector<1x256x128xf32> to vector<256x128xf32>
    %jit3A_63 = arith.constant 0.000000e+00 : f32
    %broadcast_in_dim3A_64 = vector.shape_cast %ge3A_57 : vector<256x1xi1> to vector<256x1xi1>
    %broadcast_in_dim3A_65 = vector.broadcast %broadcast_in_dim3A_64 : vector<256x1xi1> to vector<256x128xi1>
    %broadcast_in_dim3A_66 = vector.broadcast %jit3A_63 : f32 to vector<256x128xf32>
    %select_n3A_67 = arith.select %broadcast_in_dim3A_65, %broadcast_in_dim3A_66, %get3A_62 : vector<256x128xi1>, vector<256x128xf32>
    %max3A_68 = arith.maximumf %max3A_49, %select_n3A_67 : vector<256x128xf32>
    %get3A_69 = arith.constant 4 : index
    %get3A_70 = arith.constant 0 : index
    %get3A_71 = vector.load %arg2[%get3A_69, %get3A_70] : memref<8x256xi32, #tpu.memory_space<vmem>>, vector<1x256xi32>
    %get3A_72 = vector.shape_cast %get3A_71 : vector<1x256xi32> to vector<256xi32>
    %broadcast_in_dim3A_73 = vector.shape_cast %get3A_72 : vector<256xi32> to vector<256x1xi32>
    %ge3A_74 = arith.constant 200000 : i32
    %ge3A_75 = vector.broadcast %ge3A_74 : i32 to vector<256x1xi32>
    %ge3A_76 = arith.cmpi sge, %broadcast_in_dim3A_73, %ge3A_75 : vector<256x1xi32>
    %get3A_77 = arith.constant 4 : index
    %get3A_78 = arith.constant 0 : index
    %get3A_79 = arith.constant 0 : index
    %get3A_80 = vector.load %arg1[%get3A_77, %get3A_78, %get3A_79] : memref<8x256x128xf32, #tpu.memory_space<vmem>>, vector<1x256x128xf32>
    %get3A_81 = vector.shape_cast %get3A_80 : vector<1x256x128xf32> to vector<256x128xf32>
    %jit3A_82 = arith.constant 0.000000e+00 : f32
    %broadcast_in_dim3A_83 = vector.shape_cast %ge3A_76 : vector<256x1xi1> to vector<256x1xi1>
    %broadcast_in_dim3A_84 = vector.broadcast %broadcast_in_dim3A_83 : vector<256x1xi1> to vector<256x128xi1>
    %broadcast_in_dim3A_85 = vector.broadcast %jit3A_82 : f32 to vector<256x128xf32>
    %select_n3A_86 = arith.select %broadcast_in_dim3A_84, %broadcast_in_dim3A_85, %get3A_81 : vector<256x128xi1>, vector<256x128xf32>
    %max3A_87 = arith.maximumf %max3A_68, %select_n3A_86 : vector<256x128xf32>
    %get3A_88 = arith.constant 5 : index
    %get3A_89 = arith.constant 0 : index
    %get3A_90 = vector.load %arg2[%get3A_88, %get3A_89] : memref<8x256xi32, #tpu.memory_space<vmem>>, vector<1x256xi32>
    %get3A_91 = vector.shape_cast %get3A_90 : vector<1x256xi32> to vector<256xi32>
    %broadcast_in_dim3A_92 = vector.shape_cast %get3A_91 : vector<256xi32> to vector<256x1xi32>
    %ge3A_93 = arith.constant 200000 : i32
    %ge3A_94 = vector.broadcast %ge3A_93 : i32 to vector<256x1xi32>
    %ge3A_95 = arith.cmpi sge, %broadcast_in_dim3A_92, %ge3A_94 : vector<256x1xi32>
    %get3A_96 = arith.constant 5 : index
    %get3A_97 = arith.constant 0 : index
    %get3A_98 = arith.constant 0 : index
    %get3A_99 = vector.load %arg1[%get3A_96, %get3A_97, %get3A_98] : memref<8x256x128xf32, #tpu.memory_space<vmem>>, vector<1x256x128xf32>
    %get3A_100 = vector.shape_cast %get3A_99 : vector<1x256x128xf32> to vector<256x128xf32>
    %jit3A_101 = arith.constant 0.000000e+00 : f32
    %broadcast_in_dim3A_102 = vector.shape_cast %ge3A_95 : vector<256x1xi1> to vector<256x1xi1>
    %broadcast_in_dim3A_103 = vector.broadcast %broadcast_in_dim3A_102 : vector<256x1xi1> to vector<256x128xi1>
    %broadcast_in_dim3A_104 = vector.broadcast %jit3A_101 : f32 to vector<256x128xf32>
    %select_n3A_105 = arith.select %broadcast_in_dim3A_103, %broadcast_in_dim3A_104, %get3A_100 : vector<256x128xi1>, vector<256x128xf32>
    %max3A_106 = arith.maximumf %max3A_87, %select_n3A_105 : vector<256x128xf32>
    %get3A_107 = arith.constant 6 : index
    %get3A_108 = arith.constant 0 : index
    %get3A_109 = vector.load %arg2[%get3A_107, %get3A_108] : memref<8x256xi32, #tpu.memory_space<vmem>>, vector<1x256xi32>
    %get3A_110 = vector.shape_cast %get3A_109 : vector<1x256xi32> to vector<256xi32>
    %broadcast_in_dim3A_111 = vector.shape_cast %get3A_110 : vector<256xi32> to vector<256x1xi32>
    %ge3A_112 = arith.constant 200000 : i32
    %ge3A_113 = vector.broadcast %ge3A_112 : i32 to vector<256x1xi32>
    %ge3A_114 = arith.cmpi sge, %broadcast_in_dim3A_111, %ge3A_113 : vector<256x1xi32>
    %get3A_115 = arith.constant 6 : index
    %get3A_116 = arith.constant 0 : index
    %get3A_117 = arith.constant 0 : index
    %get3A_118 = vector.load %arg1[%get3A_115, %get3A_116, %get3A_117] : memref<8x256x128xf32, #tpu.memory_space<vmem>>, vector<1x256x128xf32>
    %get3A_119 = vector.shape_cast %get3A_118 : vector<1x256x128xf32> to vector<256x128xf32>
    %jit3A_120 = arith.constant 0.000000e+00 : f32
    %broadcast_in_dim3A_121 = vector.shape_cast %ge3A_114 : vector<256x1xi1> to vector<256x1xi1>
    %broadcast_in_dim3A_122 = vector.broadcast %broadcast_in_dim3A_121 : vector<256x1xi1> to vector<256x128xi1>
    %broadcast_in_dim3A_123 = vector.broadcast %jit3A_120 : f32 to vector<256x128xf32>
    %select_n3A_124 = arith.select %broadcast_in_dim3A_122, %broadcast_in_dim3A_123, %get3A_119 : vector<256x128xi1>, vector<256x128xf32>
    %max3A_125 = arith.maximumf %max3A_106, %select_n3A_124 : vector<256x128xf32>
    %get3A_126 = arith.constant 7 : index
    %get3A_127 = arith.constant 0 : index
    %get3A_128 = vector.load %arg2[%get3A_126, %get3A_127] : memref<8x256xi32, #tpu.memory_space<vmem>>, vector<1x256xi32>
    %get3A_129 = vector.shape_cast %get3A_128 : vector<1x256xi32> to vector<256xi32>
    %broadcast_in_dim3A_130 = vector.shape_cast %get3A_129 : vector<256xi32> to vector<256x1xi32>
    %ge3A_131 = arith.constant 200000 : i32
    %ge3A_132 = vector.broadcast %ge3A_131 : i32 to vector<256x1xi32>
    %ge3A_133 = arith.cmpi sge, %broadcast_in_dim3A_130, %ge3A_132 : vector<256x1xi32>
    %get3A_134 = arith.constant 7 : index
    %get3A_135 = arith.constant 0 : index
    %get3A_136 = arith.constant 0 : index
    %get3A_137 = vector.load %arg1[%get3A_134, %get3A_135, %get3A_136] : memref<8x256x128xf32, #tpu.memory_space<vmem>>, vector<1x256x128xf32>
    %get3A_138 = vector.shape_cast %get3A_137 : vector<1x256x128xf32> to vector<256x128xf32>
    %jit3A_139 = arith.constant 0.000000e+00 : f32
    %broadcast_in_dim3A_140 = vector.shape_cast %ge3A_133 : vector<256x1xi1> to vector<256x1xi1>
    %broadcast_in_dim3A_141 = vector.broadcast %broadcast_in_dim3A_140 : vector<256x1xi1> to vector<256x128xi1>
    %broadcast_in_dim3A_142 = vector.broadcast %jit3A_139 : f32 to vector<256x128xf32>
    %select_n3A_143 = arith.select %broadcast_in_dim3A_141, %broadcast_in_dim3A_142, %get3A_138 : vector<256x128xi1>, vector<256x128xf32>
    %max3A_144 = arith.maximumf %max3A_125, %select_n3A_143 : vector<256x128xf32>
    %mul3A = arith.constant 256 : i32
    %mul3A_145 = arith.muli %arg0, %mul3A : i32
    %iota3A = tpu.iota {dimensions = array<i32: 0>} : vector<256x128xi32>
    %add3A = vector.broadcast %mul3A_145 : i32 to vector<256x128xi32>
    %add3A_146 = arith.addi %add3A, %iota3A : vector<256x128xi32>
    %lt3A = arith.constant 75000 : i32
    %lt3A_147 = vector.broadcast %lt3A : i32 to vector<256x128xi32>
    %lt3A_148 = arith.cmpi slt, %add3A_146, %lt3A_147 : vector<256x128xi32>
    %jit3A_149 = arith.constant 0.000000e+00 : f32
    %broadcast_in_dim3A_150 = vector.broadcast %jit3A_149 : f32 to vector<256x128xf32>
    %select_n3A_151 = arith.select %lt3A_148, %max3A_144, %broadcast_in_dim3A_150 : vector<256x128xi1>, vector<256x128xf32>
    %swap3A = arith.constant 0 : index
    %swap3A_152 = arith.constant 0 : index
    %swap3A_153 = vector.load %arg3[%swap3A, %swap3A_152] : memref<256x128xf32, #tpu.memory_space<vmem>>, vector<256x128xf32>
    tpu.vector_store %arg3[%swap3A, %swap3A_152], %select_n3A_151 {strides = array<i32>} : memref<256x128xf32, #tpu.memory_space<vmem>>, vector<256x128xf32>,
    return
  }
  func.func @transform_0(%arg0: i32) -> (i32, i32, i32) {
    %c0_i32 = arith.constant 0 : i32
    %c0_i32_0 = arith.constant 0 : i32
    %c0_i32_1 = arith.constant 0 : i32
    return %c0_i32, %arg0, %c0_i32_0 : i32, i32, i32
  }
  func.func @transform_1(%arg0: i32) -> (i32, i32) {
    %c0_i32 = arith.constant 0 : i32
    %c0_i32_0 = arith.constant 0 : i32
    return %c0_i32, %arg0 : i32, i32
  }
  func.func @transform_2(%arg0: i32) -> (i32, i32) {
    %c0_i32 = arith.constant 0 : i32
    %c0_i32_0 = arith.constant 0 : i32
    return %arg0, %c0_i32 : i32, i32
  }
}

module attributes {stable_mosaic.version = 14 : i64} {
  func.func @_k2_body(%arg0: i32, %arg1: memref<4x256x16xf32, #tpu.memory_space<vmem>>, %arg2: memref<4x256x128xf32, #tpu.memory_space<vmem>>, %arg3: memref<16x384xf32, #tpu.memory_space<vmem>>, %arg4: memref<128x384xf32, #tpu.memory_space<vmem>>, %arg5: memref<1x384xf32, #tpu.memory_space<vmem>>, %arg6: memref<256x384xf32, #tpu.memory_space<vmem>>, %arg7: memref<256x128xf32, #tpu.memory_space<vmem>>) attributes {dimension_semantics = [#tpu.dimension_semantics<arbitrary>], iteration_bounds = array<i64: 392>, scalar_prefetch = 0 : i64, scratch_operands = 0 : i64, tpu.core_type = #tpu.core_type<tc>, window_params = [{transform_indices = @transform_0, window_bounds = array<i64: 4, 256, 16>}, {transform_indices = @transform_1, window_bounds = array<i64: 4, 256, 128>}, {pipeline_mode = #tpu.pipeline_mode<synchronous>, transform_indices = @transform_2, window_bounds = array<i64: 16, 384>}, {pipeline_mode = #tpu.pipeline_mode<synchronous>, transform_indices = @transform_3, window_bounds = array<i64: 128, 384>}, {pipeline_mode = #tpu.pipeline_mode<synchronous>, transform_indices = @transform_4, window_bounds = array<i64: 1, 384>}, {transform_indices = @transform_5, window_bounds = array<i64: 256, 384>}, {transform_indices = @transform_6, window_bounds = array<i64: 256, 128>}]} {
    %get3A = arith.constant 0 : index
    %get3A_0 = arith.constant 0 : index
    %get3A_1 = arith.constant 0 : index
    %get3A_2 = vector.load %arg1[%get3A, %get3A_0, %get3A_1] : memref<4x256x16xf32, #tpu.memory_space<vmem>>, vector<1x256x16xf32>
    %get3A_3 = vector.shape_cast %get3A_2 : vector<1x256x16xf32> to vector<256x16xf32>
    %get3A_4 = arith.constant 1 : index
    %get3A_5 = arith.constant 0 : index
    %get3A_6 = arith.constant 0 : index
    %get3A_7 = vector.load %arg1[%get3A_4, %get3A_5, %get3A_6] : memref<4x256x16xf32, #tpu.memory_space<vmem>>, vector<1x256x16xf32>
    %get3A_8 = vector.shape_cast %get3A_7 : vector<1x256x16xf32> to vector<256x16xf32>
    %add3A = arith.addf %get3A_3, %get3A_8 : vector<256x16xf32>
    %get3A_9 = arith.constant 2 : index
    %get3A_10 = arith.constant 0 : index
    %get3A_11 = arith.constant 0 : index
    %get3A_12 = vector.load %arg1[%get3A_9, %get3A_10, %get3A_11] : memref<4x256x16xf32, #tpu.memory_space<vmem>>, vector<1x256x16xf32>
    %get3A_13 = vector.shape_cast %get3A_12 : vector<1x256x16xf32> to vector<256x16xf32>
    %add3A_14 = arith.addf %add3A, %get3A_13 : vector<256x16xf32>
    %get3A_15 = arith.constant 3 : index
    %get3A_16 = arith.constant 0 : index
    %get3A_17 = arith.constant 0 : index
    %get3A_18 = vector.load %arg1[%get3A_15, %get3A_16, %get3A_17] : memref<4x256x16xf32, #tpu.memory_space<vmem>>, vector<1x256x16xf32>
    %get3A_19 = vector.shape_cast %get3A_18 : vector<1x256x16xf32> to vector<256x16xf32>
    %add3A_20 = arith.addf %add3A_14, %get3A_19 : vector<256x16xf32>
    %get3A_21 = arith.constant 0 : index
    %get3A_22 = arith.constant 0 : index
    %get3A_23 = arith.constant 0 : index
    %get3A_24 = vector.load %arg2[%get3A_21, %get3A_22, %get3A_23] : memref<4x256x128xf32, #tpu.memory_space<vmem>>, vector<1x256x128xf32>
    %get3A_25 = vector.shape_cast %get3A_24 : vector<1x256x128xf32> to vector<256x128xf32>
    %get3A_26 = arith.constant 1 : index
    %get3A_27 = arith.constant 0 : index
    %get3A_28 = arith.constant 0 : index
    %get3A_29 = vector.load %arg2[%get3A_26, %get3A_27, %get3A_28] : memref<4x256x128xf32, #tpu.memory_space<vmem>>, vector<1x256x128xf32>
    %get3A_30 = vector.shape_cast %get3A_29 : vector<1x256x128xf32> to vector<256x128xf32>
    %add3A_31 = arith.addf %get3A_25, %get3A_30 : vector<256x128xf32>
    %get3A_32 = arith.constant 2 : index
    %get3A_33 = arith.constant 0 : index
    %get3A_34 = arith.constant 0 : index
    %get3A_35 = vector.load %arg2[%get3A_32, %get3A_33, %get3A_34] : memref<4x256x128xf32, #tpu.memory_space<vmem>>, vector<1x256x128xf32>
    %get3A_36 = vector.shape_cast %get3A_35 : vector<1x256x128xf32> to vector<256x128xf32>
    %add3A_37 = arith.addf %add3A_31, %get3A_36 : vector<256x128xf32>
    %get3A_38 = arith.constant 3 : index
    %get3A_39 = arith.constant 0 : index
    %get3A_40 = arith.constant 0 : index
    %get3A_41 = vector.load %arg2[%get3A_38, %get3A_39, %get3A_40] : memref<4x256x128xf32, #tpu.memory_space<vmem>>, vector<1x256x128xf32>
    %get3A_42 = vector.shape_cast %get3A_41 : vector<1x256x128xf32> to vector<256x128xf32>
    %add3A_43 = arith.addf %add3A_37, %get3A_42 : vector<256x128xf32>
    %get3A_44 = arith.constant 0 : index
    %get3A_45 = arith.constant 0 : index
    %get3A_46 = vector.load %arg3[%get3A_44, %get3A_45] : memref<16x384xf32, #tpu.memory_space<vmem>>, vector<16x384xf32>
    %dot_general3A = arith.constant dense<0.000000e+00> : vector<256x384xf32>
    %dot_general3A_47 = tpu.matmul %add3A_20, %get3A_46, %dot_general3A {dimension_numbers = #tpu.dot_dimension_numbers<[1], [0], [0], [1], [0, 0, 1, 1], [], []>, transpose_lhs_hint = false} : vector<256x16xf32>, vector<16x384xf32>, vector<256x384xf32> -> vector<256x384xf32>
    %get3A_48 = arith.constant 0 : index
    %get3A_49 = arith.constant 0 : index
    %get3A_50 = vector.load %arg4[%get3A_48, %get3A_49] : memref<128x384xf32, #tpu.memory_space<vmem>>, vector<128x384xf32>
    %dot_general3A_51 = arith.constant dense<0.000000e+00> : vector<256x384xf32>
    %dot_general3A_52 = tpu.matmul %add3A_43, %get3A_50, %dot_general3A_51 {dimension_numbers = #tpu.dot_dimension_numbers<[1], [0], [0], [1], [0, 0, 1, 1], [], []>, transpose_lhs_hint = false} : vector<256x128xf32>, vector<128x384xf32>, vector<256x384xf32> -> vector<256x384xf32>
    %add3A_53 = arith.addf %dot_general3A_47, %dot_general3A_52 : vector<256x384xf32>
    %get3A_54 = arith.constant 0 : index
    %get3A_55 = arith.constant 0 : index
    %get3A_56 = vector.load %arg5[%get3A_54, %get3A_55] : memref<1x384xf32, #tpu.memory_space<vmem>>, vector<1x384xf32>
    %add3A_57 = vector.broadcast %get3A_56 : vector<1x384xf32> to vector<256x384xf32>
    %add3A_58 = arith.addf %add3A_53, %add3A_57 : vector<256x384xf32>
    %slice3A = vector.extract_strided_slice %add3A_58 {offsets = [0, 0], sizes = [256, 128], strides = [1, 1]} : vector<256x384xf32> to vector<256x128xf32>
    %logistic3A = arith.negf %slice3A : vector<256x128xf32>
    %logistic3A_59 = math.exp %logistic3A : vector<256x128xf32>
    %logistic3A_60 = arith.constant 1.000000e+00 : f32
    %logistic3A_61 = vector.broadcast %logistic3A_60 : f32 to vector<256x128xf32>
    %logistic3A_62 = arith.addf %logistic3A_61, %logistic3A_59 : vector<256x128xf32>
    %logistic3A_63 = arith.divf %logistic3A_61, %logistic3A_62 : vector<256x128xf32>
    %slice3A_64 = vector.extract_strided_slice %add3A_58 {offsets = [0, 256], sizes = [256, 128], strides = [1, 1]} : vector<256x384xf32> to vector<256x128xf32>
    %tanh3A = math.tanh %slice3A_64 : vector<256x128xf32>
    %mul3A = arith.mulf %logistic3A_63, %tanh3A : vector<256x128xf32>
    %mul3A_65 = arith.constant 256 : i32
    %mul3A_66 = arith.muli %arg0, %mul3A_65 : i32
    %iota3A = tpu.iota {dimensions = array<i32: 0>} : vector<256x128xi32>
    %add3A_67 = vector.broadcast %mul3A_66 : i32 to vector<256x128xi32>
    %add3A_68 = arith.addi %add3A_67, %iota3A : vector<256x128xi32>
    %eq3A = arith.constant 0 : i32
    %eq3A_69 = vector.broadcast %eq3A : i32 to vector<256x128xi32>
    %eq3A_70 = arith.cmpi eq, %add3A_68, %eq3A_69 : vector<256x128xi32>
    %jit3A = arith.constant 0.000000e+00 : f32
    %broadcast_in_dim3A = vector.broadcast %jit3A : f32 to vector<256x128xf32>
    %select_n3A = arith.select %eq3A_70, %broadcast_in_dim3A, %mul3A : vector<256x128xi1>, vector<256x128xf32>
    %swap3A = arith.constant 0 : index
    %swap3A_71 = arith.constant 0 : index
    %swap3A_72 = vector.load %arg6[%swap3A, %swap3A_71] : memref<256x384xf32, #tpu.memory_space<vmem>>, vector<256x384xf32>
    tpu.vector_store %arg6[%swap3A, %swap3A_71], %add3A_58 {strides = array<i32>} : memref<256x384xf32, #tpu.memory_space<vmem>>, vector<256x384xf32>,
    %swap3A_73 = arith.constant 0 : index
    %swap3A_74 = arith.constant 0 : index
    %swap3A_75 = vector.load %arg7[%swap3A_73, %swap3A_74] : memref<256x128xf32, #tpu.memory_space<vmem>>, vector<256x128xf32>
    tpu.vector_store %arg7[%swap3A_73, %swap3A_74], %select_n3A {strides = array<i32>} : memref<256x128xf32, #tpu.memory_space<vmem>>, vector<256x128xf32>,
    return
  }
  func.func @transform_0(%arg0: i32) -> (i32, i32, i32) {
    %c0_i32 = arith.constant 0 : i32
    %c0_i32_0 = arith.constant 0 : i32
    %c0_i32_1 = arith.constant 0 : i32
    return %c0_i32, %arg0, %c0_i32_0 : i32, i32, i32
  }
  func.func @transform_1(%arg0: i32) -> (i32, i32, i32) {
    %c0_i32 = arith.constant 0 : i32
    %c0_i32_0 = arith.constant 0 : i32
    %c0_i32_1 = arith.constant 0 : i32
    return %c0_i32, %arg0, %c0_i32_0 : i32, i32, i32
  }
  func.func @transform_2(%arg0: i32) -> (i32, i32) {
    %c0_i32 = arith.constant 0 : i32
    %c0_i32_0 = arith.constant 0 : i32
    %c0_i32_1 = arith.constant 0 : i32
    return %c0_i32, %c0_i32_0 : i32, i32
  }
  func.func @transform_3(%arg0: i32) -> (i32, i32) {
    %c0_i32 = arith.constant 0 : i32
    %c0_i32_0 = arith.constant 0 : i32
    %c0_i32_1 = arith.constant 0 : i32
    return %c0_i32, %c0_i32_0 : i32, i32
  }
  func.func @transform_4(%arg0: i32) -> (i32, i32) {
    %c0_i32 = arith.constant 0 : i32
    %c0_i32_0 = arith.constant 0 : i32
    %c0_i32_1 = arith.constant 0 : i32
    return %c0_i32, %c0_i32_0 : i32, i32
  }
  func.func @transform_5(%arg0: i32) -> (i32, i32) {
    %c0_i32 = arith.constant 0 : i32
    %c0_i32_0 = arith.constant 0 : i32
    return %arg0, %c0_i32 : i32, i32
  }
  func.func @transform_6(%arg0: i32) -> (i32, i32) {
    %c0_i32 = arith.constant 0 : i32
    %c0_i32_0 = arith.constant 0 : i32
    return %arg0, %c0_i32 : i32, i32
  }
}

module attributes {stable_mosaic.version = 14 : i64} {
  func.func @_k3_body(%arg0: i32, %arg1: memref<4x256x128xf32, #tpu.memory_space<vmem>>, %arg2: memref<256x384xf32, #tpu.memory_space<vmem>>, %arg3: memref<128x128xf32, #tpu.memory_space<vmem>>, %arg4: memref<128x128xf32, #tpu.memory_space<vmem>>, %arg5: memref<128x128xf32, #tpu.memory_space<vmem>>, %arg6: memref<1x128xf32, #tpu.memory_space<vmem>>, %arg7: memref<256x128xf32, #tpu.memory_space<vmem>>) attributes {dimension_semantics = [#tpu.dimension_semantics<arbitrary>], iteration_bounds = array<i64: 392>, scalar_prefetch = 0 : i64, scratch_operands = 0 : i64, tpu.core_type = #tpu.core_type<tc>, window_params = [{transform_indices = @transform_0, window_bounds = array<i64: 4, 256, 128>}, {transform_indices = @transform_1, window_bounds = array<i64: 256, 384>}, {pipeline_mode = #tpu.pipeline_mode<synchronous>, transform_indices = @transform_2, window_bounds = array<i64: 128, 128>}, {pipeline_mode = #tpu.pipeline_mode<synchronous>, transform_indices = @transform_3, window_bounds = array<i64: 128, 128>}, {pipeline_mode = #tpu.pipeline_mode<synchronous>, transform_indices = @transform_4, window_bounds = array<i64: 128, 128>}, {pipeline_mode = #tpu.pipeline_mode<synchronous>, transform_indices = @transform_5, window_bounds = array<i64: 1, 128>}, {transform_indices = @transform_6, window_bounds = array<i64: 256, 128>}]} {
    %get3A = arith.constant 0 : index
    %get3A_0 = arith.constant 0 : index
    %get3A_1 = arith.constant 0 : index
    %get3A_2 = vector.load %arg1[%get3A, %get3A_0, %get3A_1] : memref<4x256x128xf32, #tpu.memory_space<vmem>>, vector<1x256x128xf32>
    %get3A_3 = vector.shape_cast %get3A_2 : vector<1x256x128xf32> to vector<256x128xf32>
    %get3A_4 = arith.constant 1 : index
    %get3A_5 = arith.constant 0 : index
    %get3A_6 = arith.constant 0 : index
    %get3A_7 = vector.load %arg1[%get3A_4, %get3A_5, %get3A_6] : memref<4x256x128xf32, #tpu.memory_space<vmem>>, vector<1x256x128xf32>
    %get3A_8 = vector.shape_cast %get3A_7 : vector<1x256x128xf32> to vector<256x128xf32>
    %get3A_9 = arith.constant 2 : index
    %get3A_10 = arith.constant 0 : index
    %get3A_11 = arith.constant 0 : index
    %get3A_12 = vector.load %arg1[%get3A_9, %get3A_10, %get3A_11] : memref<4x256x128xf32, #tpu.memory_space<vmem>>, vector<1x256x128xf32>
    %get3A_13 = vector.shape_cast %get3A_12 : vector<1x256x128xf32> to vector<256x128xf32>
    %get3A_14 = arith.constant 3 : index
    %get3A_15 = arith.constant 0 : index
    %get3A_16 = arith.constant 0 : index
    %get3A_17 = vector.load %arg1[%get3A_14, %get3A_15, %get3A_16] : memref<4x256x128xf32, #tpu.memory_space<vmem>>, vector<1x256x128xf32>
    %get3A_18 = vector.shape_cast %get3A_17 : vector<1x256x128xf32> to vector<256x128xf32>
    %add3A = arith.addf %get3A_3, %get3A_8 : vector<256x128xf32>
    %add3A_19 = arith.addf %add3A, %get3A_13 : vector<256x128xf32>
    %add3A_20 = arith.addf %add3A_19, %get3A_18 : vector<256x128xf32>
    %get3A_21 = arith.constant 0 : index
    %get3A_22 = arith.constant 0 : index
    %get3A_23 = vector.load %arg2[%get3A_21, %get3A_22] : memref<256x384xf32, #tpu.memory_space<vmem>>, vector<256x384xf32>
    %slice3A = vector.extract_strided_slice %get3A_23 {offsets = [0, 0], sizes = [256, 128], strides = [1, 1]} : vector<256x384xf32> to vector<256x128xf32>
    %get3A_24 = arith.constant 0 : index
    %get3A_25 = arith.constant 0 : index
    %get3A_26 = vector.load %arg3[%get3A_24, %get3A_25] : memref<128x128xf32, #tpu.memory_space<vmem>>, vector<128x128xf32>
    %dot_general3A = arith.constant dense<0.000000e+00> : vector<256x128xf32>
    %dot_general3A_27 = tpu.matmul %add3A_20, %get3A_26, %dot_general3A {dimension_numbers = #tpu.dot_dimension_numbers<[1], [0], [0], [1], [0, 0, 1, 1], [], []>, transpose_lhs_hint = false} : vector<256x128xf32>, vector<128x128xf32>, vector<256x128xf32> -> vector<256x128xf32>
    %add3A_28 = arith.addf %slice3A, %dot_general3A_27 : vector<256x128xf32>
    %logistic3A = arith.negf %add3A_28 : vector<256x128xf32>
    %logistic3A_29 = math.exp %logistic3A : vector<256x128xf32>
    %logistic3A_30 = arith.constant 1.000000e+00 : f32
    %logistic3A_31 = vector.broadcast %logistic3A_30 : f32 to vector<256x128xf32>
    %logistic3A_32 = arith.addf %logistic3A_31, %logistic3A_29 : vector<256x128xf32>
    %logistic3A_33 = arith.divf %logistic3A_31, %logistic3A_32 : vector<256x128xf32>
    %slice3A_34 = vector.extract_strided_slice %get3A_23 {offsets = [0, 128], sizes = [256, 128], strides = [1, 1]} : vector<256x384xf32> to vector<256x128xf32>
    %get3A_35 = arith.constant 0 : index
    %get3A_36 = arith.constant 0 : index
    %get3A_37 = vector.load %arg6[%get3A_35, %get3A_36] : memref<1x128xf32, #tpu.memory_space<vmem>>, vector<1x128xf32>
    %add3A_38 = vector.broadcast %get3A_37 : vector<1x128xf32> to vector<256x128xf32>
    %add3A_39 = arith.addf %slice3A_34, %add3A_38 : vector<256x128xf32>
    %broadcast_in_dim3A = arith.constant 0.000000e+00 : f32
    %broadcast_in_dim3A_40 = vector.broadcast %broadcast_in_dim3A : f32 to vector<256x128xf32>
    %get3A_41 = arith.constant 0 : index
    %get3A_42 = arith.constant 0 : index
    %get3A_43 = vector.load %arg4[%get3A_41, %get3A_42] : memref<128x128xf32, #tpu.memory_space<vmem>>, vector<128x128xf32>
    %dot_general3A_44 = arith.constant dense<0.000000e+00> : vector<256x128xf32>
    %dot_general3A_45 = tpu.matmul %get3A_3, %get3A_43, %dot_general3A_44 {dimension_numbers = #tpu.dot_dimension_numbers<[1], [0], [0], [1], [0, 0, 1, 1], [], []>, transpose_lhs_hint = false} : vector<256x128xf32>, vector<128x128xf32>, vector<256x128xf32> -> vector<256x128xf32>
    %add3A_46 = arith.addf %add3A_39, %dot_general3A_45 : vector<256x128xf32>
    %logistic3A_47 = arith.negf %add3A_46 : vector<256x128xf32>
    %logistic3A_48 = math.exp %logistic3A_47 : vector<256x128xf32>
    %logistic3A_49 = arith.constant 1.000000e+00 : f32
    %logistic3A_50 = vector.broadcast %logistic3A_49 : f32 to vector<256x128xf32>
    %logistic3A_51 = arith.addf %logistic3A_50, %logistic3A_48 : vector<256x128xf32>
    %logistic3A_52 = arith.divf %logistic3A_50, %logistic3A_51 : vector<256x128xf32>
    %mul3A = arith.mulf %logistic3A_52, %get3A_3 : vector<256x128xf32>
    %add3A_53 = arith.addf %broadcast_in_dim3A_40, %mul3A : vector<256x128xf32>
    %get3A_54 = arith.constant 0 : index
    %get3A_55 = arith.constant 0 : index
    %get3A_56 = vector.load %arg4[%get3A_54, %get3A_55] : memref<128x128xf32, #tpu.memory_space<vmem>>, vector<128x128xf32>
    %dot_general3A_57 = arith.constant dense<0.000000e+00> : vector<256x128xf32>
    %dot_general3A_58 = tpu.matmul %get3A_8, %get3A_56, %dot_general3A_57 {dimension_numbers = #tpu.dot_dimension_numbers<[1], [0], [0], [1], [0, 0, 1, 1], [], []>, transpose_lhs_hint = false} : vector<256x128xf32>, vector<128x128xf32>, vector<256x128xf32> -> vector<256x128xf32>
    %add3A_59 = arith.addf %add3A_39, %dot_general3A_58 : vector<256x128xf32>
    %logistic3A_60 = arith.negf %add3A_59 : vector<256x128xf32>
    %logistic3A_61 = math.exp %logistic3A_60 : vector<256x128xf32>
    %logistic3A_62 = arith.constant 1.000000e+00 : f32
    %logistic3A_63 = vector.broadcast %logistic3A_62 : f32 to vector<256x128xf32>
    %logistic3A_64 = arith.addf %logistic3A_63, %logistic3A_61 : vector<256x128xf32>
    %logistic3A_65 = arith.divf %logistic3A_63, %logistic3A_64 : vector<256x128xf32>
    %mul3A_66 = arith.mulf %logistic3A_65, %get3A_8 : vector<256x128xf32>
    %add3A_67 = arith.addf %add3A_53, %mul3A_66 : vector<256x128xf32>
    %get3A_68 = arith.constant 0 : index
    %get3A_69 = arith.constant 0 : index
    %get3A_70 = vector.load %arg4[%get3A_68, %get3A_69] : memref<128x128xf32, #tpu.memory_space<vmem>>, vector<128x128xf32>
    %dot_general3A_71 = arith.constant dense<0.000000e+00> : vector<256x128xf32>
    %dot_general3A_72 = tpu.matmul %get3A_13, %get3A_70, %dot_general3A_71 {dimension_numbers = #tpu.dot_dimension_numbers<[1], [0], [0], [1], [0, 0, 1, 1], [], []>, transpose_lhs_hint = false} : vector<256x128xf32>, vector<128x128xf32>, vector<256x128xf32> -> vector<256x128xf32>
    %add3A_73 = arith.addf %add3A_39, %dot_general3A_72 : vector<256x128xf32>
    %logistic3A_74 = arith.negf %add3A_73 : vector<256x128xf32>
    %logistic3A_75 = math.exp %logistic3A_74 : vector<256x128xf32>
    %logistic3A_76 = arith.constant 1.000000e+00 : f32
    %logistic3A_77 = vector.broadcast %logistic3A_76 : f32 to vector<256x128xf32>
    %logistic3A_78 = arith.addf %logistic3A_77, %logistic3A_75 : vector<256x128xf32>
    %logistic3A_79 = arith.divf %logistic3A_77, %logistic3A_78 : vector<256x128xf32>
    %mul3A_80 = arith.mulf %logistic3A_79, %get3A_13 : vector<256x128xf32>
    %add3A_81 = arith.addf %add3A_67, %mul3A_80 : vector<256x128xf32>
    %get3A_82 = arith.constant 0 : index
    %get3A_83 = arith.constant 0 : index
    %get3A_84 = vector.load %arg4[%get3A_82, %get3A_83] : memref<128x128xf32, #tpu.memory_space<vmem>>, vector<128x128xf32>
    %dot_general3A_85 = arith.constant dense<0.000000e+00> : vector<256x128xf32>
    %dot_general3A_86 = tpu.matmul %get3A_18, %get3A_84, %dot_general3A_85 {dimension_numbers = #tpu.dot_dimension_numbers<[1], [0], [0], [1], [0, 0, 1, 1], [], []>, transpose_lhs_hint = false} : vector<256x128xf32>, vector<128x128xf32>, vector<256x128xf32> -> vector<256x128xf32>
    %add3A_87 = arith.addf %add3A_39, %dot_general3A_86 : vector<256x128xf32>
    %logistic3A_88 = arith.negf %add3A_87 : vector<256x128xf32>
    %logistic3A_89 = math.exp %logistic3A_88 : vector<256x128xf32>
    %logistic3A_90 = arith.constant 1.000000e+00 : f32
    %logistic3A_91 = vector.broadcast %logistic3A_90 : f32 to vector<256x128xf32>
    %logistic3A_92 = arith.addf %logistic3A_91, %logistic3A_89 : vector<256x128xf32>
    %logistic3A_93 = arith.divf %logistic3A_91, %logistic3A_92 : vector<256x128xf32>
    %mul3A_94 = arith.mulf %logistic3A_93, %get3A_18 : vector<256x128xf32>
    %add3A_95 = arith.addf %add3A_81, %mul3A_94 : vector<256x128xf32>
    %slice3A_96 = vector.extract_strided_slice %get3A_23 {offsets = [0, 256], sizes = [256, 128], strides = [1, 1]} : vector<256x384xf32> to vector<256x128xf32>
    %get3A_97 = arith.constant 0 : index
    %get3A_98 = arith.constant 0 : index
    %get3A_99 = vector.load %arg5[%get3A_97, %get3A_98] : memref<128x128xf32, #tpu.memory_space<vmem>>, vector<128x128xf32>
    %dot_general3A_100 = arith.constant dense<0.000000e+00> : vector<256x128xf32>
    %dot_general3A_101 = tpu.matmul %add3A_95, %get3A_99, %dot_general3A_100 {dimension_numbers = #tpu.dot_dimension_numbers<[1], [0], [0], [1], [0, 0, 1, 1], [], []>, transpose_lhs_hint = false} : vector<256x128xf32>, vector<128x128xf32>, vector<256x128xf32> -> vector<256x128xf32>
    %add3A_102 = arith.addf %slice3A_96, %dot_general3A_101 : vector<256x128xf32>
    %tanh3A = math.tanh %add3A_102 : vector<256x128xf32>
    %sub3A = arith.constant 1.000000e+00 : f32
    %sub3A_103 = vector.broadcast %sub3A : f32 to vector<256x128xf32>
    %sub3A_104 = arith.subf %sub3A_103, %logistic3A_33 : vector<256x128xf32>
    %mul3A_105 = arith.mulf %sub3A_104, %add3A_20 : vector<256x128xf32>
    %mul3A_106 = arith.mulf %logistic3A_33, %tanh3A : vector<256x128xf32>
    %add3A_107 = arith.addf %mul3A_105, %mul3A_106 : vector<256x128xf32>
    %mul3A_108 = arith.constant 256 : i32
    %mul3A_109 = arith.muli %arg0, %mul3A_108 : i32
    %iota3A = tpu.iota {dimensions = array<i32: 0>} : vector<256x128xi32>
    %add3A_110 = vector.broadcast %mul3A_109 : i32 to vector<256x128xi32>
    %add3A_111 = arith.addi %add3A_110, %iota3A : vector<256x128xi32>
    %eq3A = arith.constant 0 : i32
    %eq3A_112 = vector.broadcast %eq3A : i32 to vector<256x128xi32>
    %eq3A_113 = arith.cmpi eq, %add3A_111, %eq3A_112 : vector<256x128xi32>
    %jit3A = arith.constant 0.000000e+00 : f32
    %broadcast_in_dim3A_114 = vector.broadcast %jit3A : f32 to vector<256x128xf32>
    %select_n3A = arith.select %eq3A_113, %broadcast_in_dim3A_114, %add3A_107 : vector<256x128xi1>, vector<256x128xf32>
    %swap3A = arith.constant 0 : index
    %swap3A_115 = arith.constant 0 : index
    %swap3A_116 = vector.load %arg7[%swap3A, %swap3A_115] : memref<256x128xf32, #tpu.memory_space<vmem>>, vector<256x128xf32>
    tpu.vector_store %arg7[%swap3A, %swap3A_115], %select_n3A {strides = array<i32>} : memref<256x128xf32, #tpu.memory_space<vmem>>, vector<256x128xf32>,
    return
  }
  func.func @transform_0(%arg0: i32) -> (i32, i32, i32) {
    %c0_i32 = arith.constant 0 : i32
    %c0_i32_0 = arith.constant 0 : i32
    %c0_i32_1 = arith.constant 0 : i32
    return %c0_i32, %arg0, %c0_i32_0 : i32, i32, i32
  }
  func.func @transform_1(%arg0: i32) -> (i32, i32) {
    %c0_i32 = arith.constant 0 : i32
    %c0_i32_0 = arith.constant 0 : i32
    return %arg0, %c0_i32 : i32, i32
  }
  func.func @transform_2(%arg0: i32) -> (i32, i32) {
    %c0_i32 = arith.constant 0 : i32
    %c0_i32_0 = arith.constant 0 : i32
    %c0_i32_1 = arith.constant 0 : i32
    return %c0_i32, %c0_i32_0 : i32, i32
  }
  func.func @transform_3(%arg0: i32) -> (i32, i32) {
    %c0_i32 = arith.constant 0 : i32
    %c0_i32_0 = arith.constant 0 : i32
    %c0_i32_1 = arith.constant 0 : i32
    return %c0_i32, %c0_i32_0 : i32, i32
  }
  func.func @transform_4(%arg0: i32) -> (i32, i32) {
    %c0_i32 = arith.constant 0 : i32
    %c0_i32_0 = arith.constant 0 : i32
    %c0_i32_1 = arith.constant 0 : i32
    return %c0_i32, %c0_i32_0 : i32, i32
  }
  func.func @transform_5(%arg0: i32) -> (i32, i32) {
    %c0_i32 = arith.constant 0 : i32
    %c0_i32_0 = arith.constant 0 : i32
    %c0_i32_1 = arith.constant 0 : i32
    return %c0_i32, %c0_i32_0 : i32, i32
  }
  func.func @transform_6(%arg0: i32) -> (i32, i32) {
    %c0_i32 = arith.constant 0 : i32
    %c0_i32_0 = arith.constant 0 : i32
    return %arg0, %c0_i32 : i32, i32
  }
}

module attributes {stable_mosaic.version = 14 : i64} {
  func.func @_k4_body(%arg0: i32, %arg1: memref<4x256x16xf32, #tpu.memory_space<vmem>>, %arg2: memref<4x256x128xf32, #tpu.memory_space<vmem>>, %arg3: memref<4x256x128xf32, #tpu.memory_space<vmem>>, %arg4: memref<16x128xf32, #tpu.memory_space<vmem>>, %arg5: memref<128x128xf32, #tpu.memory_space<vmem>>, %arg6: memref<128x128xf32, #tpu.memory_space<vmem>>, %arg7: memref<1x128xf32, #tpu.memory_space<vmem>>, %arg8: memref<256x128xf32, #tpu.memory_space<vmem>>) attributes {dimension_semantics = [#tpu.dimension_semantics<arbitrary>], iteration_bounds = array<i64: 196>, scalar_prefetch = 0 : i64, scratch_operands = 0 : i64, tpu.core_type = #tpu.core_type<tc>, window_params = [{transform_indices = @transform_0, window_bounds = array<i64: 4, 256, 16>}, {transform_indices = @transform_1, window_bounds = array<i64: 4, 256, 128>}, {transform_indices = @transform_2, window_bounds = array<i64: 4, 256, 128>}, {pipeline_mode = #tpu.pipeline_mode<synchronous>, transform_indices = @transform_3, window_bounds = array<i64: 16, 128>}, {pipeline_mode = #tpu.pipeline_mode<synchronous>, transform_indices = @transform_4, window_bounds = array<i64: 128, 128>}, {pipeline_mode = #tpu.pipeline_mode<synchronous>, transform_indices = @transform_5, window_bounds = array<i64: 128, 128>}, {pipeline_mode = #tpu.pipeline_mode<synchronous>, transform_indices = @transform_6, window_bounds = array<i64: 1, 128>}, {transform_indices = @transform_7, window_bounds = array<i64: 256, 128>}]} {
    %get3A = arith.constant 0 : index
    %get3A_0 = arith.constant 0 : index
    %get3A_1 = arith.constant 0 : index
    %get3A_2 = vector.load %arg1[%get3A, %get3A_0, %get3A_1] : memref<4x256x16xf32, #tpu.memory_space<vmem>>, vector<1x256x16xf32>
    %get3A_3 = vector.shape_cast %get3A_2 : vector<1x256x16xf32> to vector<256x16xf32>
    %get3A_4 = arith.constant 1 : index
    %get3A_5 = arith.constant 0 : index
    %get3A_6 = arith.constant 0 : index
    %get3A_7 = vector.load %arg1[%get3A_4, %get3A_5, %get3A_6] : memref<4x256x16xf32, #tpu.memory_space<vmem>>, vector<1x256x16xf32>
    %get3A_8 = vector.shape_cast %get3A_7 : vector<1x256x16xf32> to vector<256x16xf32>
    %add3A = arith.addf %get3A_3, %get3A_8 : vector<256x16xf32>
    %get3A_9 = arith.constant 2 : index
    %get3A_10 = arith.constant 0 : index
    %get3A_11 = arith.constant 0 : index
    %get3A_12 = vector.load %arg1[%get3A_9, %get3A_10, %get3A_11] : memref<4x256x16xf32, #tpu.memory_space<vmem>>, vector<1x256x16xf32>
    %get3A_13 = vector.shape_cast %get3A_12 : vector<1x256x16xf32> to vector<256x16xf32>
    %add3A_14 = arith.addf %add3A, %get3A_13 : vector<256x16xf32>
    %get3A_15 = arith.constant 3 : index
    %get3A_16 = arith.constant 0 : index
    %get3A_17 = arith.constant 0 : index
    %get3A_18 = vector.load %arg1[%get3A_15, %get3A_16, %get3A_17] : memref<4x256x16xf32, #tpu.memory_space<vmem>>, vector<1x256x16xf32>
    %get3A_19 = vector.shape_cast %get3A_18 : vector<1x256x16xf32> to vector<256x16xf32>
    %add3A_20 = arith.addf %add3A_14, %get3A_19 : vector<256x16xf32>
    %get3A_21 = arith.constant 0 : index
    %get3A_22 = arith.constant 0 : index
    %get3A_23 = arith.constant 0 : index
    %get3A_24 = vector.load %arg2[%get3A_21, %get3A_22, %get3A_23] : memref<4x256x128xf32, #tpu.memory_space<vmem>>, vector<1x256x128xf32>
    %get3A_25 = vector.shape_cast %get3A_24 : vector<1x256x128xf32> to vector<256x128xf32>
    %get3A_26 = arith.constant 1 : index
    %get3A_27 = arith.constant 0 : index
    %get3A_28 = arith.constant 0 : index
    %get3A_29 = vector.load %arg2[%get3A_26, %get3A_27, %get3A_28] : memref<4x256x128xf32, #tpu.memory_space<vmem>>, vector<1x256x128xf32>
    %get3A_30 = vector.shape_cast %get3A_29 : vector<1x256x128xf32> to vector<256x128xf32>
    %add3A_31 = arith.addf %get3A_25, %get3A_30 : vector<256x128xf32>
    %get3A_32 = arith.constant 2 : index
    %get3A_33 = arith.constant 0 : index
    %get3A_34 = arith.constant 0 : index
    %get3A_35 = vector.load %arg2[%get3A_32, %get3A_33, %get3A_34] : memref<4x256x128xf32, #tpu.memory_space<vmem>>, vector<1x256x128xf32>
    %get3A_36 = vector.shape_cast %get3A_35 : vector<1x256x128xf32> to vector<256x128xf32>
    %add3A_37 = arith.addf %add3A_31, %get3A_36 : vector<256x128xf32>
    %get3A_38 = arith.constant 3 : index
    %get3A_39 = arith.constant 0 : index
    %get3A_40 = arith.constant 0 : index
    %get3A_41 = vector.load %arg2[%get3A_38, %get3A_39, %get3A_40] : memref<4x256x128xf32, #tpu.memory_space<vmem>>, vector<1x256x128xf32>
    %get3A_42 = vector.shape_cast %get3A_41 : vector<1x256x128xf32> to vector<256x128xf32>
    %add3A_43 = arith.addf %add3A_37, %get3A_42 : vector<256x128xf32>
    %get3A_44 = arith.constant 0 : index
    %get3A_45 = arith.constant 0 : index
    %get3A_46 = arith.constant 0 : index
    %get3A_47 = vector.load %arg3[%get3A_44, %get3A_45, %get3A_46] : memref<4x256x128xf32, #tpu.memory_space<vmem>>, vector<1x256x128xf32>
    %get3A_48 = vector.shape_cast %get3A_47 : vector<1x256x128xf32> to vector<256x128xf32>
    %get3A_49 = arith.constant 1 : index
    %get3A_50 = arith.constant 0 : index
    %get3A_51 = arith.constant 0 : index
    %get3A_52 = vector.load %arg3[%get3A_49, %get3A_50, %get3A_51] : memref<4x256x128xf32, #tpu.memory_space<vmem>>, vector<1x256x128xf32>
    %get3A_53 = vector.shape_cast %get3A_52 : vector<1x256x128xf32> to vector<256x128xf32>
    %add3A_54 = arith.addf %get3A_48, %get3A_53 : vector<256x128xf32>
    %get3A_55 = arith.constant 2 : index
    %get3A_56 = arith.constant 0 : index
    %get3A_57 = arith.constant 0 : index
    %get3A_58 = vector.load %arg3[%get3A_55, %get3A_56, %get3A_57] : memref<4x256x128xf32, #tpu.memory_space<vmem>>, vector<1x256x128xf32>
    %get3A_59 = vector.shape_cast %get3A_58 : vector<1x256x128xf32> to vector<256x128xf32>
    %add3A_60 = arith.addf %add3A_54, %get3A_59 : vector<256x128xf32>
    %get3A_61 = arith.constant 3 : index
    %get3A_62 = arith.constant 0 : index
    %get3A_63 = arith.constant 0 : index
    %get3A_64 = vector.load %arg3[%get3A_61, %get3A_62, %get3A_63] : memref<4x256x128xf32, #tpu.memory_space<vmem>>, vector<1x256x128xf32>
    %get3A_65 = vector.shape_cast %get3A_64 : vector<1x256x128xf32> to vector<256x128xf32>
    %add3A_66 = arith.addf %add3A_60, %get3A_65 : vector<256x128xf32>
    %get3A_67 = arith.constant 0 : index
    %get3A_68 = arith.constant 0 : index
    %get3A_69 = vector.load %arg4[%get3A_67, %get3A_68] : memref<16x128xf32, #tpu.memory_space<vmem>>, vector<16x128xf32>
    %dot_general3A = arith.constant dense<0.000000e+00> : vector<256x128xf32>
    %dot_general3A_70 = tpu.matmul %add3A_20, %get3A_69, %dot_general3A {dimension_numbers = #tpu.dot_dimension_numbers<[1], [0], [0], [1], [0, 0, 1, 1], [], []>, transpose_lhs_hint = false} : vector<256x16xf32>, vector<16x128xf32>, vector<256x128xf32> -> vector<256x128xf32>
    %get3A_71 = arith.constant 0 : index
    %get3A_72 = arith.constant 0 : index
    %get3A_73 = vector.load %arg5[%get3A_71, %get3A_72] : memref<128x128xf32, #tpu.memory_space<vmem>>, vector<128x128xf32>
    %dot_general3A_74 = arith.constant dense<0.000000e+00> : vector<256x128xf32>
    %dot_general3A_75 = tpu.matmul %add3A_43, %get3A_73, %dot_general3A_74 {dimension_numbers = #tpu.dot_dimension_numbers<[1], [0], [0], [1], [0, 0, 1, 1], [], []>, transpose_lhs_hint = false} : vector<256x128xf32>, vector<128x128xf32>, vector<256x128xf32> -> vector<256x128xf32>
    %add3A_76 = arith.addf %dot_general3A_70, %dot_general3A_75 : vector<256x128xf32>
    %get3A_77 = arith.constant 0 : index
    %get3A_78 = arith.constant 0 : index
    %get3A_79 = vector.load %arg6[%get3A_77, %get3A_78] : memref<128x128xf32, #tpu.memory_space<vmem>>, vector<128x128xf32>
    %dot_general3A_80 = arith.constant dense<0.000000e+00> : vector<256x128xf32>
    %dot_general3A_81 = tpu.matmul %add3A_66, %get3A_79, %dot_general3A_80 {dimension_numbers = #tpu.dot_dimension_numbers<[1], [0], [0], [1], [0, 0, 1, 1], [], []>, transpose_lhs_hint = false} : vector<256x128xf32>, vector<128x128xf32>, vector<256x128xf32> -> vector<256x128xf32>
    %add3A_82 = arith.addf %add3A_76, %dot_general3A_81 : vector<256x128xf32>
    %get3A_83 = arith.constant 0 : index
    %get3A_84 = arith.constant 0 : index
    %get3A_85 = vector.load %arg7[%get3A_83, %get3A_84] : memref<1x128xf32, #tpu.memory_space<vmem>>, vector<1x128xf32>
    %add3A_86 = vector.broadcast %get3A_85 : vector<1x128xf32> to vector<256x128xf32>
    %add3A_87 = arith.addf %add3A_82, %add3A_86 : vector<256x128xf32>
    %max3A = arith.constant 0.000000e+00 : f32
    %max3A_88 = vector.broadcast %max3A : f32 to vector<256x128xf32>
    %max3A_89 = arith.maximumf %add3A_87, %max3A_88 : vector<256x128xf32>
    %swap3A = arith.constant 0 : index
    %swap3A_90 = arith.constant 0 : index
    %swap3A_91 = vector.load %arg8[%swap3A, %swap3A_90] : memref<256x128xf32, #tpu.memory_space<vmem>>, vector<256x128xf32>
    tpu.vector_store %arg8[%swap3A, %swap3A_90], %max3A_89 {strides = array<i32>} : memref<256x128xf32, #tpu.memory_space<vmem>>, vector<256x128xf32>,
    return
  }
  func.func @transform_0(%arg0: i32) -> (i32, i32, i32) {
    %c0_i32 = arith.constant 0 : i32
    %c0_i32_0 = arith.constant 0 : i32
    %c0_i32_1 = arith.constant 0 : i32
    return %c0_i32, %arg0, %c0_i32_0 : i32, i32, i32
  }
  func.func @transform_1(%arg0: i32) -> (i32, i32, i32) {
    %c0_i32 = arith.constant 0 : i32
    %c0_i32_0 = arith.constant 0 : i32
    %c0_i32_1 = arith.constant 0 : i32
    return %c0_i32, %arg0, %c0_i32_0 : i32, i32, i32
  }
  func.func @transform_2(%arg0: i32) -> (i32, i32, i32) {
    %c0_i32 = arith.constant 0 : i32
    %c0_i32_0 = arith.constant 0 : i32
    %c0_i32_1 = arith.constant 0 : i32
    return %c0_i32, %arg0, %c0_i32_0 : i32, i32, i32
  }
  func.func @transform_3(%arg0: i32) -> (i32, i32) {
    %c0_i32 = arith.constant 0 : i32
    %c0_i32_0 = arith.constant 0 : i32
    %c0_i32_1 = arith.constant 0 : i32
    return %c0_i32, %c0_i32_0 : i32, i32
  }
  func.func @transform_4(%arg0: i32) -> (i32, i32) {
    %c0_i32 = arith.constant 0 : i32
    %c0_i32_0 = arith.constant 0 : i32
    %c0_i32_1 = arith.constant 0 : i32
    return %c0_i32, %c0_i32_0 : i32, i32
  }
  func.func @transform_5(%arg0: i32) -> (i32, i32) {
    %c0_i32 = arith.constant 0 : i32
    %c0_i32_0 = arith.constant 0 : i32
    %c0_i32_1 = arith.constant 0 : i32
    return %c0_i32, %c0_i32_0 : i32, i32
  }
  func.func @transform_6(%arg0: i32) -> (i32, i32) {
    %c0_i32 = arith.constant 0 : i32
    %c0_i32_0 = arith.constant 0 : i32
    %c0_i32_1 = arith.constant 0 : i32
    return %c0_i32, %c0_i32_0 : i32, i32
  }
  func.func @transform_7(%arg0: i32) -> (i32, i32) {
    %c0_i32 = arith.constant 0 : i32
    %c0_i32_0 = arith.constant 0 : i32
    return %arg0, %c0_i32 : i32, i32
  }
}

module attributes {stable_mosaic.version = 14 : i64} {
  func.func @_k5_body(%arg0: i32, %arg1: memref<256x128xf32, #tpu.memory_space<vmem>>, %arg2: memref<128x512xf32, #tpu.memory_space<vmem>>, %arg3: memref<1x512xf32, #tpu.memory_space<vmem>>, %arg4: memref<256x512xf32, #tpu.memory_space<vmem>>) attributes {dimension_semantics = [#tpu.dimension_semantics<arbitrary>], iteration_bounds = array<i64: 128>, scalar_prefetch = 0 : i64, scratch_operands = 0 : i64, tpu.core_type = #tpu.core_type<tc>, window_params = [{transform_indices = @transform_0, window_bounds = array<i64: 256, 128>}, {pipeline_mode = #tpu.pipeline_mode<synchronous>, transform_indices = @transform_1, window_bounds = array<i64: 128, 512>}, {pipeline_mode = #tpu.pipeline_mode<synchronous>, transform_indices = @transform_2, window_bounds = array<i64: 1, 512>}, {transform_indices = @transform_3, window_bounds = array<i64: 256, 512>}]} {
    %get3A = arith.constant 0 : index
    %get3A_0 = arith.constant 0 : index
    %get3A_1 = vector.load %arg1[%get3A, %get3A_0] : memref<256x128xf32, #tpu.memory_space<vmem>>, vector<256x128xf32>
    %get3A_2 = arith.constant 0 : index
    %get3A_3 = arith.constant 0 : index
    %get3A_4 = vector.load %arg2[%get3A_2, %get3A_3] : memref<128x512xf32, #tpu.memory_space<vmem>>, vector<128x512xf32>
    %dot_general3A = arith.constant dense<0.000000e+00> : vector<256x512xf32>
    %dot_general3A_5 = tpu.matmul %get3A_1, %get3A_4, %dot_general3A {dimension_numbers = #tpu.dot_dimension_numbers<[1], [0], [0], [1], [0, 0, 1, 1], [], []>, transpose_lhs_hint = false} : vector<256x128xf32>, vector<128x512xf32>, vector<256x512xf32> -> vector<256x512xf32>
    %get3A_6 = arith.constant 0 : index
    %get3A_7 = arith.constant 0 : index
    %get3A_8 = vector.load %arg3[%get3A_6, %get3A_7] : memref<1x512xf32, #tpu.memory_space<vmem>>, vector<1x512xf32>
    %add3A = vector.broadcast %get3A_8 : vector<1x512xf32> to vector<256x512xf32>
    %add3A_9 = arith.addf %dot_general3A_5, %add3A : vector<256x512xf32>
    %swap3A = arith.constant 0 : index
    %swap3A_10 = arith.constant 0 : index
    %swap3A_11 = vector.load %arg4[%swap3A, %swap3A_10] : memref<256x512xf32, #tpu.memory_space<vmem>>, vector<256x512xf32>
    tpu.vector_store %arg4[%swap3A, %swap3A_10], %add3A_9 {strides = array<i32>} : memref<256x512xf32, #tpu.memory_space<vmem>>, vector<256x512xf32>,
    return
  }
  func.func @transform_0(%arg0: i32) -> (i32, i32) {
    %c0_i32 = arith.constant 0 : i32
    %c0_i32_0 = arith.constant 0 : i32
    return %arg0, %c0_i32 : i32, i32
  }
  func.func @transform_1(%arg0: i32) -> (i32, i32) {
    %c0_i32 = arith.constant 0 : i32
    %c0_i32_0 = arith.constant 0 : i32
    %c0_i32_1 = arith.constant 0 : i32
    return %c0_i32, %c0_i32_0 : i32, i32
  }
  func.func @transform_2(%arg0: i32) -> (i32, i32) {
    %c0_i32 = arith.constant 0 : i32
    %c0_i32_0 = arith.constant 0 : i32
    %c0_i32_1 = arith.constant 0 : i32
    return %c0_i32, %c0_i32_0 : i32, i32
  }
  func.func @transform_3(%arg0: i32) -> (i32, i32) {
    %c0_i32 = arith.constant 0 : i32
    %c0_i32_0 = arith.constant 0 : i32
    return %arg0, %c0_i32 : i32, i32
  }
}

module attributes {stable_mosaic.version = 14 : i64} {
  func.func @_k6_body(%arg0: i32, %arg1: memref<1x64x256xf32, #tpu.memory_space<vmem>>, %arg2: memref<1x64x256xf32, #tpu.memory_space<vmem>>, %arg3: memref<64x256xf32, #tpu.memory_space<vmem>>, %arg4: memref<64x256xf32, #tpu.memory_space<vmem>>, %arg5: memref<64x128xf32, #tpu.memory_space<vmem>>, %arg6: memref<64x64xf32, #tpu.memory_space<vmem>>, %arg7: memref<64x64xf32, #tpu.memory_space<vmem>>, %arg8: memref<64x64xf32, #tpu.memory_space<vmem>>, %arg9: memref<64x64xf32, #tpu.memory_space<vmem>>, %arg10: memref<64x64xf32, #tpu.memory_space<vmem>>, %arg11: memref<64x64xf32, #tpu.memory_space<vmem>>) attributes {dimension_semantics = [#tpu.dimension_semantics<arbitrary>], iteration_bounds = array<i64: 512>, scalar_prefetch = 0 : i64, scratch_operands = 6 : i64, tpu.core_type = #tpu.core_type<tc>, window_params = [{transform_indices = @transform_0, window_bounds = array<i64: 1, 64, 256>}, {transform_indices = @transform_1, window_bounds = array<i64: 1, 64, 256>}, {pipeline_mode = #tpu.pipeline_mode<synchronous>, transform_indices = @transform_2, window_bounds = array<i64: 64, 256>}, {pipeline_mode = #tpu.pipeline_mode<synchronous>, transform_indices = @transform_3, window_bounds = array<i64: 64, 256>}, {pipeline_mode = #tpu.pipeline_mode<synchronous>, transform_indices = @transform_4, window_bounds = array<i64: 64, 128>}]} {
    %eq3A = arith.constant 0 : i32
    %eq3A_0 = arith.cmpi eq, %arg0, %eq3A : i32
    %convert_element_type3A = arith.extui %eq3A_0 : i1 to i32
    %cond3A = arith.constant 0 : i32
    %cond3A_1 = arith.cmpi ne, %convert_element_type3A, %cond3A : i32
    scf.if %cond3A_1 {
      %broadcast_in_dim3A = arith.constant 0.000000e+00 : f32
      %broadcast_in_dim3A_114 = vector.broadcast %broadcast_in_dim3A : f32 to vector<64x64xf32>
      %swap3A_115 = arith.constant 0 : index
      %swap3A_116 = arith.constant 0 : index
      %swap3A_117 = vector.load %arg6[%swap3A_115, %swap3A_116] : memref<64x64xf32, #tpu.memory_space<vmem>>, vector<64x64xf32>
      tpu.vector_store %arg6[%swap3A_115, %swap3A_116], %broadcast_in_dim3A_114 {strides = array<i32>} : memref<64x64xf32, #tpu.memory_space<vmem>>, vector<64x64xf32>,
      %swap3A_118 = arith.constant 0 : index
      %swap3A_119 = arith.constant 0 : index
      %swap3A_120 = vector.load %arg7[%swap3A_118, %swap3A_119] : memref<64x64xf32, #tpu.memory_space<vmem>>, vector<64x64xf32>
      tpu.vector_store %arg7[%swap3A_118, %swap3A_119], %broadcast_in_dim3A_114 {strides = array<i32>} : memref<64x64xf32, #tpu.memory_space<vmem>>, vector<64x64xf32>,
      %swap3A_121 = arith.constant 0 : index
      %swap3A_122 = arith.constant 0 : index
      %swap3A_123 = vector.load %arg8[%swap3A_121, %swap3A_122] : memref<64x64xf32, #tpu.memory_space<vmem>>, vector<64x64xf32>
      tpu.vector_store %arg8[%swap3A_121, %swap3A_122], %broadcast_in_dim3A_114 {strides = array<i32>} : memref<64x64xf32, #tpu.memory_space<vmem>>, vector<64x64xf32>,
      %swap3A_124 = arith.constant 0 : index
      %swap3A_125 = arith.constant 0 : index
      %swap3A_126 = vector.load %arg9[%swap3A_124, %swap3A_125] : memref<64x64xf32, #tpu.memory_space<vmem>>, vector<64x64xf32>
      tpu.vector_store %arg9[%swap3A_124, %swap3A_125], %broadcast_in_dim3A_114 {strides = array<i32>} : memref<64x64xf32, #tpu.memory_space<vmem>>, vector<64x64xf32>,
      %broadcast_in_dim3A_127 = arith.constant 0xFF800000 : f32
      %broadcast_in_dim3A_128 = vector.broadcast %broadcast_in_dim3A_127 : f32 to vector<64x64xf32>
      %swap3A_129 = arith.constant 0 : index
      %swap3A_130 = arith.constant 0 : index
      %swap3A_131 = vector.load %arg10[%swap3A_129, %swap3A_130] : memref<64x64xf32, #tpu.memory_space<vmem>>, vector<64x64xf32>
      tpu.vector_store %arg10[%swap3A_129, %swap3A_130], %broadcast_in_dim3A_128 {strides = array<i32>} : memref<64x64xf32, #tpu.memory_space<vmem>>, vector<64x64xf32>,
      %broadcast_in_dim3A_132 = arith.constant 0xFF800000 : f32
      %broadcast_in_dim3A_133 = vector.broadcast %broadcast_in_dim3A_132 : f32 to vector<64x64xf32>
      %swap3A_134 = arith.constant 0 : index
      %swap3A_135 = arith.constant 0 : index
      %swap3A_136 = vector.load %arg11[%swap3A_134, %swap3A_135] : memref<64x64xf32, #tpu.memory_space<vmem>>, vector<64x64xf32>
      tpu.vector_store %arg11[%swap3A_134, %swap3A_135], %broadcast_in_dim3A_133 {strides = array<i32>} : memref<64x64xf32, #tpu.memory_space<vmem>>, vector<64x64xf32>,
    } else {
    }
    %get3A = arith.constant 0 : index
    %get3A_2 = arith.constant 0 : index
    %get3A_3 = arith.constant 0 : index
    %get3A_4 = vector.load %arg1[%get3A, %get3A_2, %get3A_3] : memref<1x64x256xf32, #tpu.memory_space<vmem>>, vector<1x64x256xf32>
    %get3A_5 = vector.shape_cast %get3A_4 : vector<1x64x256xf32> to vector<64x256xf32>
    %get3A_6 = arith.constant 0 : index
    %get3A_7 = arith.constant 0 : index
    %get3A_8 = vector.load %arg6[%get3A_6, %get3A_7] : memref<64x64xf32, #tpu.memory_space<vmem>>, vector<64x64xf32>
    %get3A_9 = arith.constant 0 : index
    %get3A_10 = arith.constant 0 : index
    %get3A_11 = vector.load %arg7[%get3A_9, %get3A_10] : memref<64x64xf32, #tpu.memory_space<vmem>>, vector<64x64xf32>
    %get3A_12 = arith.constant 0 : index
    %get3A_13 = arith.constant 0 : index
    %get3A_14 = vector.load %arg3[%get3A_12, %get3A_13] : memref<64x256xf32, #tpu.memory_space<vmem>>, vector<64x256xf32>
    %dot_general3A = arith.constant dense<0.000000e+00> : vector<64x256xf32>
    %dot_general3A_15 = tpu.matmul %get3A_8, %get3A_14, %dot_general3A {dimension_numbers = #tpu.dot_dimension_numbers<[1], [0], [0], [1], [0, 0, 1, 1], [], []>, transpose_lhs_hint = false} : vector<64x64xf32>, vector<64x256xf32>, vector<64x256xf32> -> vector<64x256xf32>
    %add3A = arith.addf %get3A_5, %dot_general3A_15 : vector<64x256xf32>
    %slice3A = vector.extract_strided_slice %add3A {offsets = [0, 0], sizes = [64, 64], strides = [1, 1]} : vector<64x256xf32> to vector<64x64xf32>
    %logistic3A = arith.negf %slice3A : vector<64x64xf32>
    %logistic3A_16 = math.exp %logistic3A : vector<64x64xf32>
    %logistic3A_17 = arith.constant 1.000000e+00 : f32
    %logistic3A_18 = vector.broadcast %logistic3A_17 : f32 to vector<64x64xf32>
    %logistic3A_19 = arith.addf %logistic3A_18, %logistic3A_16 : vector<64x64xf32>
    %logistic3A_20 = arith.divf %logistic3A_18, %logistic3A_19 : vector<64x64xf32>
    %slice3A_21 = vector.extract_strided_slice %add3A {offsets = [0, 64], sizes = [64, 64], strides = [1, 1]} : vector<64x256xf32> to vector<64x64xf32>
    %logistic3A_22 = arith.negf %slice3A_21 : vector<64x64xf32>
    %logistic3A_23 = math.exp %logistic3A_22 : vector<64x64xf32>
    %logistic3A_24 = arith.constant 1.000000e+00 : f32
    %logistic3A_25 = vector.broadcast %logistic3A_24 : f32 to vector<64x64xf32>
    %logistic3A_26 = arith.addf %logistic3A_25, %logistic3A_23 : vector<64x64xf32>
    %logistic3A_27 = arith.divf %logistic3A_25, %logistic3A_26 : vector<64x64xf32>
    %slice3A_28 = vector.extract_strided_slice %add3A {offsets = [0, 128], sizes = [64, 64], strides = [1, 1]} : vector<64x256xf32> to vector<64x64xf32>
    %tanh3A = math.tanh %slice3A_28 : vector<64x64xf32>
    %slice3A_29 = vector.extract_strided_slice %add3A {offsets = [0, 192], sizes = [64, 64], strides = [1, 1]} : vector<64x256xf32> to vector<64x64xf32>
    %logistic3A_30 = arith.negf %slice3A_29 : vector<64x64xf32>
    %logistic3A_31 = math.exp %logistic3A_30 : vector<64x64xf32>
    %logistic3A_32 = arith.constant 1.000000e+00 : f32
    %logistic3A_33 = vector.broadcast %logistic3A_32 : f32 to vector<64x64xf32>
    %logistic3A_34 = arith.addf %logistic3A_33, %logistic3A_31 : vector<64x64xf32>
    %logistic3A_35 = arith.divf %logistic3A_33, %logistic3A_34 : vector<64x64xf32>
    %mul3A = arith.mulf %logistic3A_27, %get3A_11 : vector<64x64xf32>
    %mul3A_36 = arith.mulf %logistic3A_20, %tanh3A : vector<64x64xf32>
    %add3A_37 = arith.addf %mul3A, %mul3A_36 : vector<64x64xf32>
    %tanh3A_38 = math.tanh %add3A_37 : vector<64x64xf32>
    %mul3A_39 = arith.mulf %logistic3A_35, %tanh3A_38 : vector<64x64xf32>
    %swap3A = arith.constant 0 : index
    %swap3A_40 = arith.constant 0 : index
    %swap3A_41 = vector.load %arg6[%swap3A, %swap3A_40] : memref<64x64xf32, #tpu.memory_space<vmem>>, vector<64x64xf32>
    tpu.vector_store %arg6[%swap3A, %swap3A_40], %mul3A_39 {strides = array<i32>} : memref<64x64xf32, #tpu.memory_space<vmem>>, vector<64x64xf32>,
    %swap3A_42 = arith.constant 0 : index
    %swap3A_43 = arith.constant 0 : index
    %swap3A_44 = vector.load %arg7[%swap3A_42, %swap3A_43] : memref<64x64xf32, #tpu.memory_space<vmem>>, vector<64x64xf32>
    tpu.vector_store %arg7[%swap3A_42, %swap3A_43], %add3A_37 {strides = array<i32>} : memref<64x64xf32, #tpu.memory_space<vmem>>, vector<64x64xf32>,
    %get3A_45 = arith.constant 0 : index
    %get3A_46 = arith.constant 0 : index
    %get3A_47 = vector.load %arg10[%get3A_45, %get3A_46] : memref<64x64xf32, #tpu.memory_space<vmem>>, vector<64x64xf32>
    %max3A = arith.maximumf %get3A_47, %mul3A_39 : vector<64x64xf32>
    %swap3A_48 = arith.constant 0 : index
    %swap3A_49 = arith.constant 0 : index
    %swap3A_50 = vector.load %arg10[%swap3A_48, %swap3A_49] : memref<64x64xf32, #tpu.memory_space<vmem>>, vector<64x64xf32>
    tpu.vector_store %arg10[%swap3A_48, %swap3A_49], %max3A {strides = array<i32>} : memref<64x64xf32, #tpu.memory_space<vmem>>, vector<64x64xf32>,
    %get3A_51 = arith.constant 0 : index
    %get3A_52 = arith.constant 0 : index
    %get3A_53 = arith.constant 0 : index
    %get3A_54 = vector.load %arg2[%get3A_51, %get3A_52, %get3A_53] : memref<1x64x256xf32, #tpu.memory_space<vmem>>, vector<1x64x256xf32>
    %get3A_55 = vector.shape_cast %get3A_54 : vector<1x64x256xf32> to vector<64x256xf32>
    %get3A_56 = arith.constant 0 : index
    %get3A_57 = arith.constant 0 : index
    %get3A_58 = vector.load %arg8[%get3A_56, %get3A_57] : memref<64x64xf32, #tpu.memory_space<vmem>>, vector<64x64xf32>
    %get3A_59 = arith.constant 0 : index
    %get3A_60 = arith.constant 0 : index
    %get3A_61 = vector.load %arg9[%get3A_59, %get3A_60] : memref<64x64xf32, #tpu.memory_space<vmem>>, vector<64x64xf32>
    %get3A_62 = arith.constant 0 : index
    %get3A_63 = arith.constant 0 : index
    %get3A_64 = vector.load %arg4[%get3A_62, %get3A_63] : memref<64x256xf32, #tpu.memory_space<vmem>>, vector<64x256xf32>
    %dot_general3A_65 = arith.constant dense<0.000000e+00> : vector<64x256xf32>
    %dot_general3A_66 = tpu.matmul %get3A_58, %get3A_64, %dot_general3A_65 {dimension_numbers = #tpu.dot_dimension_numbers<[1], [0], [0], [1], [0, 0, 1, 1], [], []>, transpose_lhs_hint = false} : vector<64x64xf32>, vector<64x256xf32>, vector<64x256xf32> -> vector<64x256xf32>
    %add3A_67 = arith.addf %get3A_55, %dot_general3A_66 : vector<64x256xf32>
    %slice3A_68 = vector.extract_strided_slice %add3A_67 {offsets = [0, 0], sizes = [64, 64], strides = [1, 1]} : vector<64x256xf32> to vector<64x64xf32>
    %logistic3A_69 = arith.negf %slice3A_68 : vector<64x64xf32>
    %logistic3A_70 = math.exp %logistic3A_69 : vector<64x64xf32>
    %logistic3A_71 = arith.constant 1.000000e+00 : f32
    %logistic3A_72 = vector.broadcast %logistic3A_71 : f32 to vector<64x64xf32>
    %logistic3A_73 = arith.addf %logistic3A_72, %logistic3A_70 : vector<64x64xf32>
    %logistic3A_74 = arith.divf %logistic3A_72, %logistic3A_73 : vector<64x64xf32>
    %slice3A_75 = vector.extract_strided_slice %add3A_67 {offsets = [0, 64], sizes = [64, 64], strides = [1, 1]} : vector<64x256xf32> to vector<64x64xf32>
    %logistic3A_76 = arith.negf %slice3A_75 : vector<64x64xf32>
    %logistic3A_77 = math.exp %logistic3A_76 : vector<64x64xf32>
    %logistic3A_78 = arith.constant 1.000000e+00 : f32
    %logistic3A_79 = vector.broadcast %logistic3A_78 : f32 to vector<64x64xf32>
    %logistic3A_80 = arith.addf %logistic3A_79, %logistic3A_77 : vector<64x64xf32>
    %logistic3A_81 = arith.divf %logistic3A_79, %logistic3A_80 : vector<64x64xf32>
    %slice3A_82 = vector.extract_strided_slice %add3A_67 {offsets = [0, 128], sizes = [64, 64], strides = [1, 1]} : vector<64x256xf32> to vector<64x64xf32>
    %tanh3A_83 = math.tanh %slice3A_82 : vector<64x64xf32>
    %slice3A_84 = vector.extract_strided_slice %add3A_67 {offsets = [0, 192], sizes = [64, 64], strides = [1, 1]} : vector<64x256xf32> to vector<64x64xf32>
    %logistic3A_85 = arith.negf %slice3A_84 : vector<64x64xf32>
    %logistic3A_86 = math.exp %logistic3A_85 : vector<64x64xf32>
    %logistic3A_87 = arith.constant 1.000000e+00 : f32
    %logistic3A_88 = vector.broadcast %logistic3A_87 : f32 to vector<64x64xf32>
    %logistic3A_89 = arith.addf %logistic3A_88, %logistic3A_86 : vector<64x64xf32>
    %logistic3A_90 = arith.divf %logistic3A_88, %logistic3A_89 : vector<64x64xf32>
    %mul3A_91 = arith.mulf %logistic3A_81, %get3A_61 : vector<64x64xf32>
    %mul3A_92 = arith.mulf %logistic3A_74, %tanh3A_83 : vector<64x64xf32>
    %add3A_93 = arith.addf %mul3A_91, %mul3A_92 : vector<64x64xf32>
    %tanh3A_94 = math.tanh %add3A_93 : vector<64x64xf32>
    %mul3A_95 = arith.mulf %logistic3A_90, %tanh3A_94 : vector<64x64xf32>
    %swap3A_96 = arith.constant 0 : index
    %swap3A_97 = arith.constant 0 : index
    %swap3A_98 = vector.load %arg8[%swap3A_96, %swap3A_97] : memref<64x64xf32, #tpu.memory_space<vmem>>, vector<64x64xf32>
    tpu.vector_store %arg8[%swap3A_96, %swap3A_97], %mul3A_95 {strides = array<i32>} : memref<64x64xf32, #tpu.memory_space<vmem>>, vector<64x64xf32>,
    %swap3A_99 = arith.constant 0 : index
    %swap3A_100 = arith.constant 0 : index
    %swap3A_101 = vector.load %arg9[%swap3A_99, %swap3A_100] : memref<64x64xf32, #tpu.memory_space<vmem>>, vector<64x64xf32>
    tpu.vector_store %arg9[%swap3A_99, %swap3A_100], %add3A_93 {strides = array<i32>} : memref<64x64xf32, #tpu.memory_space<vmem>>, vector<64x64xf32>,
    %get3A_102 = arith.constant 0 : index
    %get3A_103 = arith.constant 0 : index
    %get3A_104 = vector.load %arg11[%get3A_102, %get3A_103] : memref<64x64xf32, #tpu.memory_space<vmem>>, vector<64x64xf32>
    %max3A_105 = arith.maximumf %get3A_104, %mul3A_95 : vector<64x64xf32>
    %swap3A_106 = arith.constant 0 : index
    %swap3A_107 = arith.constant 0 : index
    %swap3A_108 = vector.load %arg11[%swap3A_106, %swap3A_107] : memref<64x64xf32, #tpu.memory_space<vmem>>, vector<64x64xf32>
    tpu.vector_store %arg11[%swap3A_106, %swap3A_107], %max3A_105 {strides = array<i32>} : memref<64x64xf32, #tpu.memory_space<vmem>>, vector<64x64xf32>,
    %eq3A_109 = arith.constant 511 : i32
    %eq3A_110 = arith.cmpi eq, %arg0, %eq3A_109 : i32
    %convert_element_type3A_111 = arith.extui %eq3A_110 : i1 to i32
    %cond3A_112 = arith.constant 0 : i32
    %cond3A_113 = arith.cmpi ne, %convert_element_type3A_111, %cond3A_112 : i32
    scf.if %cond3A_113 {
      %get3A_114 = arith.constant 0 : index
      %get3A_115 = arith.constant 0 : index
      %get3A_116 = vector.load %arg10[%get3A_114, %get3A_115] : memref<64x64xf32, #tpu.memory_space<vmem>>, vector<64x64xf32>
      %get3A_117 = arith.constant 0 : index
      %get3A_118 = arith.constant 0 : index
      %get3A_119 = vector.load %arg11[%get3A_117, %get3A_118] : memref<64x64xf32, #tpu.memory_space<vmem>>, vector<64x64xf32>
      %concatenate3A = tpu.concatenate %get3A_116, %get3A_119 in 1 : vector<64x64xf32>, vector<64x64xf32> -> vector<64x128xf32>
      %swap3A_120 = arith.constant 0 : index
      %swap3A_121 = arith.constant 0 : index
      %swap3A_122 = vector.load %arg5[%swap3A_120, %swap3A_121] : memref<64x128xf32, #tpu.memory_space<vmem>>, vector<64x128xf32>
      tpu.vector_store %arg5[%swap3A_120, %swap3A_121], %concatenate3A {strides = array<i32>} : memref<64x128xf32, #tpu.memory_space<vmem>>, vector<64x128xf32>,
    } else {
    }
    return
  }
  func.func @transform_0(%arg0: i32) -> (i32, i32, i32) {
    %c0_i32 = arith.constant 0 : i32
    %c0_i32_0 = arith.constant 0 : i32
    %c0_i32_1 = arith.constant 0 : i32
    return %arg0, %c0_i32, %c0_i32_0 : i32, i32, i32
  }
  func.func @transform_1(%arg0: i32) -> (i32, i32, i32) {
    %sub3A = arith.constant 511 : i32
    %sub3A_0 = arith.subi %sub3A, %arg0 : i32
    %c0_i32 = arith.constant 0 : i32
    %c1_i32 = arith.constant 1 : i32
    %c0_i32_1 = arith.constant 0 : i32
    return %sub3A_0, %c0_i32, %c1_i32 : i32, i32, i32
  }
  func.func @transform_2(%arg0: i32) -> (i32, i32) {
    %c0_i32 = arith.constant 0 : i32
    %c0_i32_0 = arith.constant 0 : i32
    %c0_i32_1 = arith.constant 0 : i32
    return %c0_i32, %c0_i32_0 : i32, i32
  }
  func.func @transform_3(%arg0: i32) -> (i32, i32) {
    %c0_i32 = arith.constant 0 : i32
    %c0_i32_0 = arith.constant 0 : i32
    %c0_i32_1 = arith.constant 0 : i32
    return %c0_i32, %c0_i32_0 : i32, i32
  }
  func.func @transform_4(%arg0: i32) -> (i32, i32) {
    %c0_i32 = arith.constant 0 : i32
    %c0_i32_0 = arith.constant 0 : i32
    %c0_i32_1 = arith.constant 0 : i32
    return %c0_i32, %c0_i32_0 : i32, i32
  }
}

</mosaic_0001>

<sc_bundles>
// kernel: kernel.16.cloned.1.call-start
scs
__scs_entry_jumppad:
0x0: {  	(pc) =	sbr.rel $0x88, $3  }
0x1: {  	(tag) =	ssettag $0x0;
	lr =	simm.s32 $0x1  }
0x2: {  	[smem:$0x3F89] =	sst lr;
	_ =	strace $0xD0000000  }
0x3: {  	_ = 	snop  }
0x4: {  	_ = 	snop  }
0x5: {  	_ = 	snop  }
0x6: {  	_ = 	snop  }
0x7: {  	_ = 	snop  }
__scs_overlays_trampoline_lowered:
0x8: {  	[smem:$0x3F98] =	sst s0  }
0x9: {  	[smem:$0x3F99] =	sst s1  }
0xa: {  	[smem:$0x3F9A] =	sst s2  }
0xb: {  	[smem:$0x3F9B] =	sst s3  }
0xc: {  	[smem:$0x3F9C] =	sst s4  }
0xd: {  	[smem:$0x3F9D] =	sst s5  }
0xe: {  	[smem:$0x3F9E] =	sst s6  }
0xf: {  	[smem:$0x3F9F] =	sst s7  }
0x10: {  	[smem:$0x3FA0] =	sst s8  }
0x11: {  	[smem:$0x3FA1] =	sst s9;
	s0 =	simm.s32 @!p0 $0x0  }
0x12: {  	s1 =	sld [smem:$0x3F87];
	s0 =	simm.s32 @p0 $0x1  }
0x13: {  	[smem:$0x3FA2] =	sst s0;
	s0 =	simm.s32 @!p1 $0x0  }
0x14: {  	s2 =	sld [smem:$0x3F86];
	s0 =	simm.s32 @p1 $0x1  }
0x15: {  	[smem:$0x3FA3] =	sst s0;
	s0 =	simm.s32 @!p2 $0x0  }
0x16: {  	s3 =	sld [smem:$0x3FDB];
	s0 =	simm.s32 @p2 $0x1  }
0x17: {  	s4 =	simm.s32 $0x1BF5;
	[smem:$0x3FA5] =	sst s0  }
0x18: {  	s0 =	sld [smem:$0x3F88];
	_ =	swait.ge [sflag:s4], $0x0  }
0x19: {  	s7 =	sld [smem:$0x3F89]  }
0x1a: {  	s8 =	sadd.s32 $0xFFFFE003, lr  }
0x1b: {  	s9 =	sadd.s32 $0xFFFFFEF7, lr;
	s5 =	simm.s32 $0xFFFFFFFF;
	p2 =	slt.u32 s8, $0xFFFFF086  }
0x1c: {  	p1 =	slt.u32 s9, $0xF7A;
	s5 =	simm.s32 @!p2 $0x0  }
0x1d: {  	s5 =	simm.s32 @p1 $0x1;
	p0 =	seq.s32 s7, s2  }
0x1e: {  	s7 =	smul.u32 @!p0 $0xF7A, s2;
	p2 =	seq.s32 @!p0 s5, $0x0  }
0x1f: {  	s9 =	smul.u32 $0xF7A, s1;
	s8 =	simm.s32 @!p0 $0x1BF5;
	p2 =	por !p2, p0  }
0x20: {  	[sflag:s8] =	ssyncset.s32 @!p0 $0xFFFFF086;
	s6 =	sadd.s32 @!p0 s3, s7;
	s7 =	simm.s32 @!p0 $0x108  }
0x21: {  	s3 =	sadd.s32 s3, s9;
	s6 =	sadd.s32 @!p0 $0x88, s6;
	s7 =	simm.s32 @p2 $0x1082  }
0x22: {  	[simem:s7], [sflag:s8] =	dma.local @!p0 [hbm:s6], $0xF7A  }
0x23: {  	s9 =	sor.u32 $0xD0000000, s2;
	s6 =	simm.s32 $0x108;
	_ =	swait.ge @!p0 [sflag:s8], $0x0  }
0x24: {  	s3 =	sadd.s32 $0x88, s3;
	s6 =	simm.s32 @!p1 $0x1082;
	[sflag:s4] =	ssyncset.s32 $0xFFFFF086  }
0x25: {  	[simem:s6], [sflag:s4] =	dma.local [hbm:s3], $0xF7A  }
0x26: {  	[smem:$0x3F89] =	sst s1;
	(tag) =	ssettag s2;
	_ =	strace s9  }
0x27: {  	s1 =	sld [smem:$0x3F99]  }
0x28: {  	s2 =	sld [smem:$0x3F9A]  }
0x29: {  	s4 =	sld [smem:$0x3F9C]  }
0x2a: {  	p0 =	seq.s32 s5, $0x0;
	s5 =	sld [smem:$0x3F9D]  }
0x2b: {  	s6 =	sld [smem:$0x3F9E]  }
0x2c: {  	s7 =	sld [smem:$0x3F9F]  }
0x2d: {  	s3 =	simm.s32 $0x108;
	s8 =	sld [smem:$0x3FA0]  }
0x2e: {  	s3 =	simm.s32 @!p0 $0x1082;
	s9 =	sld [smem:$0x3FA1]  }
0x2f: {  	lr =	sadd.s32 s0, s3;
	s0 =	sld [smem:$0x3F98]  }
0x30: {  	s3 =	sld [smem:$0x3F9B]  }
0x31: {  	[smem:$0x3FA4] =	sst s10  }
0x32: {  	s10 =	sld [smem:$0x3FA2];
	_ =	sdelay $0x3  }
0x33: {  	p0 =	seq.s32 s10, $0x1;
	s10 =	sld [smem:$0x3FA4];
	_ =	sdelay $0x3  }
0x34: {  	[smem:$0x3FA4] =	sst s10  }
0x35: {  	s10 =	sld [smem:$0x3FA3];
	_ =	sdelay $0x3  }
0x36: {  	p1 =	seq.s32 s10, $0x1;
	s10 =	sld [smem:$0x3FA4];
	_ =	sdelay $0x3  }
0x37: {  	[smem:$0x3FA4] =	sst s10  }
0x38: {  	s10 =	sld [smem:$0x3FA5]  }
0x39: {  	_ = 	snop;
	(pc) =	sbr.ind lr, $3  }
0x3a: {  	_ = 	snop  }
0x3b: {  	_ = 	snop  }
0x3c: {  	p2 =	seq.s32 s10, $0x1;
	s10 =	sld [smem:$0x3FA4]  }
0x3d: {  	_ =	shalt  }
0x3e: {  	_ =	shalt  }
0x3f: {  	_ =	shalt  }
0x40: {  	_ =	shalt  }
0x41: {  	_ =	shalt  }
0x42: {  	_ =	shalt  }
0x43: {  	_ =	shalt  }
0x44: {  	_ =	shalt  }
0x45: {  	_ =	shalt  }
0x46: {  	_ =	shalt  }
0x47: {  	_ =	shalt  }
0x48: {  	_ =	shalt  }
0x49: {  	_ =	shalt  }
0x4a: {  	_ =	shalt  }
0x4b: {  	_ =	shalt  }
0x4c: {  	_ =	shalt  }
0x4d: {  	_ =	shalt  }
0x4e: {  	_ =	shalt  }
0x4f: {  	_ =	shalt  }
0x50: {  	_ =	shalt  }
0x51: {  	_ =	shalt  }
0x52: {  	_ =	shalt  }
0x53: {  	_ =	shalt  }
0x54: {  	_ =	shalt  }
0x55: {  	_ =	shalt  }
0x56: {  	_ =	shalt  }
0x57: {  	_ =	shalt  }
0x58: {  	_ =	shalt  }
0x59: {  	_ =	shalt  }
0x5a: {  	_ =	shalt  }
0x5b: {  	_ =	shalt  }
0x5c: {  	_ =	shalt  }
0x5d: {  	_ =	shalt  }
0x5e: {  	_ =	shalt  }
0x5f: {  	_ =	shalt  }
0x60: {  	_ =	shalt  }
0x61: {  	_ =	shalt  }
0x62: {  	_ =	shalt  }
0x63: {  	_ =	shalt  }
0x64: {  	_ =	shalt  }
0x65: {  	_ =	shalt  }
0x66: {  	_ =	shalt  }
0x67: {  	_ =	shalt  }
0x68: {  	_ =	shalt  }
0x69: {  	_ =	shalt  }
0x6a: {  	_ =	shalt  }
0x6b: {  	_ =	shalt  }
0x6c: {  	_ =	shalt  }
0x6d: {  	_ =	shalt  }
0x6e: {  	_ =	shalt  }
0x6f: {  	_ =	shalt  }
0x70: {  	_ =	shalt  }
0x71: {  	_ =	shalt  }
0x72: {  	_ =	shalt  }
0x73: {  	_ =	shalt  }
0x74: {  	_ =	shalt  }
0x75: {  	_ =	shalt  }
0x76: {  	_ =	shalt  }
0x77: {  	_ =	shalt  }
0x78: {  	_ =	shalt  }
0x79: {  	_ =	shalt  }
0x7a: {  	_ =	shalt  }
0x7b: {  	_ =	shalt  }
0x7c: {  	_ =	shalt  }
0x7d: {  	_ =	shalt  }
0x7e: {  	_ =	shalt  }
0x7f: {  	_ =	shalt  }
0x80: {  	_ =	shalt  }
0x81: {  	_ =	shalt  }
0x82: {  	_ =	shalt  }
0x83: {  	_ =	shalt  }
0x84: {  	_ =	shalt  }
0x85: {  	_ =	shalt  }
0x86: {  	_ =	shalt  }
0x87: {  	_ =	shalt  }
.Lfunc_end0:
.L_simem_size_0:
called_computation_lowered:
.L_overlay_start_0:
0x88: {  	s2 =	sld [smem:$0x3FD9]  }
0x89: {  	s3 =	sld [smem:$0x3FFE];
	_ =	sdelay $0x1  }
0x8a: {  	s1 =	srdreg.scid  }
0x8b: {  	s0 =	sand.u32 $0x1, s1  }
0x8c: {  	s17 =	sshll.u32 s0, $0xA;
	s2 =	sadd.s32 s3, s2  }
0x8d: {  	s2 =	sadd.s32 s2, s17  }
0x8e: {  	[smem:$0x3FB0] =	sst s2  }
0x8f: {  	_ = 	snop  }
0x90: {  	s2 =	sld [smem:$0x3FC9];
	(tm) =	ssettm $0x1  }
0x91: {  	s18 =	sld [smem:$0x3FFB];
	_ =	sdelay $0x3  }
0x92: {  	_ =	strace s18  }
0x93: {  	s3 =	sld [smem:$0x3FFC];
	_ =	sdelay $0x3  }
0x94: {  	_ =	strace s3  }
0x95: {  	s3 =	sld [smem:$0x3FFD];
	_ =	sdelay $0x3  }
0x96: {  	_ =	strace s3  }
0x97: {  	_ =	strace $0x8FFFFFFF  }
0x98: {  	s19 =	sld [smem:$0x3FDB];
	_ =	sdelay $0x1  }
0x99: {  	s4 =	simm.s32 $_scs_section_size  }
0x9a: {  	s5 =	simm.s32 $_size__tile_overlayer_lowered;
	s6 =	simm.s32 $_tile_overlayer_lowered  }
0x9b: {  	s22 =	simm.s32 $0x1BFF;
	s21 =	sshll.u32 s6, $0x1;
	s3 =	sadd.s32 s4, s19  }
0x9c: {  	s7 =	simm.s32 $0x0;
	s20 =	sshll.u32 s5, $0x1;
	s5 =	sadd.s32 s21, s3  }
0x9d: {  	[timem:s7], [sflag:s22] =	dma.local [hbm:s5], s20  }
0x9e: {  	_ =	swait.ge [sflag:s22], s20  }
0x9f: {  	s4 =	ssub.s32 $0x0, s20;
	[sflag:s22] =	ssyncset.done $0x0  }
0xa0: {  	[sflag:s22] =	ssyncadd.s32 s4;
	_ =	sdelay $0x1  }
0xa1: {  	s23 =	simm.s32 $0x1B8B  }
0xa2: {  	_ =	swait.ge [sflag:s23], $0x1  }
0xa3: {  	[sflag:s23] =	ssyncset.done $0x0  }
0xa4: {  	s25 =	simm.s32 $0x1B8E;
	s24 =	sld [smem:$0x3FFE];
	[sflag:s23] =	ssyncadd.s32 $0xFFFFFFFF  }
0xa5: {  	s26 =	simm.s32 $execute0_lowered;
	[smem:$0x3FD2] =	sst s25  }
0xa6: {  	s5 =	sshll.u32 s26, $0x1;
	_ =	strace $0x80000046;
	[dreg:$0x1] =	wrdreg $0xFFFFFFFF  }
0xa7: {  	s28 =	simm.s32 $_size_execute0_lowered;
	s3 =	sadd.s32 s3, s5;
	[dreg:$0x0] =	wrdreg $0x0  }
0xa8: {  	s5 =	sshll.u32 s28, $0x1;
	[dreg:$0x2] =	wrdreg s3  }
0xa9: {  	[dreg:$0x3] =	wrdreg s5  }
0xaa: {  	[dreg:$0x4] =	wrdreg $0xC0  }
0xab: {  	_ =	task [dreg:s7], $0x5FFFF  }
0xac: {  	[dreg:$0x1] =	wrdreg $0xFFFFFFFF  }
0xad: {  	[dreg:$0x0] =	wrdreg $0x60  }
0xae: {  	[dreg:$0x2] =	wrdreg s2  }
0xaf: {  	[dreg:$0x3] =	wrdreg s24  }
0xb0: {  	[dreg:$0x4] =	wrdreg $0xA  }
0xb1: {  	_ =	task.clear_ibuf [dreg:s7], $0x5FFFF;
	_ =	strace $0x90000046  }
0xb2: {  	s29 =	simm.s32 $0xA;
	_ =	strace $0x80000048  }
0xb3: {  	_ =	swait.ge [sflag:s29], $0x1  }
0xb4: {  	[sflag:s29] =	ssyncadd.s32 $0xFFFFFFFF  }
0xb5: {  	_ =	strace $0x90000048  }
0xb6: {  	_ =	sfence  }
0xb7: {  	s30 =	sld [smem:$0x0];
	_ =	sdelay $0x2  }
0xb8: {  	s31 =	sshll.u32 s1, $0xD;
	s1 =	sshrl.u32 s1, $0x2  }
0xb9: {  	s3 =	sand.u32 $0x4000, s31;
	s1 =	sadd.s32 s1, s30  }
0xba: {  	s0 =	sor.u32 s3, s0;
	s1 =	sshll.u32 s1, $0x11  }
0xbb: {  	s0 =	sor.u32 s1, s0  }
0xbc: {  	s0 =	sadd.s32 $0x8F2B, s0  }
0xbd: {  	[sflag:s0] =	ssyncadd.remote.s32 $0x1  }
0xbe: {  	_ =	sfence.sel $0xFFFF  }
0xbf: {  	[dreg:$0x0] =	wrdreg $0xFFFFFFFF;
	(pc) =	sbr.abs _section_cstart, $3  }
0xc0: {  	[dreg:$0x1] =	wrdreg $0xFFFFFFFF  }
0xc1: {  	_ =	task.clear_ibuf [dreg:s7], $0x2FFFF;
	_ =	strace $0x9FFFFFFF  }
0xc2: {  	(tm) =	ssettm $0x7FFFFFFF  }
0xc3: {  	_ =	shalt  }
tec
execute0_lowered:
.L_overlay_start_1:
0x0: {  	(tag) =	ssettag $0x1  }
0x1: {  	s2 =	rddreg [dreg:$0x0];
	s1 =	srdreg.scid  }
0x2: {  	s0 =	stileid.u32;
	s4 =	rddreg [dreg:$0x1];
	s3 =	simm.s32 $0x0  }
0x3: {  	s11 =	simm.s32 $0x0;
	s5 =	sand.u32 $0x1, s1;
	s1 =	rddreg [dreg:$0x2]  }
0x4: {  	s6 =	sshll.u32 s0, $0x1;
	[smem:$0x7FF] =	sst s3;
	s7 =	smul.u32 $0x92800, s0  }
0x5: {  	s6 =	sor.u32 s5, s6;
	s8 =	ssub.s32 $0x2, s5;
	s10 =	smul.u32 $0x49400, s5  }
0x6: {  	_ =	strace $0x80000047;
	s6 =	smul.u32 $0x4940, s6;
	s9 =	sshrl.u32 s8, $0x1  }
0x7: {  	s30 =	sadd.s32 s7, s4;
	s7 =	simm.s32 $0x2;
	s31 =	ssub.s32 s8, s9  }
0x8: {  	s8 =	simm.s32 $0x40;
	s9 =	simm.s32 $0x4980;
	s6 =	sshrl.u32 s6, $0x3  }
0x9: {  	s5 =	smax.u32 s31, $0x1;
	s29 =	sadd.s32 s6, s4;
	s6 =	sadd.s32 s10, s30  }
0xa: {  	s10 =	simm.s32 $0x1;
	s4 =	sadd.s32 $0x18E00, s29;
	s6 =	sadd.s32 $0x2B400, s6  }
.LBB2_1:
0xb: {  	[tilespmem:s3], [sflag:$0x2] =	stream.linear.gather [hbm4b:s4+s3], $0x4940, $0x38;
	[tilespmem:$0x6980] =	vst v63  }
0xc: {  	_ =	swait.ge [sflag:s7], $0x4940  }
0xd: {  	[sflag:s7] =	ssyncset.done $0x0  }
0xe: {  	s12 =	simm.s32 $0x0;
	[sflag:s7] =	ssyncadd.s32 $0xFFFFB6C0  }
0xf: {  	[tilespmem:s9], [sflag:$0x1] =	stream.indirect.gather [hbm4b:s2+s8], $0x80, s12, s8, $0xb8;
	[tilespmem:$0x6980] =	vst v63  }
0x10: {  	_ =	swait.ge [sflag:s10], $0x2000  }
0x11: {  	[sflag:s10] =	ssyncset.done $0x0  }
0x12: {  	[sflag:s10] =	ssyncadd.s32 $0xFFFFE000  }
0x13: {  	[hbm4b:s6+s3] =	stream.linear.scatter [tilespmem:s9], [sflag:$0x2], $0x2000, $0x38;
	[tilespmem:$0x6980] =	vst v63  }
0x14: {  	s13 =	simm.s32 $0x100;
	_ =	swait.ge [sflag:s7], $0x2000  }
0x15: {  	s14 =	simm.s32 $0x200;
	s12 =	sadd.s32 $0x400, s6;
	[sflag:s7] =	ssyncset.done $0x0  }
.LBB2_2:
0x16: {  	s15 =	sshra.s32 s13, $0x2  }
0x17: {  	[sflag:s7] =	ssyncadd.s32 $0xFFFFE000;
	s13 =	smov.u32 s14;
	s16 =	sadd.s32 $0x100, s14  }
0x18: {  	[tilespmem:s9], [sflag:$0x1] =	stream.indirect.gather [hbm4b:s2+s8], $0x80, s15, s8, $0xb8;
	[tilespmem:$0x6980] =	vst v63  }
0x19: {  	p0 =	sne.s32 s14, $0x12400;
	_ =	swait.ge [sflag:s10], $0x2000  }
.Ltmp0:
0x1a: {  	[sflag:s10] =	ssyncset.done $0x0;
	(pc) =	sbr.rel @p0 .LBB2_2-.Ltmp0, $4  }
0x1b: {  	[sflag:s10] =	ssyncadd.s32 $0xFFFFE000  }
0x1c: {  	[hbm4b:s12+s3] =	stream.linear.scatter [tilespmem:s9], [sflag:$0x2], $0x2000, $0x38;
	[tilespmem:$0x6980] =	vst v63  }
0x1d: {  	_ =	swait.ge [sflag:s7], $0x2000  }
0x1e: {  	s14 =	smov.u32 s16;
	s12 =	sadd.s32 $0x400, s12;
	[sflag:s7] =	ssyncset.done $0x0  }
0x1f: {  	s13 =	sshra.s32 s13, $0x2;
	[sflag:s7] =	ssyncadd.s32 $0xFFFFE000  }
0x20: {  	[tilespmem:s9], [sflag:$0x1] =	stream.indirect.gather [hbm4b:s2+s8], $0x80, s13, s8, $0xb8;
	[tilespmem:$0x6980] =	vst v63  }
0x21: {  	s11 =	sadd.s32 $0x1, s11;
	_ =	swait.ge [sflag:s10], $0x2000  }
0x22: {  	p0 =	sne.s32 s11, s5;
	[sflag:s10] =	ssyncset.done $0x0  }
.Ltmp1:
0x23: {  	[sflag:s10] =	ssyncadd.s32 $0xFFFFE000;
	(pc) =	sbr.rel @p0 .LBB2_1-.Ltmp1, $4  }
0x24: {  	[hbm4b:s12+s3] =	stream.linear.scatter [tilespmem:s9], [sflag:$0x2], $0x2000, $0x38;
	[tilespmem:$0x6980] =	vst v63  }
0x25: {  	_ =	swait.ge [sflag:s7], $0x2000  }
0x26: {  	[sflag:s7] =	ssyncset.done $0x0  }
0x27: {  	[sflag:s7] =	ssyncadd.s32 $0xFFFFE000  }
0x28: {  	_ =	sfence.sel $0x180000  }
0x29: {  	[bflag:$0x0] =	sbarrier.arrive $0xFFFF  }
0x2a: {  	p0 =	sne.s32 s0, $0x0;
	_ =	strace $0x90000047  }
0x2b: {  	s0 =	sadd.s32 @!p0 $0x100000, s1;
	[bflag:$0x2] =	sbarrier.arrive $0xFFFF  }
0x2c: {  	[sflag:s0] =	ssyncadd.tile.s32 @!p0 $0x1;
	_ =	shalt  }
.Lfunc_end2:
_tile_overlayer_lowered:
.L_overlay_start_2:
0x2d: {  	(tag) =	ssettag $0x2  }
0x2e: {  	s0 =	rddreg [dreg:$0x0];
	s2 =	stileid.u32  }
0x2f: {  	s1 =	rddreg [dreg:$0x1];
	p0 =	sne.s32 s2, $0x0  }
0x30: {  	s3 =	rddreg [dreg:$0x2];
	[bflag:$0x3] =	sbarrier.arrive $0xFFFF;
	s2 =	simm.s32 @!p0 $0x1C02  }
0x31: {  	[timem:s3], [sflag:s2] =	dma.local @!p0 [hbm:s0], s1  }
0x32: {  	s0 =	simm.s32 @!p0 $0x2  }
0x33: {  	_ =	swait.ge @!p0 [sflag:s0], s1  }
0x34: {  	s1 =	ssub.s32 @!p0 $0x0, s1;
	[sflag:s0] =	ssyncset.done @!p0 $0x0  }
0x35: {  	[sflag:s0] =	ssyncadd.s32 @!p0 s1  }
0x36: {  	[bflag:$0x3] =	sbarrier.arrive $0xFFFF  }
0x37: {  	_ =	shalt  }

// kernel: kernel.19.cloned.1.call-start
scs
__scs_entry_jumppad:
0x0: {  	(pc) =	sbr.rel $0x88, $3  }
0x1: {  	(tag) =	ssettag $0x0;
	lr =	simm.s32 $0x1  }
0x2: {  	[smem:$0x3F89] =	sst lr;
	_ =	strace $0xD0000000  }
0x3: {  	_ = 	snop  }
0x4: {  	_ = 	snop  }
0x5: {  	_ = 	snop  }
0x6: {  	_ = 	snop  }
0x7: {  	_ = 	snop  }
__scs_overlays_trampoline_lowered:
0x8: {  	[smem:$0x3F98] =	sst s0  }
0x9: {  	[smem:$0x3F99] =	sst s1  }
0xa: {  	[smem:$0x3F9A] =	sst s2  }
0xb: {  	[smem:$0x3F9B] =	sst s3  }
0xc: {  	[smem:$0x3F9C] =	sst s4  }
0xd: {  	[smem:$0x3F9D] =	sst s5  }
0xe: {  	[smem:$0x3F9E] =	sst s6  }
0xf: {  	[smem:$0x3F9F] =	sst s7  }
0x10: {  	[smem:$0x3FA0] =	sst s8  }
0x11: {  	[smem:$0x3FA1] =	sst s9;
	s0 =	simm.s32 @!p0 $0x0  }
0x12: {  	s1 =	sld [smem:$0x3F87];
	s0 =	simm.s32 @p0 $0x1  }
0x13: {  	[smem:$0x3FA2] =	sst s0;
	s0 =	simm.s32 @!p1 $0x0  }
0x14: {  	s2 =	sld [smem:$0x3F86];
	s0 =	simm.s32 @p1 $0x1  }
0x15: {  	[smem:$0x3FA3] =	sst s0;
	s0 =	simm.s32 @!p2 $0x0  }
0x16: {  	s3 =	sld [smem:$0x3FDB];
	s0 =	simm.s32 @p2 $0x1  }
0x17: {  	s4 =	simm.s32 $0x1BF5;
	[smem:$0x3FA5] =	sst s0  }
0x18: {  	s0 =	sld [smem:$0x3F88];
	_ =	swait.ge [sflag:s4], $0x0  }
0x19: {  	s7 =	sld [smem:$0x3F89]  }
0x1a: {  	s8 =	sadd.s32 $0xFFFFE003, lr  }
0x1b: {  	s9 =	sadd.s32 $0xFFFFFEF7, lr;
	s5 =	simm.s32 $0xFFFFFFFF;
	p2 =	slt.u32 s8, $0xFFFFF086  }
0x1c: {  	p1 =	slt.u32 s9, $0xF7A;
	s5 =	simm.s32 @!p2 $0x0  }
0x1d: {  	s5 =	simm.s32 @p1 $0x1;
	p0 =	seq.s32 s7, s2  }
0x1e: {  	s7 =	smul.u32 @!p0 $0xF7A, s2;
	p2 =	seq.s32 @!p0 s5, $0x0  }
0x1f: {  	s9 =	smul.u32 $0xF7A, s1;
	s8 =	simm.s32 @!p0 $0x1BF5;
	p2 =	por !p2, p0  }
0x20: {  	[sflag:s8] =	ssyncset.s32 @!p0 $0xFFFFF086;
	s6 =	sadd.s32 @!p0 s3, s7;
	s7 =	simm.s32 @!p0 $0x108  }
0x21: {  	s3 =	sadd.s32 s3, s9;
	s6 =	sadd.s32 @!p0 $0x88, s6;
	s7 =	simm.s32 @p2 $0x1082  }
0x22: {  	[simem:s7], [sflag:s8] =	dma.local @!p0 [hbm:s6], $0xF7A  }
0x23: {  	s9 =	sor.u32 $0xD0000000, s2;
	s6 =	simm.s32 $0x108;
	_ =	swait.ge @!p0 [sflag:s8], $0x0  }
0x24: {  	s3 =	sadd.s32 $0x88, s3;
	s6 =	simm.s32 @!p1 $0x1082;
	[sflag:s4] =	ssyncset.s32 $0xFFFFF086  }
0x25: {  	[simem:s6], [sflag:s4] =	dma.local [hbm:s3], $0xF7A  }
0x26: {  	[smem:$0x3F89] =	sst s1;
	(tag) =	ssettag s2;
	_ =	strace s9  }
0x27: {  	s1 =	sld [smem:$0x3F99]  }
0x28: {  	s2 =	sld [smem:$0x3F9A]  }
0x29: {  	s4 =	sld [smem:$0x3F9C]  }
0x2a: {  	p0 =	seq.s32 s5, $0x0;
	s5 =	sld [smem:$0x3F9D]  }
0x2b: {  	s6 =	sld [smem:$0x3F9E]  }
0x2c: {  	s7 =	sld [smem:$0x3F9F]  }
0x2d: {  	s3 =	simm.s32 $0x108;
	s8 =	sld [smem:$0x3FA0]  }
0x2e: {  	s3 =	simm.s32 @!p0 $0x1082;
	s9 =	sld [smem:$0x3FA1]  }
0x2f: {  	lr =	sadd.s32 s0, s3;
	s0 =	sld [smem:$0x3F98]  }
0x30: {  	s3 =	sld [smem:$0x3F9B]  }
0x31: {  	[smem:$0x3FA4] =	sst s10  }
0x32: {  	s10 =	sld [smem:$0x3FA2];
	_ =	sdelay $0x3  }
0x33: {  	p0 =	seq.s32 s10, $0x1;
	s10 =	sld [smem:$0x3FA4];
	_ =	sdelay $0x3  }
0x34: {  	[smem:$0x3FA4] =	sst s10  }
0x35: {  	s10 =	sld [smem:$0x3FA3];
	_ =	sdelay $0x3  }
0x36: {  	p1 =	seq.s32 s10, $0x1;
	s10 =	sld [smem:$0x3FA4];
	_ =	sdelay $0x3  }
0x37: {  	[smem:$0x3FA4] =	sst s10  }
0x38: {  	s10 =	sld [smem:$0x3FA5]  }
0x39: {  	_ = 	snop;
	(pc) =	sbr.ind lr, $3  }
0x3a: {  	_ = 	snop  }
0x3b: {  	_ = 	snop  }
0x3c: {  	p2 =	seq.s32 s10, $0x1;
	s10 =	sld [smem:$0x3FA4]  }
0x3d: {  	_ =	shalt  }
0x3e: {  	_ =	shalt  }
0x3f: {  	_ =	shalt  }
0x40: {  	_ =	shalt  }
0x41: {  	_ =	shalt  }
0x42: {  	_ =	shalt  }
0x43: {  	_ =	shalt  }
0x44: {  	_ =	shalt  }
0x45: {  	_ =	shalt  }
0x46: {  	_ =	shalt  }
0x47: {  	_ =	shalt  }
0x48: {  	_ =	shalt  }
0x49: {  	_ =	shalt  }
0x4a: {  	_ =	shalt  }
0x4b: {  	_ =	shalt  }
0x4c: {  	_ =	shalt  }
0x4d: {  	_ =	shalt  }
0x4e: {  	_ =	shalt  }
0x4f: {  	_ =	shalt  }
0x50: {  	_ =	shalt  }
0x51: {  	_ =	shalt  }
0x52: {  	_ =	shalt  }
0x53: {  	_ =	shalt  }
0x54: {  	_ =	shalt  }
0x55: {  	_ =	shalt  }
0x56: {  	_ =	shalt  }
0x57: {  	_ =	shalt  }
0x58: {  	_ =	shalt  }
0x59: {  	_ =	shalt  }
0x5a: {  	_ =	shalt  }
0x5b: {  	_ =	shalt  }
0x5c: {  	_ =	shalt  }
0x5d: {  	_ =	shalt  }
0x5e: {  	_ =	shalt  }
0x5f: {  	_ =	shalt  }
0x60: {  	_ =	shalt  }
0x61: {  	_ =	shalt  }
0x62: {  	_ =	shalt  }
0x63: {  	_ =	shalt  }
0x64: {  	_ =	shalt  }
0x65: {  	_ =	shalt  }
0x66: {  	_ =	shalt  }
0x67: {  	_ =	shalt  }
0x68: {  	_ =	shalt  }
0x69: {  	_ =	shalt  }
0x6a: {  	_ =	shalt  }
0x6b: {  	_ =	shalt  }
0x6c: {  	_ =	shalt  }
0x6d: {  	_ =	shalt  }
0x6e: {  	_ =	shalt  }
0x6f: {  	_ =	shalt  }
0x70: {  	_ =	shalt  }
0x71: {  	_ =	shalt  }
0x72: {  	_ =	shalt  }
0x73: {  	_ =	shalt  }
0x74: {  	_ =	shalt  }
0x75: {  	_ =	shalt  }
0x76: {  	_ =	shalt  }
0x77: {  	_ =	shalt  }
0x78: {  	_ =	shalt  }
0x79: {  	_ =	shalt  }
0x7a: {  	_ =	shalt  }
0x7b: {  	_ =	shalt  }
0x7c: {  	_ =	shalt  }
0x7d: {  	_ =	shalt  }
0x7e: {  	_ =	shalt  }
0x7f: {  	_ =	shalt  }
0x80: {  	_ =	shalt  }
0x81: {  	_ =	shalt  }
0x82: {  	_ =	shalt  }
0x83: {  	_ =	shalt  }
0x84: {  	_ =	shalt  }
0x85: {  	_ =	shalt  }
0x86: {  	_ =	shalt  }
0x87: {  	_ =	shalt  }
.Lfunc_end0:
.L_simem_size_0:
called_computation.1_lowered:
.L_overlay_start_0:
0x88: {  	s2 =	sld [smem:$0x3FD9]  }
0x89: {  	s3 =	sld [smem:$0x3FFE];
	_ =	sdelay $0x1  }
0x8a: {  	s1 =	srdreg.scid  }
0x8b: {  	s0 =	sand.u32 $0x1, s1  }
0x8c: {  	s17 =	sshll.u32 s0, $0xA;
	s2 =	sadd.s32 s3, s2  }
0x8d: {  	s2 =	sadd.s32 s2, s17  }
0x8e: {  	[smem:$0x3FB0] =	sst s2  }
0x8f: {  	_ = 	snop  }
0x90: {  	(tm) =	ssettm $0x1  }
0x91: {  	s18 =	sld [smem:$0x3FFB];
	_ =	sdelay $0x3  }
0x92: {  	_ =	strace s18  }
0x93: {  	s2 =	sld [smem:$0x3FFC];
	_ =	sdelay $0x3  }
0x94: {  	_ =	strace s2  }
0x95: {  	s2 =	sld [smem:$0x3FFD];
	_ =	sdelay $0x3  }
0x96: {  	_ =	strace s2  }
0x97: {  	_ =	strace $0x8FFFFFFF  }
0x98: {  	s19 =	sld [smem:$0x3FDB];
	_ =	sdelay $0x1  }
0x99: {  	s20 =	simm.s32 $_scs_section_size  }
0x9a: {  	s4 =	simm.s32 $_size__tile_overlayer_lowered;
	s5 =	simm.s32 $_tile_overlayer_lowered  }
0x9b: {  	s6 =	simm.s32 $0x1BFF;
	s21 =	sshll.u32 s5, $0x1;
	s3 =	sadd.s32 s20, s19  }
0x9c: {  	s22 =	simm.s32 $0x0;
	s4 =	sshll.u32 s4, $0x1;
	s5 =	sadd.s32 s21, s3  }
0x9d: {  	[timem:s22], [sflag:s6] =	dma.local [hbm:s5], s4  }
0x9e: {  	_ =	swait.ge [sflag:s6], s4  }
0x9f: {  	s4 =	ssub.s32 $0x0, s4;
	[sflag:s6] =	ssyncset.done $0x0  }
0xa0: {  	[sflag:s6] =	ssyncadd.s32 s4;
	_ =	sdelay $0x1  }
0xa1: {  	s23 =	simm.s32 $0x1B8B  }
0xa2: {  	_ =	swait.ge [sflag:s23], $0x1  }
0xa3: {  	[sflag:s23] =	ssyncset.done $0x0  }
0xa4: {  	[sflag:s23] =	ssyncadd.s32 $0xFFFFFFFF  }
0xa5: {  	s4 =	sld [smem:$0x0]  }
0xa6: {  	s5 =	sand.u32 $0xFFFFFFFE, s1  }
0xa7: {  	p0 =	sne.s32 s1, s5  }
0xa8: {  	s5 =	sshll.u32 @p0 s5, $0xE  }
0xa9: {  	s5 =	sadd.s32 @p0 $0x11B8D, s5;
	s6 =	sshll.u32 @p0 s4, $0x11  }
0xaa: {  	s5 =	sor.u32 @p0 s6, s5  }
0xab: {  	[sflag:s5] =	ssyncadd.remote.s32 @p0 $0x1;
	_ =	sdelay $0x1  }
0xac: {  	s5 =	simm.s32 @p0 $0x1B8D  }
0xad: {  	_ =	swait.eq @p0 [sflag:s5], $0x1  }
0xae: {  	[sflag:s5] =	ssyncadd.s32 @p0 $0xFFFFFFFF  }
0xaf: {  	s6 =	sshll.u32 @!p0 s1, $0xE  }
0xb0: {  	s6 =	sor.u32 @!p0 $0x4000, s6;
	s5 =	simm.s32 @!p0 $0x1B8D  }
0xb1: {  	s4 =	sshll.u32 @!p0 s4, $0x11;
	s6 =	sadd.s32 @!p0 $0x11B8D, s6;
	_ =	swait.eq @!p0 [sflag:s5], $0x1  }
0xb2: {  	s4 =	sor.u32 @!p0 s4, s6;
	[sflag:s5] =	ssyncadd.s32 @!p0 $0xFFFFFFFF  }
0xb3: {  	s25 =	simm.s32 $0x1B8E;
	s24 =	sld [smem:$0x3FFE];
	[sflag:s4] =	ssyncadd.remote.s32 @!p0 $0x1  }
0xb4: {  	s26 =	simm.s32 $execute0_lowered;
	[smem:$0x3FD2] =	sst s25  }
0xb5: {  	s5 =	sshll.u32 s26, $0x1;
	_ =	strace $0x80000049;
	[dreg:$0x1] =	wrdreg $0xFFFFFFFF  }
0xb6: {  	s28 =	simm.s32 $_size_execute0_lowered;
	s3 =	sadd.s32 s3, s5;
	[dreg:$0x0] =	wrdreg $0x0  }
0xb7: {  	s5 =	sshll.u32 s28, $0x1;
	[dreg:$0x2] =	wrdreg s3  }
0xb8: {  	[dreg:$0x3] =	wrdreg s5  }
0xb9: {  	[dreg:$0x4] =	wrdreg $0xC0  }
0xba: {  	_ =	task [dreg:s22], $0x5FFFF  }
0xbb: {  	[dreg:$0x1] =	wrdreg $0xFFFFFFFF  }
0xbc: {  	[dreg:$0x0] =	wrdreg $0x60  }
0xbd: {  	[dreg:$0x2] =	wrdreg s24  }
0xbe: {  	[dreg:$0x3] =	wrdreg $0x9  }
0xbf: {  	_ =	task.clear_ibuf [dreg:s22], $0x4FFFF;
	_ =	strace $0x90000049  }
0xc0: {  	s29 =	simm.s32 $0x9;
	_ =	strace $0x8000004B  }
0xc1: {  	_ =	swait.ge [sflag:s29], $0x1  }
0xc2: {  	[sflag:s29] =	ssyncadd.s32 $0xFFFFFFFF  }
0xc3: {  	_ =	strace $0x9000004B  }
0xc4: {  	_ =	sfence  }
0xc5: {  	s30 =	sld [smem:$0x0];
	_ =	sdelay $0x2  }
0xc6: {  	s31 =	sshll.u32 s1, $0xD;
	s1 =	sshrl.u32 s1, $0x2  }
0xc7: {  	s4 =	sand.u32 $0x4000, s31;
	s1 =	sadd.s32 s1, s30  }
0xc8: {  	s0 =	sor.u32 s4, s0;
	s1 =	sshll.u32 s1, $0x11  }
0xc9: {  	s0 =	sor.u32 s1, s0  }
0xca: {  	s0 =	sadd.s32 $0x8F2B, s0  }
0xcb: {  	[sflag:s0] =	ssyncadd.remote.s32 $0x1  }
0xcc: {  	_ =	sfence.sel $0xFFFF  }
0xcd: {  	[dreg:$0x0] =	wrdreg $0xFFFFFFFF;
	(pc) =	sbr.abs _section_cstart, $3  }
0xce: {  	[dreg:$0x1] =	wrdreg $0xFFFFFFFF  }
0xcf: {  	_ =	task.clear_ibuf [dreg:s22], $0x2FFFF;
	_ =	strace $0x9FFFFFFF  }
0xd0: {  	(tm) =	ssettm $0x7FFFFFFF  }
0xd1: {  	_ =	shalt  }
tec
execute0_lowered:
.L_overlay_start_1:
0x0: {  	(tag) =	ssettag $0x1  }
0x1: {  	s4 =	rddreg [dreg:$0x0]  }
0x2: {  	s0 =	rddreg [dreg:$0x1]  }
0x3: {  	s3 =	srdreg.scid;
	s1 =	stileid.u32;
	s2 =	simm.s32 $0x0  }
0x4: {  	s11 =	simm.s32 $0x0;
	s5 =	sand.u32 $0x1, s3;
	s28 =	sshll.u32 s1, $0x1  }
0x5: {  	[smem:$0x7FF] =	sst s2;
	s7 =	smul.u32 $0xC400, s1;
	s3 =	sor.u32 s5, s28  }
0x6: {  	_ =	strace $0x8000004A;
	s8 =	ssub.s32 $0x2, s5;
	s10 =	smul.u32 $0x6200, s5  }
0x7: {  	s6 =	smul.u32 $0x3100, s3;
	s3 =	sadd.s32 $0x95F800, s4;
	s9 =	sshrl.u32 s8, $0x1  }
0x8: {  	s30 =	sadd.s32 s7, s4;
	s7 =	simm.s32 $0x2;
	s31 =	ssub.s32 s8, s9  }
0x9: {  	s8 =	simm.s32 $0x40;
	s9 =	simm.s32 $0x3100;
	s6 =	sshrl.u32 s6, $0x3  }
0xa: {  	s5 =	smax.u32 s31, $0x1;
	s29 =	sadd.s32 s6, s4;
	s6 =	sadd.s32 s10, s30  }
0xb: {  	s10 =	simm.s32 $0x1;
	s4 =	sadd.s32 $0x953400, s29;
	s6 =	sadd.s32 $0x984200, s6  }
.LBB2_1:
0xc: {  	[tilespmem:s2], [sflag:$0x2] =	stream.linear.gather [hbm4b:s4+s2], $0x3100, $0x38;
	[tilespmem:$0x3500] =	vst v63  }
0xd: {  	_ =	swait.ge [sflag:s7], $0x3100  }
0xe: {  	[sflag:s7] =	ssyncset.done $0x0  }
0xf: {  	[sflag:s7] =	ssyncadd.s32 $0xFFFFCF00  }
0x10: {  	[tilespmem:s9], [sflag:$0x1] =	stream.indirect.gather [hbm4b:s3+s8], $0x10, s2, s8, $0xb8;
	[tilespmem:$0x3500] =	vst v63  }
0x11: {  	_ =	swait.ge [sflag:s10], $0x400  }
0x12: {  	[sflag:s10] =	ssyncset.done $0x0  }
0x13: {  	s12 =	sadd.s32 $0x0, s6;
	[sflag:s10] =	ssyncadd.s32 $0xFFFFFC00  }
0x14: {  	[hbm4b:s12+s2] =	stream.linear.scatter [tilespmem:s9], [sflag:$0x2], $0x400, $0x38;
	[tilespmem:$0x3500] =	vst v63  }
0x15: {  	_ =	swait.ge [sflag:s7], $0x400  }
0x16: {  	s13 =	simm.s32 $0x0;
	s12 =	simm.s32 $0x80;
	[sflag:s7] =	ssyncset.done $0x0  }
.LBB2_2:
0x17: {  	p0 =	sne.s32 s12, $0x6180;
	[sflag:s7] =	ssyncadd.s32 $0xFFFFFC00;
	s13 =	sadd.s32 $0x40, s13  }
0x18: {  	[tilespmem:s9], [sflag:$0x1] =	stream.indirect.gather [hbm4b:s3+s8], $0x10, s13, s8, $0xb8;
	[tilespmem:$0x3500] =	vst v63  }
0x19: {  	s14 =	smov.u32 s12;
	s12 =	sadd.s32 $0x80, s12;
	_ =	swait.ge [sflag:s10], $0x400  }
.Ltmp0:
0x1a: {  	[sflag:s10] =	ssyncset.done $0x0;
	(pc) =	sbr.rel @p0 .LBB2_2-.Ltmp0, $4  }
0x1b: {  	s14 =	sadd.s32 s14, s6;
	[sflag:s10] =	ssyncadd.s32 $0xFFFFFC00  }
0x1c: {  	[hbm4b:s14+s2] =	stream.linear.scatter [tilespmem:s9], [sflag:$0x2], $0x400, $0x38;
	[tilespmem:$0x3500] =	vst v63  }
0x1d: {  	_ =	swait.ge [sflag:s7], $0x400  }
0x1e: {  	[sflag:s7] =	ssyncset.done $0x0  }
0x1f: {  	s11 =	sadd.s32 $0x1, s11  }
0x20: {  	p0 =	sne.s32 s11, s5  }
.Ltmp1:
0x21: {  	_ = 	snop;
	(pc) =	sbr.rel @p0 .LBB2_1-.Ltmp1, $2  }
0x22: {  	_ =	sdelay $0x2  }
0x23: {  	[sflag:s7] =	ssyncadd.s32 $0xFFFFFC00  }
0x24: {  	_ =	sfence.sel $0x180000  }
0x25: {  	[bflag:$0x0] =	sbarrier.arrive $0xFFFF  }
0x26: {  	p0 =	sne.s32 s1, $0x0;
	_ =	strace $0x9000004A  }
0x27: {  	s0 =	sadd.s32 @!p0 $0x100000, s0;
	[bflag:$0x2] =	sbarrier.arrive $0xFFFF  }
0x28: {  	[sflag:s0] =	ssyncadd.tile.s32 @!p0 $0x1;
	_ =	shalt  }
.Lfunc_end2:
_tile_overlayer_lowered:
.L_overlay_start_2:
0x29: {  	(tag) =	ssettag $0x2  }
0x2a: {  	s0 =	rddreg [dreg:$0x0];
	s2 =	stileid.u32  }
0x2b: {  	s1 =	rddreg [dreg:$0x1];
	p0 =	sne.s32 s2, $0x0  }
0x2c: {  	s3 =	rddreg [dreg:$0x2];
	[bflag:$0x3] =	sbarrier.arrive $0xFFFF;
	s2 =	simm.s32 @!p0 $0x1C02  }
0x2d: {  	[timem:s3], [sflag:s2] =	dma.local @!p0 [hbm:s0], s1  }
0x2e: {  	s0 =	simm.s32 @!p0 $0x2  }
0x2f: {  	_ =	swait.ge @!p0 [sflag:s0], s1  }
0x30: {  	s1 =	ssub.s32 @!p0 $0x0, s1;
	[sflag:s0] =	ssyncset.done @!p0 $0x0  }
0x31: {  	[sflag:s0] =	ssyncadd.s32 @!p0 s1  }
0x32: {  	[bflag:$0x3] =	sbarrier.arrive $0xFFFF  }
0x33: {  	_ =	shalt  }

// kernel: kernel.22.cloned.1.call-start
scs
__scs_entry_jumppad:
0x0: {  	(pc) =	sbr.rel $0x88, $3  }
0x1: {  	(tag) =	ssettag $0x0;
	lr =	simm.s32 $0x1  }
0x2: {  	[smem:$0x3F89] =	sst lr;
	_ =	strace $0xD0000000  }
0x3: {  	_ = 	snop  }
0x4: {  	_ = 	snop  }
0x5: {  	_ = 	snop  }
0x6: {  	_ = 	snop  }
0x7: {  	_ = 	snop  }
__scs_overlays_trampoline_lowered:
0x8: {  	[smem:$0x3F98] =	sst s0  }
0x9: {  	[smem:$0x3F99] =	sst s1  }
0xa: {  	[smem:$0x3F9A] =	sst s2  }
0xb: {  	[smem:$0x3F9B] =	sst s3  }
0xc: {  	[smem:$0x3F9C] =	sst s4  }
0xd: {  	[smem:$0x3F9D] =	sst s5  }
0xe: {  	[smem:$0x3F9E] =	sst s6  }
0xf: {  	[smem:$0x3F9F] =	sst s7  }
0x10: {  	[smem:$0x3FA0] =	sst s8  }
0x11: {  	[smem:$0x3FA1] =	sst s9;
	s0 =	simm.s32 @!p0 $0x0  }
0x12: {  	s1 =	sld [smem:$0x3F87];
	s0 =	simm.s32 @p0 $0x1  }
0x13: {  	[smem:$0x3FA2] =	sst s0;
	s0 =	simm.s32 @!p1 $0x0  }
0x14: {  	s2 =	sld [smem:$0x3F86];
	s0 =	simm.s32 @p1 $0x1  }
0x15: {  	[smem:$0x3FA3] =	sst s0;
	s0 =	simm.s32 @!p2 $0x0  }
0x16: {  	s3 =	sld [smem:$0x3FDB];
	s0 =	simm.s32 @p2 $0x1  }
0x17: {  	s4 =	simm.s32 $0x1BF5;
	[smem:$0x3FA5] =	sst s0  }
0x18: {  	s0 =	sld [smem:$0x3F88];
	_ =	swait.ge [sflag:s4], $0x0  }
0x19: {  	s7 =	sld [smem:$0x3F89]  }
0x1a: {  	s8 =	sadd.s32 $0xFFFFE003, lr  }
0x1b: {  	s9 =	sadd.s32 $0xFFFFFEF7, lr;
	s5 =	simm.s32 $0xFFFFFFFF;
	p2 =	slt.u32 s8, $0xFFFFF086  }
0x1c: {  	p1 =	slt.u32 s9, $0xF7A;
	s5 =	simm.s32 @!p2 $0x0  }
0x1d: {  	s5 =	simm.s32 @p1 $0x1;
	p0 =	seq.s32 s7, s2  }
0x1e: {  	s7 =	smul.u32 @!p0 $0xF7A, s2;
	p2 =	seq.s32 @!p0 s5, $0x0  }
0x1f: {  	s9 =	smul.u32 $0xF7A, s1;
	s8 =	simm.s32 @!p0 $0x1BF5;
	p2 =	por !p2, p0  }
0x20: {  	[sflag:s8] =	ssyncset.s32 @!p0 $0xFFFFF086;
	s6 =	sadd.s32 @!p0 s3, s7;
	s7 =	simm.s32 @!p0 $0x108  }
0x21: {  	s3 =	sadd.s32 s3, s9;
	s6 =	sadd.s32 @!p0 $0x88, s6;
	s7 =	simm.s32 @p2 $0x1082  }
0x22: {  	[simem:s7], [sflag:s8] =	dma.local @!p0 [hbm:s6], $0xF7A  }
0x23: {  	s9 =	sor.u32 $0xD0000000, s2;
	s6 =	simm.s32 $0x108;
	_ =	swait.ge @!p0 [sflag:s8], $0x0  }
0x24: {  	s3 =	sadd.s32 $0x88, s3;
	s6 =	simm.s32 @!p1 $0x1082;
	[sflag:s4] =	ssyncset.s32 $0xFFFFF086  }
0x25: {  	[simem:s6], [sflag:s4] =	dma.local [hbm:s3], $0xF7A  }
0x26: {  	[smem:$0x3F89] =	sst s1;
	(tag) =	ssettag s2;
	_ =	strace s9  }
0x27: {  	s1 =	sld [smem:$0x3F99]  }
0x28: {  	s2 =	sld [smem:$0x3F9A]  }
0x29: {  	s4 =	sld [smem:$0x3F9C]  }
0x2a: {  	p0 =	seq.s32 s5, $0x0;
	s5 =	sld [smem:$0x3F9D]  }
0x2b: {  	s6 =	sld [smem:$0x3F9E]  }
0x2c: {  	s7 =	sld [smem:$0x3F9F]  }
0x2d: {  	s3 =	simm.s32 $0x108;
	s8 =	sld [smem:$0x3FA0]  }
0x2e: {  	s3 =	simm.s32 @!p0 $0x1082;
	s9 =	sld [smem:$0x3FA1]  }
0x2f: {  	lr =	sadd.s32 s0, s3;
	s0 =	sld [smem:$0x3F98]  }
0x30: {  	s3 =	sld [smem:$0x3F9B]  }
0x31: {  	[smem:$0x3FA4] =	sst s10  }
0x32: {  	s10 =	sld [smem:$0x3FA2];
	_ =	sdelay $0x3  }
0x33: {  	p0 =	seq.s32 s10, $0x1;
	s10 =	sld [smem:$0x3FA4];
	_ =	sdelay $0x3  }
0x34: {  	[smem:$0x3FA4] =	sst s10  }
0x35: {  	s10 =	sld [smem:$0x3FA3];
	_ =	sdelay $0x3  }
0x36: {  	p1 =	seq.s32 s10, $0x1;
	s10 =	sld [smem:$0x3FA4];
	_ =	sdelay $0x3  }
0x37: {  	[smem:$0x3FA4] =	sst s10  }
0x38: {  	s10 =	sld [smem:$0x3FA5]  }
0x39: {  	_ = 	snop;
	(pc) =	sbr.ind lr, $3  }
0x3a: {  	_ = 	snop  }
0x3b: {  	_ = 	snop  }
0x3c: {  	p2 =	seq.s32 s10, $0x1;
	s10 =	sld [smem:$0x3FA4]  }
0x3d: {  	_ =	shalt  }
0x3e: {  	_ =	shalt  }
0x3f: {  	_ =	shalt  }
0x40: {  	_ =	shalt  }
0x41: {  	_ =	shalt  }
0x42: {  	_ =	shalt  }
0x43: {  	_ =	shalt  }
0x44: {  	_ =	shalt  }
0x45: {  	_ =	shalt  }
0x46: {  	_ =	shalt  }
0x47: {  	_ =	shalt  }
0x48: {  	_ =	shalt  }
0x49: {  	_ =	shalt  }
0x4a: {  	_ =	shalt  }
0x4b: {  	_ =	shalt  }
0x4c: {  	_ =	shalt  }
0x4d: {  	_ =	shalt  }
0x4e: {  	_ =	shalt  }
0x4f: {  	_ =	shalt  }
0x50: {  	_ =	shalt  }
0x51: {  	_ =	shalt  }
0x52: {  	_ =	shalt  }
0x53: {  	_ =	shalt  }
0x54: {  	_ =	shalt  }
0x55: {  	_ =	shalt  }
0x56: {  	_ =	shalt  }
0x57: {  	_ =	shalt  }
0x58: {  	_ =	shalt  }
0x59: {  	_ =	shalt  }
0x5a: {  	_ =	shalt  }
0x5b: {  	_ =	shalt  }
0x5c: {  	_ =	shalt  }
0x5d: {  	_ =	shalt  }
0x5e: {  	_ =	shalt  }
0x5f: {  	_ =	shalt  }
0x60: {  	_ =	shalt  }
0x61: {  	_ =	shalt  }
0x62: {  	_ =	shalt  }
0x63: {  	_ =	shalt  }
0x64: {  	_ =	shalt  }
0x65: {  	_ =	shalt  }
0x66: {  	_ =	shalt  }
0x67: {  	_ =	shalt  }
0x68: {  	_ =	shalt  }
0x69: {  	_ =	shalt  }
0x6a: {  	_ =	shalt  }
0x6b: {  	_ =	shalt  }
0x6c: {  	_ =	shalt  }
0x6d: {  	_ =	shalt  }
0x6e: {  	_ =	shalt  }
0x6f: {  	_ =	shalt  }
0x70: {  	_ =	shalt  }
0x71: {  	_ =	shalt  }
0x72: {  	_ =	shalt  }
0x73: {  	_ =	shalt  }
0x74: {  	_ =	shalt  }
0x75: {  	_ =	shalt  }
0x76: {  	_ =	shalt  }
0x77: {  	_ =	shalt  }
0x78: {  	_ =	shalt  }
0x79: {  	_ =	shalt  }
0x7a: {  	_ =	shalt  }
0x7b: {  	_ =	shalt  }
0x7c: {  	_ =	shalt  }
0x7d: {  	_ =	shalt  }
0x7e: {  	_ =	shalt  }
0x7f: {  	_ =	shalt  }
0x80: {  	_ =	shalt  }
0x81: {  	_ =	shalt  }
0x82: {  	_ =	shalt  }
0x83: {  	_ =	shalt  }
0x84: {  	_ =	shalt  }
0x85: {  	_ =	shalt  }
0x86: {  	_ =	shalt  }
0x87: {  	_ =	shalt  }
.Lfunc_end0:
.L_simem_size_0:
called_computation.2_lowered:
.L_overlay_start_0:
0x88: {  	s2 =	sld [smem:$0x3FD9]  }
0x89: {  	s3 =	sld [smem:$0x3FFE];
	_ =	sdelay $0x1  }
0x8a: {  	s1 =	srdreg.scid  }
0x8b: {  	s0 =	sand.u32 $0x1, s1  }
0x8c: {  	s17 =	sshll.u32 s0, $0xA;
	s2 =	sadd.s32 s3, s2  }
0x8d: {  	s2 =	sadd.s32 s2, s17  }
0x8e: {  	[smem:$0x3FB0] =	sst s2  }
0x8f: {  	_ = 	snop  }
0x90: {  	(tm) =	ssettm $0x1  }
0x91: {  	s18 =	sld [smem:$0x3FFB];
	_ =	sdelay $0x3  }
0x92: {  	_ =	strace s18  }
0x93: {  	s2 =	sld [smem:$0x3FFC];
	_ =	sdelay $0x3  }
0x94: {  	_ =	strace s2  }
0x95: {  	s2 =	sld [smem:$0x3FFD];
	_ =	sdelay $0x3  }
0x96: {  	_ =	strace s2  }
0x97: {  	_ =	strace $0x8FFFFFFF  }
0x98: {  	s19 =	sld [smem:$0x3FDB];
	_ =	sdelay $0x1  }
0x99: {  	s20 =	simm.s32 $_scs_section_size  }
0x9a: {  	s4 =	simm.s32 $_size__tile_overlayer_lowered;
	s5 =	simm.s32 $_tile_overlayer_lowered  }
0x9b: {  	s6 =	simm.s32 $0x1BFF;
	s21 =	sshll.u32 s5, $0x1;
	s3 =	sadd.s32 s20, s19  }
0x9c: {  	s22 =	simm.s32 $0x0;
	s4 =	sshll.u32 s4, $0x1;
	s5 =	sadd.s32 s21, s3  }
0x9d: {  	[timem:s22], [sflag:s6] =	dma.local [hbm:s5], s4  }
0x9e: {  	_ =	swait.ge [sflag:s6], s4  }
0x9f: {  	s4 =	ssub.s32 $0x0, s4;
	[sflag:s6] =	ssyncset.done $0x0  }
0xa0: {  	[sflag:s6] =	ssyncadd.s32 s4;
	_ =	sdelay $0x1  }
0xa1: {  	s23 =	simm.s32 $0x1B8B  }
0xa2: {  	_ =	swait.ge [sflag:s23], $0x1  }
0xa3: {  	[sflag:s23] =	ssyncset.done $0x0  }
0xa4: {  	[sflag:s23] =	ssyncadd.s32 $0xFFFFFFFF  }
0xa5: {  	s4 =	sld [smem:$0x0]  }
0xa6: {  	s5 =	sand.u32 $0xFFFFFFFE, s1  }
0xa7: {  	p0 =	sne.s32 s1, s5  }
0xa8: {  	s5 =	sshll.u32 @p0 s5, $0xE  }
0xa9: {  	s5 =	sadd.s32 @p0 $0x11B8D, s5;
	s6 =	sshll.u32 @p0 s4, $0x11  }
0xaa: {  	s5 =	sor.u32 @p0 s6, s5  }
0xab: {  	[sflag:s5] =	ssyncadd.remote.s32 @p0 $0x1;
	_ =	sdelay $0x1  }
0xac: {  	s5 =	simm.s32 @p0 $0x1B8D  }
0xad: {  	_ =	swait.eq @p0 [sflag:s5], $0x1  }
0xae: {  	[sflag:s5] =	ssyncadd.s32 @p0 $0xFFFFFFFF  }
0xaf: {  	s6 =	sshll.u32 @!p0 s1, $0xE  }
0xb0: {  	s6 =	sor.u32 @!p0 $0x4000, s6;
	s5 =	simm.s32 @!p0 $0x1B8D  }
0xb1: {  	s4 =	sshll.u32 @!p0 s4, $0x11;
	s6 =	sadd.s32 @!p0 $0x11B8D, s6;
	_ =	swait.eq @!p0 [sflag:s5], $0x1  }
0xb2: {  	s4 =	sor.u32 @!p0 s4, s6;
	[sflag:s5] =	ssyncadd.s32 @!p0 $0xFFFFFFFF  }
0xb3: {  	s25 =	simm.s32 $0x1B8E;
	s24 =	sld [smem:$0x3FFE];
	[sflag:s4] =	ssyncadd.remote.s32 @!p0 $0x1  }
0xb4: {  	s26 =	simm.s32 $execute0_lowered;
	[smem:$0x3FD2] =	sst s25  }
0xb5: {  	s5 =	sshll.u32 s26, $0x1;
	_ =	strace $0x8000004C;
	[dreg:$0x1] =	wrdreg $0xFFFFFFFF  }
0xb6: {  	s28 =	simm.s32 $_size_execute0_lowered;
	s3 =	sadd.s32 s3, s5;
	[dreg:$0x0] =	wrdreg $0x0  }
0xb7: {  	s5 =	sshll.u32 s28, $0x1;
	[dreg:$0x2] =	wrdreg s3  }
0xb8: {  	[dreg:$0x3] =	wrdreg s5  }
0xb9: {  	[dreg:$0x4] =	wrdreg $0xC0  }
0xba: {  	_ =	task [dreg:s22], $0x5FFFF  }
0xbb: {  	[dreg:$0x1] =	wrdreg $0xFFFFFFFF  }
0xbc: {  	[dreg:$0x0] =	wrdreg $0x60  }
0xbd: {  	[dreg:$0x2] =	wrdreg s24  }
0xbe: {  	[dreg:$0x3] =	wrdreg $0xA  }
0xbf: {  	_ =	task.clear_ibuf [dreg:s22], $0x4FFFF;
	_ =	strace $0x9000004C  }
0xc0: {  	s29 =	simm.s32 $0xA;
	_ =	strace $0x8000004E  }
0xc1: {  	_ =	swait.ge [sflag:s29], $0x1  }
0xc2: {  	[sflag:s29] =	ssyncadd.s32 $0xFFFFFFFF  }
0xc3: {  	_ =	strace $0x9000004E  }
0xc4: {  	_ =	sfence  }
0xc5: {  	s30 =	sld [smem:$0x0];
	_ =	sdelay $0x2  }
0xc6: {  	s31 =	sshll.u32 s1, $0xD;
	s1 =	sshrl.u32 s1, $0x2  }
0xc7: {  	s4 =	sand.u32 $0x4000, s31;
	s1 =	sadd.s32 s1, s30  }
0xc8: {  	s0 =	sor.u32 s4, s0;
	s1 =	sshll.u32 s1, $0x11  }
0xc9: {  	s0 =	sor.u32 s1, s0  }
0xca: {  	s0 =	sadd.s32 $0x8F2B, s0  }
0xcb: {  	[sflag:s0] =	ssyncadd.remote.s32 $0x1  }
0xcc: {  	_ =	sfence.sel $0xFFFF  }
0xcd: {  	[dreg:$0x0] =	wrdreg $0xFFFFFFFF;
	(pc) =	sbr.abs _section_cstart, $3  }
0xce: {  	[dreg:$0x1] =	wrdreg $0xFFFFFFFF  }
0xcf: {  	_ =	task.clear_ibuf [dreg:s22], $0x2FFFF;
	_ =	strace $0x9FFFFFFF  }
0xd0: {  	(tm) =	ssettm $0x7FFFFFFF  }
0xd1: {  	_ =	shalt  }
tec
execute0_lowered:
.L_overlay_start_1:
0x0: {  	(tag) =	ssettag $0x1  }
0x1: {  	s4 =	rddreg [dreg:$0x0]  }
0x2: {  	s0 =	rddreg [dreg:$0x1]  }
0x3: {  	s3 =	srdreg.scid;
	s1 =	stileid.u32;
	s2 =	simm.s32 $0x0  }
0x4: {  	s11 =	simm.s32 $0x0;
	s5 =	sand.u32 $0x1, s3;
	s28 =	sshll.u32 s1, $0x1  }
0x5: {  	[smem:$0x7FF] =	sst s2;
	s7 =	smul.u32 $0x62000, s1;
	s3 =	sor.u32 s5, s28  }
0x6: {  	_ =	strace $0x8000004D;
	s8 =	ssub.s32 $0x2, s5;
	s10 =	smul.u32 $0x31000, s5  }
0x7: {  	s6 =	smul.u32 $0x3100, s3;
	s3 =	sadd.s32 $0xA48200, s4;
	s9 =	sshrl.u32 s8, $0x1  }
0x8: {  	s30 =	sadd.s32 s7, s4;
	s7 =	simm.s32 $0x2;
	s31 =	ssub.s32 s8, s9  }
0x9: {  	s8 =	simm.s32 $0x40;
	s9 =	simm.s32 $0x3100;
	s6 =	sshrl.u32 s6, $0x3  }
0xa: {  	s5 =	smax.u32 s31, $0x1;
	s29 =	sadd.s32 s6, s4;
	s6 =	sadd.s32 s10, s30  }
0xb: {  	s10 =	simm.s32 $0x1;
	s4 =	sadd.s32 $0x953400, s29;
	s6 =	sadd.s32 $0x6800, s6  }
.LBB2_1:
0xc: {  	[tilespmem:s2], [sflag:$0x2] =	stream.linear.gather [hbm4b:s4+s2], $0x3100, $0x38;
	[tilespmem:$0x5100] =	vst v63  }
0xd: {  	_ =	swait.ge [sflag:s7], $0x3100  }
0xe: {  	[sflag:s7] =	ssyncset.done $0x0  }
0xf: {  	s12 =	simm.s32 $0x0;
	[sflag:s7] =	ssyncadd.s32 $0xFFFFCF00  }
0x10: {  	[tilespmem:s9], [sflag:$0x1] =	stream.indirect.gather [hbm4b:s3+s8], $0x80, s12, s8, $0xb8;
	[tilespmem:$0x5100] =	vst v63  }
0x11: {  	_ =	swait.ge [sflag:s10], $0x2000  }
0x12: {  	[sflag:s10] =	ssyncset.done $0x0  }
0x13: {  	[sflag:s10] =	ssyncadd.s32 $0xFFFFE000  }
0x14: {  	[hbm4b:s6+s2] =	stream.linear.scatter [tilespmem:s9], [sflag:$0x2], $0x2000, $0x38;
	[tilespmem:$0x5100] =	vst v63  }
0x15: {  	s13 =	simm.s32 $0x100;
	_ =	swait.ge [sflag:s7], $0x2000  }
0x16: {  	s14 =	simm.s32 $0x200;
	s12 =	sadd.s32 $0x400, s6;
	[sflag:s7] =	ssyncset.done $0x0  }
.LBB2_2:
0x17: {  	s15 =	sshra.s32 s13, $0x2  }
0x18: {  	[sflag:s7] =	ssyncadd.s32 $0xFFFFE000;
	s13 =	smov.u32 s14;
	s16 =	sadd.s32 $0x100, s14  }
0x19: {  	[tilespmem:s9], [sflag:$0x1] =	stream.indirect.gather [hbm4b:s3+s8], $0x80, s15, s8, $0xb8;
	[tilespmem:$0x5100] =	vst v63  }
0x1a: {  	p0 =	sne.s32 s14, $0xC300;
	_ =	swait.ge [sflag:s10], $0x2000  }
.Ltmp0:
0x1b: {  	[sflag:s10] =	ssyncset.done $0x0;
	(pc) =	sbr.rel @p0 .LBB2_2-.Ltmp0, $4  }
0x1c: {  	[sflag:s10] =	ssyncadd.s32 $0xFFFFE000  }
0x1d: {  	[hbm4b:s12+s2] =	stream.linear.scatter [tilespmem:s9], [sflag:$0x2], $0x2000, $0x38;
	[tilespmem:$0x5100] =	vst v63  }
0x1e: {  	_ =	swait.ge [sflag:s7], $0x2000  }
0x1f: {  	s14 =	smov.u32 s16;
	s12 =	sadd.s32 $0x400, s12;
	[sflag:s7] =	ssyncset.done $0x0  }
0x20: {  	s13 =	sshra.s32 s13, $0x2;
	[sflag:s7] =	ssyncadd.s32 $0xFFFFE000  }
0x21: {  	[tilespmem:s9], [sflag:$0x1] =	stream.indirect.gather [hbm4b:s3+s8], $0x80, s13, s8, $0xb8;
	[tilespmem:$0x5100] =	vst v63  }
0x22: {  	s11 =	sadd.s32 $0x1, s11;
	_ =	swait.ge [sflag:s10], $0x2000  }
0x23: {  	p0 =	sne.s32 s11, s5;
	[sflag:s10] =	ssyncset.done $0x0  }
.Ltmp1:
0x24: {  	[sflag:s10] =	ssyncadd.s32 $0xFFFFE000;
	(pc) =	sbr.rel @p0 .LBB2_1-.Ltmp1, $4  }
0x25: {  	[hbm4b:s12+s2] =	stream.linear.scatter [tilespmem:s9], [sflag:$0x2], $0x2000, $0x38;
	[tilespmem:$0x5100] =	vst v63  }
0x26: {  	_ =	swait.ge [sflag:s7], $0x2000  }
0x27: {  	[sflag:s7] =	ssyncset.done $0x0  }
0x28: {  	[sflag:s7] =	ssyncadd.s32 $0xFFFFE000  }
0x29: {  	_ =	sfence.sel $0x180000  }
0x2a: {  	[bflag:$0x0] =	sbarrier.arrive $0xFFFF  }
0x2b: {  	p0 =	sne.s32 s1, $0x0;
	_ =	strace $0x9000004D  }
0x2c: {  	s0 =	sadd.s32 @!p0 $0x100000, s0;
	[bflag:$0x2] =	sbarrier.arrive $0xFFFF  }
0x2d: {  	[sflag:s0] =	ssyncadd.tile.s32 @!p0 $0x1;
	_ =	shalt  }
.Lfunc_end2:
_tile_overlayer_lowered:
.L_overlay_start_2:
0x2e: {  	(tag) =	ssettag $0x2  }
0x2f: {  	s0 =	rddreg [dreg:$0x0];
	s2 =	stileid.u32  }
0x30: {  	s1 =	rddreg [dreg:$0x1];
	p0 =	sne.s32 s2, $0x0  }
0x31: {  	s3 =	rddreg [dreg:$0x2];
	[bflag:$0x3] =	sbarrier.arrive $0xFFFF;
	s2 =	simm.s32 @!p0 $0x1C02  }
0x32: {  	[timem:s3], [sflag:s2] =	dma.local @!p0 [hbm:s0], s1  }
0x33: {  	s0 =	simm.s32 @!p0 $0x2  }
0x34: {  	_ =	swait.ge @!p0 [sflag:s0], s1  }
0x35: {  	s1 =	ssub.s32 @!p0 $0x0, s1;
	[sflag:s0] =	ssyncset.done @!p0 $0x0  }
0x36: {  	[sflag:s0] =	ssyncadd.s32 @!p0 s1  }
0x37: {  	[bflag:$0x3] =	sbarrier.arrive $0xFFFF  }
0x38: {  	_ =	shalt  }

// kernel: kernel.25.cloned.1.call-start
scs
__scs_entry_jumppad:
0x0: {  	(pc) =	sbr.rel $0x88, $3  }
0x1: {  	(tag) =	ssettag $0x0;
	lr =	simm.s32 $0x1  }
0x2: {  	[smem:$0x3F89] =	sst lr;
	_ =	strace $0xD0000000  }
0x3: {  	_ = 	snop  }
0x4: {  	_ = 	snop  }
0x5: {  	_ = 	snop  }
0x6: {  	_ = 	snop  }
0x7: {  	_ = 	snop  }
__scs_overlays_trampoline_lowered:
0x8: {  	[smem:$0x3F98] =	sst s0  }
0x9: {  	[smem:$0x3F99] =	sst s1  }
0xa: {  	[smem:$0x3F9A] =	sst s2  }
0xb: {  	[smem:$0x3F9B] =	sst s3  }
0xc: {  	[smem:$0x3F9C] =	sst s4  }
0xd: {  	[smem:$0x3F9D] =	sst s5  }
0xe: {  	[smem:$0x3F9E] =	sst s6  }
0xf: {  	[smem:$0x3F9F] =	sst s7  }
0x10: {  	[smem:$0x3FA0] =	sst s8  }
0x11: {  	[smem:$0x3FA1] =	sst s9;
	s0 =	simm.s32 @!p0 $0x0  }
0x12: {  	s1 =	sld [smem:$0x3F87];
	s0 =	simm.s32 @p0 $0x1  }
0x13: {  	[smem:$0x3FA2] =	sst s0;
	s0 =	simm.s32 @!p1 $0x0  }
0x14: {  	s2 =	sld [smem:$0x3F86];
	s0 =	simm.s32 @p1 $0x1  }
0x15: {  	[smem:$0x3FA3] =	sst s0;
	s0 =	simm.s32 @!p2 $0x0  }
0x16: {  	s3 =	sld [smem:$0x3FDB];
	s0 =	simm.s32 @p2 $0x1  }
0x17: {  	s4 =	simm.s32 $0x1BF5;
	[smem:$0x3FA5] =	sst s0  }
0x18: {  	s0 =	sld [smem:$0x3F88];
	_ =	swait.ge [sflag:s4], $0x0  }
0x19: {  	s7 =	sld [smem:$0x3F89]  }
0x1a: {  	s8 =	sadd.s32 $0xFFFFE003, lr  }
0x1b: {  	s9 =	sadd.s32 $0xFFFFFEF7, lr;
	s5 =	simm.s32 $0xFFFFFFFF;
	p2 =	slt.u32 s8, $0xFFFFF086  }
0x1c: {  	p1 =	slt.u32 s9, $0xF7A;
	s5 =	simm.s32 @!p2 $0x0  }
0x1d: {  	s5 =	simm.s32 @p1 $0x1;
	p0 =	seq.s32 s7, s2  }
0x1e: {  	s7 =	smul.u32 @!p0 $0xF7A, s2;
	p2 =	seq.s32 @!p0 s5, $0x0  }
0x1f: {  	s9 =	smul.u32 $0xF7A, s1;
	s8 =	simm.s32 @!p0 $0x1BF5;
	p2 =	por !p2, p0  }
0x20: {  	[sflag:s8] =	ssyncset.s32 @!p0 $0xFFFFF086;
	s6 =	sadd.s32 @!p0 s3, s7;
	s7 =	simm.s32 @!p0 $0x108  }
0x21: {  	s3 =	sadd.s32 s3, s9;
	s6 =	sadd.s32 @!p0 $0x88, s6;
	s7 =	simm.s32 @p2 $0x1082  }
0x22: {  	[simem:s7], [sflag:s8] =	dma.local @!p0 [hbm:s6], $0xF7A  }
0x23: {  	s9 =	sor.u32 $0xD0000000, s2;
	s6 =	simm.s32 $0x108;
	_ =	swait.ge @!p0 [sflag:s8], $0x0  }
0x24: {  	s3 =	sadd.s32 $0x88, s3;
	s6 =	simm.s32 @!p1 $0x1082;
	[sflag:s4] =	ssyncset.s32 $0xFFFFF086  }
0x25: {  	[simem:s6], [sflag:s4] =	dma.local [hbm:s3], $0xF7A  }
0x26: {  	[smem:$0x3F89] =	sst s1;
	(tag) =	ssettag s2;
	_ =	strace s9  }
0x27: {  	s1 =	sld [smem:$0x3F99]  }
0x28: {  	s2 =	sld [smem:$0x3F9A]  }
0x29: {  	s4 =	sld [smem:$0x3F9C]  }
0x2a: {  	p0 =	seq.s32 s5, $0x0;
	s5 =	sld [smem:$0x3F9D]  }
0x2b: {  	s6 =	sld [smem:$0x3F9E]  }
0x2c: {  	s7 =	sld [smem:$0x3F9F]  }
0x2d: {  	s3 =	simm.s32 $0x108;
	s8 =	sld [smem:$0x3FA0]  }
0x2e: {  	s3 =	simm.s32 @!p0 $0x1082;
	s9 =	sld [smem:$0x3FA1]  }
0x2f: {  	lr =	sadd.s32 s0, s3;
	s0 =	sld [smem:$0x3F98]  }
0x30: {  	s3 =	sld [smem:$0x3F9B]  }
0x31: {  	[smem:$0x3FA4] =	sst s10  }
0x32: {  	s10 =	sld [smem:$0x3FA2];
	_ =	sdelay $0x3  }
0x33: {  	p0 =	seq.s32 s10, $0x1;
	s10 =	sld [smem:$0x3FA4];
	_ =	sdelay $0x3  }
0x34: {  	[smem:$0x3FA4] =	sst s10  }
0x35: {  	s10 =	sld [smem:$0x3FA3];
	_ =	sdelay $0x3  }
0x36: {  	p1 =	seq.s32 s10, $0x1;
	s10 =	sld [smem:$0x3FA4];
	_ =	sdelay $0x3  }
0x37: {  	[smem:$0x3FA4] =	sst s10  }
0x38: {  	s10 =	sld [smem:$0x3FA5]  }
0x39: {  	_ = 	snop;
	(pc) =	sbr.ind lr, $3  }
0x3a: {  	_ = 	snop  }
0x3b: {  	_ = 	snop  }
0x3c: {  	p2 =	seq.s32 s10, $0x1;
	s10 =	sld [smem:$0x3FA4]  }
0x3d: {  	_ =	shalt  }
0x3e: {  	_ =	shalt  }
0x3f: {  	_ =	shalt  }
0x40: {  	_ =	shalt  }
0x41: {  	_ =	shalt  }
0x42: {  	_ =	shalt  }
0x43: {  	_ =	shalt  }
0x44: {  	_ =	shalt  }
0x45: {  	_ =	shalt  }
0x46: {  	_ =	shalt  }
0x47: {  	_ =	shalt  }
0x48: {  	_ =	shalt  }
0x49: {  	_ =	shalt  }
0x4a: {  	_ =	shalt  }
0x4b: {  	_ =	shalt  }
0x4c: {  	_ =	shalt  }
0x4d: {  	_ =	shalt  }
0x4e: {  	_ =	shalt  }
0x4f: {  	_ =	shalt  }
0x50: {  	_ =	shalt  }
0x51: {  	_ =	shalt  }
0x52: {  	_ =	shalt  }
0x53: {  	_ =	shalt  }
0x54: {  	_ =	shalt  }
0x55: {  	_ =	shalt  }
0x56: {  	_ =	shalt  }
0x57: {  	_ =	shalt  }
0x58: {  	_ =	shalt  }
0x59: {  	_ =	shalt  }
0x5a: {  	_ =	shalt  }
0x5b: {  	_ =	shalt  }
0x5c: {  	_ =	shalt  }
0x5d: {  	_ =	shalt  }
0x5e: {  	_ =	shalt  }
0x5f: {  	_ =	shalt  }
0x60: {  	_ =	shalt  }
0x61: {  	_ =	shalt  }
0x62: {  	_ =	shalt  }
0x63: {  	_ =	shalt  }
0x64: {  	_ =	shalt  }
0x65: {  	_ =	shalt  }
0x66: {  	_ =	shalt  }
0x67: {  	_ =	shalt  }
0x68: {  	_ =	shalt  }
0x69: {  	_ =	shalt  }
0x6a: {  	_ =	shalt  }
0x6b: {  	_ =	shalt  }
0x6c: {  	_ =	shalt  }
0x6d: {  	_ =	shalt  }
0x6e: {  	_ =	shalt  }
0x6f: {  	_ =	shalt  }
0x70: {  	_ =	shalt  }
0x71: {  	_ =	shalt  }
0x72: {  	_ =	shalt  }
0x73: {  	_ =	shalt  }
0x74: {  	_ =	shalt  }
0x75: {  	_ =	shalt  }
0x76: {  	_ =	shalt  }
0x77: {  	_ =	shalt  }
0x78: {  	_ =	shalt  }
0x79: {  	_ =	shalt  }
0x7a: {  	_ =	shalt  }
0x7b: {  	_ =	shalt  }
0x7c: {  	_ =	shalt  }
0x7d: {  	_ =	shalt  }
0x7e: {  	_ =	shalt  }
0x7f: {  	_ =	shalt  }
0x80: {  	_ =	shalt  }
0x81: {  	_ =	shalt  }
0x82: {  	_ =	shalt  }
0x83: {  	_ =	shalt  }
0x84: {  	_ =	shalt  }
0x85: {  	_ =	shalt  }
0x86: {  	_ =	shalt  }
0x87: {  	_ =	shalt  }
.Lfunc_end0:
.L_simem_size_0:
called_computation.3_lowered:
.L_overlay_start_0:
0x88: {  	s2 =	sld [smem:$0x3FD9]  }
0x89: {  	s3 =	sld [smem:$0x3FFE];
	_ =	sdelay $0x1  }
0x8a: {  	s1 =	srdreg.scid  }
0x8b: {  	s0 =	sand.u32 $0x1, s1  }
0x8c: {  	s16 =	sshll.u32 s0, $0xA;
	s2 =	sadd.s32 s3, s2  }
0x8d: {  	s2 =	sadd.s32 s2, s16  }
0x8e: {  	[smem:$0x3FB0] =	sst s2  }
0x8f: {  	_ = 	snop  }
0x90: {  	(tm) =	ssettm $0x1  }
0x91: {  	s17 =	sld [smem:$0x3FFB];
	_ =	sdelay $0x3  }
0x92: {  	_ =	strace s17  }
0x93: {  	s2 =	sld [smem:$0x3FFC];
	_ =	sdelay $0x3  }
0x94: {  	_ =	strace s2  }
0x95: {  	s2 =	sld [smem:$0x3FFD];
	_ =	sdelay $0x3  }
0x96: {  	_ =	strace s2  }
0x97: {  	_ =	strace $0x8FFFFFFF  }
0x98: {  	s18 =	sld [smem:$0x3FDB];
	_ =	sdelay $0x1  }
0x99: {  	s19 =	simm.s32 $_scs_section_size  }
0x9a: {  	s4 =	simm.s32 $_size__tile_overlayer_lowered;
	s5 =	simm.s32 $_tile_overlayer_lowered  }
0x9b: {  	s22 =	simm.s32 $0x1BFF;
	s21 =	sshll.u32 s5, $0x1;
	s2 =	sadd.s32 s19, s18  }
0x9c: {  	s6 =	simm.s32 $0x0;
	s20 =	sshll.u32 s4, $0x1;
	s4 =	sadd.s32 s21, s2  }
0x9d: {  	[timem:s6], [sflag:s22] =	dma.local [hbm:s4], s20  }
0x9e: {  	_ =	swait.ge [sflag:s22], s20  }
0x9f: {  	s3 =	ssub.s32 $0x0, s20;
	[sflag:s22] =	ssyncset.done $0x0  }
0xa0: {  	[sflag:s22] =	ssyncadd.s32 s3;
	_ =	sdelay $0x1  }
0xa1: {  	s23 =	simm.s32 $0x1B8B  }
0xa2: {  	_ =	swait.ge [sflag:s23], $0x1  }
0xa3: {  	[sflag:s23] =	ssyncset.done $0x0  }
0xa4: {  	s25 =	simm.s32 $0x1B8E;
	s24 =	sld [smem:$0x3FFE];
	[sflag:s23] =	ssyncadd.s32 $0xFFFFFFFF  }
0xa5: {  	s26 =	simm.s32 $execute0_lowered;
	[smem:$0x3FD2] =	sst s25  }
0xa6: {  	s4 =	sshll.u32 s26, $0x1;
	_ =	strace $0x8000004F;
	[dreg:$0x1] =	wrdreg $0xFFFFFFFF  }
0xa7: {  	s28 =	simm.s32 $_size_execute0_lowered;
	s2 =	sadd.s32 s2, s4;
	[dreg:$0x0] =	wrdreg $0x0  }
0xa8: {  	s4 =	sshll.u32 s28, $0x1;
	[dreg:$0x2] =	wrdreg s2  }
0xa9: {  	[dreg:$0x3] =	wrdreg s4  }
0xaa: {  	[dreg:$0x4] =	wrdreg $0xC0  }
0xab: {  	_ =	task [dreg:s6], $0x5FFFF  }
0xac: {  	[dreg:$0x1] =	wrdreg $0xFFFFFFFF  }
0xad: {  	[dreg:$0x0] =	wrdreg $0x60  }
0xae: {  	[dreg:$0x2] =	wrdreg s24  }
0xaf: {  	[dreg:$0x3] =	wrdreg $0xB  }
0xb0: {  	_ =	task.clear_ibuf [dreg:s6], $0x4FFFF;
	_ =	strace $0x9000004F  }
0xb1: {  	s29 =	simm.s32 $0xB;
	_ =	strace $0x80000051  }
0xb2: {  	_ =	swait.ge [sflag:s29], $0x1  }
0xb3: {  	[sflag:s29] =	ssyncadd.s32 $0xFFFFFFFF  }
0xb4: {  	_ =	strace $0x90000051  }
0xb5: {  	_ =	sfence  }
0xb6: {  	s30 =	sld [smem:$0x0];
	_ =	sdelay $0x2  }
0xb7: {  	s31 =	sshll.u32 s1, $0xD;
	s1 =	sshrl.u32 s1, $0x2  }
0xb8: {  	s3 =	sand.u32 $0x4000, s31;
	s1 =	sadd.s32 s1, s30  }
0xb9: {  	s0 =	sor.u32 s3, s0;
	s1 =	sshll.u32 s1, $0x11  }
0xba: {  	s0 =	sor.u32 s1, s0  }
0xbb: {  	s0 =	sadd.s32 $0x8F2B, s0  }
0xbc: {  	[sflag:s0] =	ssyncadd.remote.s32 $0x1  }
0xbd: {  	_ =	sfence.sel $0xFFFF  }
0xbe: {  	[dreg:$0x0] =	wrdreg $0xFFFFFFFF;
	(pc) =	sbr.abs _section_cstart, $3  }
0xbf: {  	[dreg:$0x1] =	wrdreg $0xFFFFFFFF  }
0xc0: {  	_ =	task.clear_ibuf [dreg:s6], $0x2FFFF;
	_ =	strace $0x9FFFFFFF  }
0xc1: {  	(tm) =	ssettm $0x7FFFFFFF  }
tec
execute0_lowered:
.L_overlay_start_1:
0x0: {  	(tag) =	ssettag $0x1  }
0x1: {  	s4 =	rddreg [dreg:$0x0]  }
0x2: {  	s0 =	rddreg [dreg:$0x1]  }
0x3: {  	s3 =	srdreg.scid;
	s1 =	stileid.u32;
	s2 =	simm.s32 $0x0  }
0x4: {  	s11 =	simm.s32 $0x0;
	s5 =	sand.u32 $0x1, s3;
	s28 =	sshll.u32 s1, $0x1  }
0x5: {  	[smem:$0x7FF] =	sst s2;
	s7 =	smul.u32 $0x62000, s1;
	s3 =	sor.u32 s5, s28  }
0x6: {  	_ =	strace $0x80000050;
	s8 =	ssub.s32 $0x2, s5;
	s10 =	smul.u32 $0x31000, s5  }
0x7: {  	s6 =	smul.u32 $0x3100, s3;
	s3 =	sadd.s32 $0x633C00, s4;
	s9 =	sshrl.u32 s8, $0x1  }
0x8: {  	s30 =	sadd.s32 s7, s4;
	s7 =	simm.s32 $0x2;
	s31 =	ssub.s32 s8, s9  }
0x9: {  	s8 =	simm.s32 $0x40;
	s9 =	simm.s32 $0x3100;
	s6 =	sshrl.u32 s6, $0x3  }
0xa: {  	s5 =	smax.u32 s31, $0x1;
	s29 =	sadd.s32 s6, s4;
	s6 =	sadd.s32 s10, s30  }
0xb: {  	s10 =	simm.s32 $0x1;
	s4 =	sadd.s32 $0x626800, s29;
	s6 =	sadd.s32 $0x6800, s6  }
.LBB2_1:
0xc: {  	[tilespmem:s2], [sflag:$0x2] =	stream.linear.gather [hbm4b:s4+s2], $0x3100, $0x38;
	[tilespmem:$0x5100] =	vst v63  }
0xd: {  	_ =	swait.ge [sflag:s7], $0x3100  }
0xe: {  	[sflag:s7] =	ssyncset.done $0x0  }
0xf: {  	s12 =	simm.s32 $0x0;
	[sflag:s7] =	ssyncadd.s32 $0xFFFFCF00  }
0x10: {  	[tilespmem:s9], [sflag:$0x1] =	stream.indirect.gather [hbm4b:s3+s8], $0x80, s12, s8, $0xb8;
	[tilespmem:$0x5100] =	vst v63  }
0x11: {  	_ =	swait.ge [sflag:s10], $0x2000  }
0x12: {  	[sflag:s10] =	ssyncset.done $0x0  }
0x13: {  	[sflag:s10] =	ssyncadd.s32 $0xFFFFE000  }
0x14: {  	[hbm4b:s6+s2] =	stream.linear.scatter [tilespmem:s9], [sflag:$0x2], $0x2000, $0x38;
	[tilespmem:$0x5100] =	vst v63  }
0x15: {  	s13 =	simm.s32 $0x100;
	_ =	swait.ge [sflag:s7], $0x2000  }
0x16: {  	s14 =	simm.s32 $0x200;
	s12 =	sadd.s32 $0x400, s6;
	[sflag:s7] =	ssyncset.done $0x0  }
.LBB2_2:
0x17: {  	s15 =	sshra.s32 s13, $0x2  }
0x18: {  	[sflag:s7] =	ssyncadd.s32 $0xFFFFE000;
	s13 =	smov.u32 s14;
	s16 =	sadd.s32 $0x100, s14  }
0x19: {  	[tilespmem:s9], [sflag:$0x1] =	stream.indirect.gather [hbm4b:s3+s8], $0x80, s15, s8, $0xb8;
	[tilespmem:$0x5100] =	vst v63  }
0x1a: {  	p0 =	sne.s32 s14, $0xC300;
	_ =	swait.ge [sflag:s10], $0x2000  }
.Ltmp0:
0x1b: {  	[sflag:s10] =	ssyncset.done $0x0;
	(pc) =	sbr.rel @p0 .LBB2_2-.Ltmp0, $4  }
0x1c: {  	[sflag:s10] =	ssyncadd.s32 $0xFFFFE000  }
0x1d: {  	[hbm4b:s12+s2] =	stream.linear.scatter [tilespmem:s9], [sflag:$0x2], $0x2000, $0x38;
	[tilespmem:$0x5100] =	vst v63  }
0x1e: {  	_ =	swait.ge [sflag:s7], $0x2000  }
0x1f: {  	s14 =	smov.u32 s16;
	s12 =	sadd.s32 $0x400, s12;
	[sflag:s7] =	ssyncset.done $0x0  }
0x20: {  	s13 =	sshra.s32 s13, $0x2;
	[sflag:s7] =	ssyncadd.s32 $0xFFFFE000  }
0x21: {  	[tilespmem:s9], [sflag:$0x1] =	stream.indirect.gather [hbm4b:s3+s8], $0x80, s13, s8, $0xb8;
	[tilespmem:$0x5100] =	vst v63  }
0x22: {  	s11 =	sadd.s32 $0x1, s11;
	_ =	swait.ge [sflag:s10], $0x2000  }
0x23: {  	p0 =	sne.s32 s11, s5;
	[sflag:s10] =	ssyncset.done $0x0  }
.Ltmp1:
0x24: {  	[sflag:s10] =	ssyncadd.s32 $0xFFFFE000;
	(pc) =	sbr.rel @p0 .LBB2_1-.Ltmp1, $4  }
0x25: {  	[hbm4b:s12+s2] =	stream.linear.scatter [tilespmem:s9], [sflag:$0x2], $0x2000, $0x38;
	[tilespmem:$0x5100] =	vst v63  }
0x26: {  	_ =	swait.ge [sflag:s7], $0x2000  }
0x27: {  	[sflag:s7] =	ssyncset.done $0x0  }
0x28: {  	[sflag:s7] =	ssyncadd.s32 $0xFFFFE000  }
0x29: {  	_ =	sfence.sel $0x180000  }
0x2a: {  	[bflag:$0x0] =	sbarrier.arrive $0xFFFF  }
0x2b: {  	p0 =	sne.s32 s1, $0x0;
	_ =	strace $0x90000050  }
0x2c: {  	s0 =	sadd.s32 @!p0 $0x100000, s0;
	[bflag:$0x2] =	sbarrier.arrive $0xFFFF  }
0x2d: {  	[sflag:s0] =	ssyncadd.tile.s32 @!p0 $0x1;
	_ =	shalt  }
.Lfunc_end2:
_tile_overlayer_lowered:
.L_overlay_start_2:
0x2e: {  	(tag) =	ssettag $0x2  }
0x2f: {  	s0 =	rddreg [dreg:$0x0];
	s2 =	stileid.u32  }
0x30: {  	s1 =	rddreg [dreg:$0x1];
	p0 =	sne.s32 s2, $0x0  }
0x31: {  	s3 =	rddreg [dreg:$0x2];
	[bflag:$0x3] =	sbarrier.arrive $0xFFFF;
	s2 =	simm.s32 @!p0 $0x1C02  }
0x32: {  	[timem:s3], [sflag:s2] =	dma.local @!p0 [hbm:s0], s1  }
0x33: {  	s0 =	simm.s32 @!p0 $0x2  }
0x34: {  	_ =	swait.ge @!p0 [sflag:s0], s1  }
0x35: {  	s1 =	ssub.s32 @!p0 $0x0, s1;
	[sflag:s0] =	ssyncset.done @!p0 $0x0  }
0x36: {  	[sflag:s0] =	ssyncadd.s32 @!p0 s1  }
0x37: {  	[bflag:$0x3] =	sbarrier.arrive $0xFFFF  }
0x38: {  	_ =	shalt  }

// kernel: kernel.28.cloned.1.call-start
scs
__scs_entry_jumppad:
0x0: {  	(pc) =	sbr.rel $0x88, $3  }
0x1: {  	(tag) =	ssettag $0x0;
	lr =	simm.s32 $0x1  }
0x2: {  	[smem:$0x3F89] =	sst lr;
	_ =	strace $0xD0000000  }
0x3: {  	_ = 	snop  }
0x4: {  	_ = 	snop  }
0x5: {  	_ = 	snop  }
0x6: {  	_ = 	snop  }
0x7: {  	_ = 	snop  }
__scs_overlays_trampoline_lowered:
0x8: {  	[smem:$0x3F98] =	sst s0  }
0x9: {  	[smem:$0x3F99] =	sst s1  }
0xa: {  	[smem:$0x3F9A] =	sst s2  }
0xb: {  	[smem:$0x3F9B] =	sst s3  }
0xc: {  	[smem:$0x3F9C] =	sst s4  }
0xd: {  	[smem:$0x3F9D] =	sst s5  }
0xe: {  	[smem:$0x3F9E] =	sst s6  }
0xf: {  	[smem:$0x3F9F] =	sst s7  }
0x10: {  	[smem:$0x3FA0] =	sst s8  }
0x11: {  	[smem:$0x3FA1] =	sst s9;
	s0 =	simm.s32 @!p0 $0x0  }
0x12: {  	s1 =	sld [smem:$0x3F87];
	s0 =	simm.s32 @p0 $0x1  }
0x13: {  	[smem:$0x3FA2] =	sst s0;
	s0 =	simm.s32 @!p1 $0x0  }
0x14: {  	s2 =	sld [smem:$0x3F86];
	s0 =	simm.s32 @p1 $0x1  }
0x15: {  	[smem:$0x3FA3] =	sst s0;
	s0 =	simm.s32 @!p2 $0x0  }
0x16: {  	s3 =	sld [smem:$0x3FDB];
	s0 =	simm.s32 @p2 $0x1  }
0x17: {  	s4 =	simm.s32 $0x1BF5;
	[smem:$0x3FA5] =	sst s0  }
0x18: {  	s0 =	sld [smem:$0x3F88];
	_ =	swait.ge [sflag:s4], $0x0  }
0x19: {  	s7 =	sld [smem:$0x3F89]  }
0x1a: {  	s8 =	sadd.s32 $0xFFFFE003, lr  }
0x1b: {  	s9 =	sadd.s32 $0xFFFFFEF7, lr;
	s5 =	simm.s32 $0xFFFFFFFF;
	p2 =	slt.u32 s8, $0xFFFFF086  }
0x1c: {  	p1 =	slt.u32 s9, $0xF7A;
	s5 =	simm.s32 @!p2 $0x0  }
0x1d: {  	s5 =	simm.s32 @p1 $0x1;
	p0 =	seq.s32 s7, s2  }
0x1e: {  	s7 =	smul.u32 @!p0 $0xF7A, s2;
	p2 =	seq.s32 @!p0 s5, $0x0  }
0x1f: {  	s9 =	smul.u32 $0xF7A, s1;
	s8 =	simm.s32 @!p0 $0x1BF5;
	p2 =	por !p2, p0  }
0x20: {  	[sflag:s8] =	ssyncset.s32 @!p0 $0xFFFFF086;
	s6 =	sadd.s32 @!p0 s3, s7;
	s7 =	simm.s32 @!p0 $0x108  }
0x21: {  	s3 =	sadd.s32 s3, s9;
	s6 =	sadd.s32 @!p0 $0x88, s6;
	s7 =	simm.s32 @p2 $0x1082  }
0x22: {  	[simem:s7], [sflag:s8] =	dma.local @!p0 [hbm:s6], $0xF7A  }
0x23: {  	s9 =	sor.u32 $0xD0000000, s2;
	s6 =	simm.s32 $0x108;
	_ =	swait.ge @!p0 [sflag:s8], $0x0  }
0x24: {  	s3 =	sadd.s32 $0x88, s3;
	s6 =	simm.s32 @!p1 $0x1082;
	[sflag:s4] =	ssyncset.s32 $0xFFFFF086  }
0x25: {  	[simem:s6], [sflag:s4] =	dma.local [hbm:s3], $0xF7A  }
0x26: {  	[smem:$0x3F89] =	sst s1;
	(tag) =	ssettag s2;
	_ =	strace s9  }
0x27: {  	s1 =	sld [smem:$0x3F99]  }
0x28: {  	s2 =	sld [smem:$0x3F9A]  }
0x29: {  	s4 =	sld [smem:$0x3F9C]  }
0x2a: {  	p0 =	seq.s32 s5, $0x0;
	s5 =	sld [smem:$0x3F9D]  }
0x2b: {  	s6 =	sld [smem:$0x3F9E]  }
0x2c: {  	s7 =	sld [smem:$0x3F9F]  }
0x2d: {  	s3 =	simm.s32 $0x108;
	s8 =	sld [smem:$0x3FA0]  }
0x2e: {  	s3 =	simm.s32 @!p0 $0x1082;
	s9 =	sld [smem:$0x3FA1]  }
0x2f: {  	lr =	sadd.s32 s0, s3;
	s0 =	sld [smem:$0x3F98]  }
0x30: {  	s3 =	sld [smem:$0x3F9B]  }
0x31: {  	[smem:$0x3FA4] =	sst s10  }
0x32: {  	s10 =	sld [smem:$0x3FA2];
	_ =	sdelay $0x3  }
0x33: {  	p0 =	seq.s32 s10, $0x1;
	s10 =	sld [smem:$0x3FA4];
	_ =	sdelay $0x3  }
0x34: {  	[smem:$0x3FA4] =	sst s10  }
0x35: {  	s10 =	sld [smem:$0x3FA3];
	_ =	sdelay $0x3  }
0x36: {  	p1 =	seq.s32 s10, $0x1;
	s10 =	sld [smem:$0x3FA4];
	_ =	sdelay $0x3  }
0x37: {  	[smem:$0x3FA4] =	sst s10  }
0x38: {  	s10 =	sld [smem:$0x3FA5]  }
0x39: {  	_ = 	snop;
	(pc) =	sbr.ind lr, $3  }
0x3a: {  	_ = 	snop  }
0x3b: {  	_ = 	snop  }
0x3c: {  	p2 =	seq.s32 s10, $0x1;
	s10 =	sld [smem:$0x3FA4]  }
0x3d: {  	_ =	shalt  }
0x3e: {  	_ =	shalt  }
0x3f: {  	_ =	shalt  }
0x40: {  	_ =	shalt  }
0x41: {  	_ =	shalt  }
0x42: {  	_ =	shalt  }
0x43: {  	_ =	shalt  }
0x44: {  	_ =	shalt  }
0x45: {  	_ =	shalt  }
0x46: {  	_ =	shalt  }
0x47: {  	_ =	shalt  }
0x48: {  	_ =	shalt  }
0x49: {  	_ =	shalt  }
0x4a: {  	_ =	shalt  }
0x4b: {  	_ =	shalt  }
0x4c: {  	_ =	shalt  }
0x4d: {  	_ =	shalt  }
0x4e: {  	_ =	shalt  }
0x4f: {  	_ =	shalt  }
0x50: {  	_ =	shalt  }
0x51: {  	_ =	shalt  }
0x52: {  	_ =	shalt  }
0x53: {  	_ =	shalt  }
0x54: {  	_ =	shalt  }
0x55: {  	_ =	shalt  }
0x56: {  	_ =	shalt  }
0x57: {  	_ =	shalt  }
0x58: {  	_ =	shalt  }
0x59: {  	_ =	shalt  }
0x5a: {  	_ =	shalt  }
0x5b: {  	_ =	shalt  }
0x5c: {  	_ =	shalt  }
0x5d: {  	_ =	shalt  }
0x5e: {  	_ =	shalt  }
0x5f: {  	_ =	shalt  }
0x60: {  	_ =	shalt  }
0x61: {  	_ =	shalt  }
0x62: {  	_ =	shalt  }
0x63: {  	_ =	shalt  }
0x64: {  	_ =	shalt  }
0x65: {  	_ =	shalt  }
0x66: {  	_ =	shalt  }
0x67: {  	_ =	shalt  }
0x68: {  	_ =	shalt  }
0x69: {  	_ =	shalt  }
0x6a: {  	_ =	shalt  }
0x6b: {  	_ =	shalt  }
0x6c: {  	_ =	shalt  }
0x6d: {  	_ =	shalt  }
0x6e: {  	_ =	shalt  }
0x6f: {  	_ =	shalt  }
0x70: {  	_ =	shalt  }
0x71: {  	_ =	shalt  }
0x72: {  	_ =	shalt  }
0x73: {  	_ =	shalt  }
0x74: {  	_ =	shalt  }
0x75: {  	_ =	shalt  }
0x76: {  	_ =	shalt  }
0x77: {  	_ =	shalt  }
0x78: {  	_ =	shalt  }
0x79: {  	_ =	shalt  }
0x7a: {  	_ =	shalt  }
0x7b: {  	_ =	shalt  }
0x7c: {  	_ =	shalt  }
0x7d: {  	_ =	shalt  }
0x7e: {  	_ =	shalt  }
0x7f: {  	_ =	shalt  }
0x80: {  	_ =	shalt  }
0x81: {  	_ =	shalt  }
0x82: {  	_ =	shalt  }
0x83: {  	_ =	shalt  }
0x84: {  	_ =	shalt  }
0x85: {  	_ =	shalt  }
0x86: {  	_ =	shalt  }
0x87: {  	_ =	shalt  }
.Lfunc_end0:
.L_simem_size_0:
called_computation.4_lowered:
.L_overlay_start_0:
0x88: {  	s2 =	sld [smem:$0x3FD9]  }
0x89: {  	s3 =	sld [smem:$0x3FFE];
	_ =	sdelay $0x1  }
0x8a: {  	s1 =	srdreg.scid  }
0x8b: {  	s0 =	sand.u32 $0x1, s1  }
0x8c: {  	s17 =	sshll.u32 s0, $0xA;
	s2 =	sadd.s32 s3, s2  }
0x8d: {  	s2 =	sadd.s32 s2, s17  }
0x8e: {  	[smem:$0x3FB0] =	sst s2  }
0x8f: {  	_ = 	snop  }
0x90: {  	(tm) =	ssettm $0x1  }
0x91: {  	s18 =	sld [smem:$0x3FFB];
	_ =	sdelay $0x3  }
0x92: {  	_ =	strace s18  }
0x93: {  	s2 =	sld [smem:$0x3FFC];
	_ =	sdelay $0x3  }
0x94: {  	_ =	strace s2  }
0x95: {  	s2 =	sld [smem:$0x3FFD];
	_ =	sdelay $0x3  }
0x96: {  	_ =	strace s2  }
0x97: {  	_ =	strace $0x8FFFFFFF  }
0x98: {  	s19 =	sld [smem:$0x3FDB];
	_ =	sdelay $0x1  }
0x99: {  	s20 =	simm.s32 $_scs_section_size  }
0x9a: {  	s4 =	simm.s32 $_size__tile_overlayer_lowered;
	s5 =	simm.s32 $_tile_overlayer_lowered  }
0x9b: {  	s6 =	simm.s32 $0x1BFF;
	s21 =	sshll.u32 s5, $0x1;
	s3 =	sadd.s32 s20, s19  }
0x9c: {  	s22 =	simm.s32 $0x0;
	s4 =	sshll.u32 s4, $0x1;
	s5 =	sadd.s32 s21, s3  }
0x9d: {  	[timem:s22], [sflag:s6] =	dma.local [hbm:s5], s4  }
0x9e: {  	_ =	swait.ge [sflag:s6], s4  }
0x9f: {  	s4 =	ssub.s32 $0x0, s4;
	[sflag:s6] =	ssyncset.done $0x0  }
0xa0: {  	[sflag:s6] =	ssyncadd.s32 s4;
	_ =	sdelay $0x1  }
0xa1: {  	s23 =	simm.s32 $0x1B8B  }
0xa2: {  	_ =	swait.ge [sflag:s23], $0x1  }
0xa3: {  	[sflag:s23] =	ssyncset.done $0x0  }
0xa4: {  	[sflag:s23] =	ssyncadd.s32 $0xFFFFFFFF  }
0xa5: {  	s4 =	sld [smem:$0x0]  }
0xa6: {  	s5 =	sand.u32 $0xFFFFFFFE, s1  }
0xa7: {  	p0 =	sne.s32 s1, s5  }
0xa8: {  	s5 =	sshll.u32 @p0 s5, $0xE  }
0xa9: {  	s5 =	sadd.s32 @p0 $0x11B8D, s5;
	s6 =	sshll.u32 @p0 s4, $0x11  }
0xaa: {  	s5 =	sor.u32 @p0 s6, s5  }
0xab: {  	[sflag:s5] =	ssyncadd.remote.s32 @p0 $0x1;
	_ =	sdelay $0x1  }
0xac: {  	s5 =	simm.s32 @p0 $0x1B8D  }
0xad: {  	_ =	swait.eq @p0 [sflag:s5], $0x1  }
0xae: {  	[sflag:s5] =	ssyncadd.s32 @p0 $0xFFFFFFFF  }
0xaf: {  	s6 =	sshll.u32 @!p0 s1, $0xE  }
0xb0: {  	s6 =	sor.u32 @!p0 $0x4000, s6;
	s5 =	simm.s32 @!p0 $0x1B8D  }
0xb1: {  	s4 =	sshll.u32 @!p0 s4, $0x11;
	s6 =	sadd.s32 @!p0 $0x11B8D, s6;
	_ =	swait.eq @!p0 [sflag:s5], $0x1  }
0xb2: {  	s4 =	sor.u32 @!p0 s4, s6;
	[sflag:s5] =	ssyncadd.s32 @!p0 $0xFFFFFFFF  }
0xb3: {  	s25 =	simm.s32 $0x1B8E;
	s24 =	sld [smem:$0x3FFE];
	[sflag:s4] =	ssyncadd.remote.s32 @!p0 $0x1  }
0xb4: {  	s26 =	simm.s32 $execute0_lowered;
	[smem:$0x3FD2] =	sst s25  }
0xb5: {  	s5 =	sshll.u32 s26, $0x1;
	_ =	strace $0x80000052;
	[dreg:$0x1] =	wrdreg $0xFFFFFFFF  }
0xb6: {  	s28 =	simm.s32 $_size_execute0_lowered;
	s3 =	sadd.s32 s3, s5;
	[dreg:$0x0] =	wrdreg $0x0  }
0xb7: {  	s5 =	sshll.u32 s28, $0x1;
	[dreg:$0x2] =	wrdreg s3  }
0xb8: {  	[dreg:$0x3] =	wrdreg s5  }
0xb9: {  	[dreg:$0x4] =	wrdreg $0xC0  }
0xba: {  	_ =	task [dreg:s22], $0x5FFFF  }
0xbb: {  	[dreg:$0x1] =	wrdreg $0xFFFFFFFF  }
0xbc: {  	[dreg:$0x0] =	wrdreg $0x60  }
0xbd: {  	[dreg:$0x2] =	wrdreg s24  }
0xbe: {  	[dreg:$0x3] =	wrdreg $0x9  }
0xbf: {  	_ =	task.clear_ibuf [dreg:s22], $0x4FFFF;
	_ =	strace $0x90000052  }
0xc0: {  	s29 =	simm.s32 $0x9;
	_ =	strace $0x80000054  }
0xc1: {  	_ =	swait.ge [sflag:s29], $0x1  }
0xc2: {  	[sflag:s29] =	ssyncadd.s32 $0xFFFFFFFF  }
0xc3: {  	_ =	strace $0x90000054  }
0xc4: {  	_ =	sfence  }
0xc5: {  	s30 =	sld [smem:$0x0];
	_ =	sdelay $0x2  }
0xc6: {  	s31 =	sshll.u32 s1, $0xD;
	s1 =	sshrl.u32 s1, $0x2  }
0xc7: {  	s4 =	sand.u32 $0x4000, s31;
	s1 =	sadd.s32 s1, s30  }
0xc8: {  	s0 =	sor.u32 s4, s0;
	s1 =	sshll.u32 s1, $0x11  }
0xc9: {  	s0 =	sor.u32 s1, s0  }
0xca: {  	s0 =	sadd.s32 $0x8F2B, s0  }
0xcb: {  	[sflag:s0] =	ssyncadd.remote.s32 $0x1  }
0xcc: {  	_ =	sfence.sel $0xFFFF  }
0xcd: {  	[dreg:$0x0] =	wrdreg $0xFFFFFFFF;
	(pc) =	sbr.abs _section_cstart, $3  }
0xce: {  	[dreg:$0x1] =	wrdreg $0xFFFFFFFF  }
0xcf: {  	_ =	task.clear_ibuf [dreg:s22], $0x2FFFF;
	_ =	strace $0x9FFFFFFF  }
0xd0: {  	(tm) =	ssettm $0x7FFFFFFF  }
0xd1: {  	_ =	shalt  }
tec
execute0_lowered:
.L_overlay_start_1:
0x0: {  	(tag) =	ssettag $0x1  }
0x1: {  	s4 =	rddreg [dreg:$0x0]  }
0x2: {  	s0 =	rddreg [dreg:$0x1]  }
0x3: {  	s3 =	srdreg.scid;
	s1 =	stileid.u32;
	s2 =	simm.s32 $0x0  }
0x4: {  	s11 =	simm.s32 $0x0;
	s5 =	sand.u32 $0x1, s3;
	s28 =	sshll.u32 s1, $0x1  }
0x5: {  	[smem:$0x7FF] =	sst s2;
	s7 =	smul.u32 $0x6200, s1;
	s3 =	sor.u32 s5, s28  }
0x6: {  	_ =	strace $0x80000053;
	s8 =	ssub.s32 $0x2, s5;
	s10 =	smul.u32 $0x3100, s5  }
0x7: {  	s6 =	smul.u32 $0x1880, s3;
	s3 =	sadd.s32 $0x95F800, s4;
	s9 =	sshrl.u32 s8, $0x1  }
0x8: {  	s30 =	sadd.s32 s7, s4;
	s7 =	simm.s32 $0x2;
	s31 =	ssub.s32 s8, s9  }
0x9: {  	s8 =	simm.s32 $0x40;
	s9 =	simm.s32 $0x1880;
	s6 =	sshrl.u32 s6, $0x3  }
0xa: {  	s5 =	smax.u32 s31, $0x1;
	s29 =	sadd.s32 s6, s4;
	s6 =	sadd.s32 s10, s30  }
0xb: {  	s10 =	simm.s32 $0x1;
	s4 =	sadd.s32 $0x984200, s29;
	s6 =	sadd.s32 $0x98A400, s6  }
.LBB2_1:
0xc: {  	[tilespmem:s2], [sflag:$0x2] =	stream.linear.gather [hbm4b:s4+s2], $0x1880, $0x38;
	[tilespmem:$0x1C80] =	vst v63  }
0xd: {  	_ =	swait.ge [sflag:s7], $0x1880  }
0xe: {  	[sflag:s7] =	ssyncset.done $0x0  }
0xf: {  	[sflag:s7] =	ssyncadd.s32 $0xFFFFE780  }
0x10: {  	[tilespmem:s9], [sflag:$0x1] =	stream.indirect.gather [hbm4b:s3+s8], $0x10, s2, s8, $0xb8;
	[tilespmem:$0x1C80] =	vst v63  }
0x11: {  	_ =	swait.ge [sflag:s10], $0x400  }
0x12: {  	[sflag:s10] =	ssyncset.done $0x0  }
0x13: {  	s12 =	sadd.s32 $0x0, s6;
	[sflag:s10] =	ssyncadd.s32 $0xFFFFFC00  }
0x14: {  	[hbm4b:s12+s2] =	stream.linear.scatter [tilespmem:s9], [sflag:$0x2], $0x400, $0x38;
	[tilespmem:$0x1C80] =	vst v63  }
0x15: {  	_ =	swait.ge [sflag:s7], $0x400  }
0x16: {  	s13 =	simm.s32 $0x0;
	s12 =	simm.s32 $0x80;
	[sflag:s7] =	ssyncset.done $0x0  }
.LBB2_2:
0x17: {  	p0 =	sne.s32 s12, $0x3080;
	[sflag:s7] =	ssyncadd.s32 $0xFFFFFC00;
	s13 =	sadd.s32 $0x40, s13  }
0x18: {  	[tilespmem:s9], [sflag:$0x1] =	stream.indirect.gather [hbm4b:s3+s8], $0x10, s13, s8, $0xb8;
	[tilespmem:$0x1C80] =	vst v63  }
0x19: {  	s14 =	smov.u32 s12;
	s12 =	sadd.s32 $0x80, s12;
	_ =	swait.ge [sflag:s10], $0x400  }
.Ltmp0:
0x1a: {  	[sflag:s10] =	ssyncset.done $0x0;
	(pc) =	sbr.rel @p0 .LBB2_2-.Ltmp0, $4  }
0x1b: {  	s14 =	sadd.s32 s14, s6;
	[sflag:s10] =	ssyncadd.s32 $0xFFFFFC00  }
0x1c: {  	[hbm4b:s14+s2] =	stream.linear.scatter [tilespmem:s9], [sflag:$0x2], $0x400, $0x38;
	[tilespmem:$0x1C80] =	vst v63  }
0x1d: {  	_ =	swait.ge [sflag:s7], $0x400  }
0x1e: {  	[sflag:s7] =	ssyncset.done $0x0  }
0x1f: {  	s11 =	sadd.s32 $0x1, s11  }
0x20: {  	p0 =	sne.s32 s11, s5  }
.Ltmp1:
0x21: {  	_ = 	snop;
	(pc) =	sbr.rel @p0 .LBB2_1-.Ltmp1, $2  }
0x22: {  	_ =	sdelay $0x2  }
0x23: {  	[sflag:s7] =	ssyncadd.s32 $0xFFFFFC00  }
0x24: {  	_ =	sfence.sel $0x180000  }
0x25: {  	[bflag:$0x0] =	sbarrier.arrive $0xFFFF  }
0x26: {  	p0 =	sne.s32 s1, $0x0;
	_ =	strace $0x90000053  }
0x27: {  	s0 =	sadd.s32 @!p0 $0x100000, s0;
	[bflag:$0x2] =	sbarrier.arrive $0xFFFF  }
0x28: {  	[sflag:s0] =	ssyncadd.tile.s32 @!p0 $0x1;
	_ =	shalt  }
.Lfunc_end2:
_tile_overlayer_lowered:
.L_overlay_start_2:
0x29: {  	(tag) =	ssettag $0x2  }
0x2a: {  	s0 =	rddreg [dreg:$0x0];
	s2 =	stileid.u32  }
0x2b: {  	s1 =	rddreg [dreg:$0x1];
	p0 =	sne.s32 s2, $0x0  }
0x2c: {  	s3 =	rddreg [dreg:$0x2];
	[bflag:$0x3] =	sbarrier.arrive $0xFFFF;
	s2 =	simm.s32 @!p0 $0x1C02  }
0x2d: {  	[timem:s3], [sflag:s2] =	dma.local @!p0 [hbm:s0], s1  }
0x2e: {  	s0 =	simm.s32 @!p0 $0x2  }
0x2f: {  	_ =	swait.ge @!p0 [sflag:s0], s1  }
0x30: {  	s1 =	ssub.s32 @!p0 $0x0, s1;
	[sflag:s0] =	ssyncset.done @!p0 $0x0  }
0x31: {  	[sflag:s0] =	ssyncadd.s32 @!p0 s1  }
0x32: {  	[bflag:$0x3] =	sbarrier.arrive $0xFFFF  }
0x33: {  	_ =	shalt  }

// kernel: kernel.31.cloned.1.call-start
scs
__scs_entry_jumppad:
0x0: {  	(pc) =	sbr.rel $0x88, $3  }
0x1: {  	(tag) =	ssettag $0x0;
	lr =	simm.s32 $0x1  }
0x2: {  	[smem:$0x3F89] =	sst lr;
	_ =	strace $0xD0000000  }
0x3: {  	_ = 	snop  }
0x4: {  	_ = 	snop  }
0x5: {  	_ = 	snop  }
0x6: {  	_ = 	snop  }
0x7: {  	_ = 	snop  }
__scs_overlays_trampoline_lowered:
0x8: {  	[smem:$0x3F98] =	sst s0  }
0x9: {  	[smem:$0x3F99] =	sst s1  }
0xa: {  	[smem:$0x3F9A] =	sst s2  }
0xb: {  	[smem:$0x3F9B] =	sst s3  }
0xc: {  	[smem:$0x3F9C] =	sst s4  }
0xd: {  	[smem:$0x3F9D] =	sst s5  }
0xe: {  	[smem:$0x3F9E] =	sst s6  }
0xf: {  	[smem:$0x3F9F] =	sst s7  }
0x10: {  	[smem:$0x3FA0] =	sst s8  }
0x11: {  	[smem:$0x3FA1] =	sst s9;
	s0 =	simm.s32 @!p0 $0x0  }
0x12: {  	s1 =	sld [smem:$0x3F87];
	s0 =	simm.s32 @p0 $0x1  }
0x13: {  	[smem:$0x3FA2] =	sst s0;
	s0 =	simm.s32 @!p1 $0x0  }
0x14: {  	s2 =	sld [smem:$0x3F86];
	s0 =	simm.s32 @p1 $0x1  }
0x15: {  	[smem:$0x3FA3] =	sst s0;
	s0 =	simm.s32 @!p2 $0x0  }
0x16: {  	s3 =	sld [smem:$0x3FDB];
	s0 =	simm.s32 @p2 $0x1  }
0x17: {  	s4 =	simm.s32 $0x1BF5;
	[smem:$0x3FA5] =	sst s0  }
0x18: {  	s0 =	sld [smem:$0x3F88];
	_ =	swait.ge [sflag:s4], $0x0  }
0x19: {  	s7 =	sld [smem:$0x3F89]  }
0x1a: {  	s8 =	sadd.s32 $0xFFFFE003, lr  }
0x1b: {  	s9 =	sadd.s32 $0xFFFFFEF7, lr;
	s5 =	simm.s32 $0xFFFFFFFF;
	p2 =	slt.u32 s8, $0xFFFFF086  }
0x1c: {  	p1 =	slt.u32 s9, $0xF7A;
	s5 =	simm.s32 @!p2 $0x0  }
0x1d: {  	s5 =	simm.s32 @p1 $0x1;
	p0 =	seq.s32 s7, s2  }
0x1e: {  	s7 =	smul.u32 @!p0 $0xF7A, s2;
	p2 =	seq.s32 @!p0 s5, $0x0  }
0x1f: {  	s9 =	smul.u32 $0xF7A, s1;
	s8 =	simm.s32 @!p0 $0x1BF5;
	p2 =	por !p2, p0  }
0x20: {  	[sflag:s8] =	ssyncset.s32 @!p0 $0xFFFFF086;
	s6 =	sadd.s32 @!p0 s3, s7;
	s7 =	simm.s32 @!p0 $0x108  }
0x21: {  	s3 =	sadd.s32 s3, s9;
	s6 =	sadd.s32 @!p0 $0x88, s6;
	s7 =	simm.s32 @p2 $0x1082  }
0x22: {  	[simem:s7], [sflag:s8] =	dma.local @!p0 [hbm:s6], $0xF7A  }
0x23: {  	s9 =	sor.u32 $0xD0000000, s2;
	s6 =	simm.s32 $0x108;
	_ =	swait.ge @!p0 [sflag:s8], $0x0  }
0x24: {  	s3 =	sadd.s32 $0x88, s3;
	s6 =	simm.s32 @!p1 $0x1082;
	[sflag:s4] =	ssyncset.s32 $0xFFFFF086  }
0x25: {  	[simem:s6], [sflag:s4] =	dma.local [hbm:s3], $0xF7A  }
0x26: {  	[smem:$0x3F89] =	sst s1;
	(tag) =	ssettag s2;
	_ =	strace s9  }
0x27: {  	s1 =	sld [smem:$0x3F99]  }
0x28: {  	s2 =	sld [smem:$0x3F9A]  }
0x29: {  	s4 =	sld [smem:$0x3F9C]  }
0x2a: {  	p0 =	seq.s32 s5, $0x0;
	s5 =	sld [smem:$0x3F9D]  }
0x2b: {  	s6 =	sld [smem:$0x3F9E]  }
0x2c: {  	s7 =	sld [smem:$0x3F9F]  }
0x2d: {  	s3 =	simm.s32 $0x108;
	s8 =	sld [smem:$0x3FA0]  }
0x2e: {  	s3 =	simm.s32 @!p0 $0x1082;
	s9 =	sld [smem:$0x3FA1]  }
0x2f: {  	lr =	sadd.s32 s0, s3;
	s0 =	sld [smem:$0x3F98]  }
0x30: {  	s3 =	sld [smem:$0x3F9B]  }
0x31: {  	[smem:$0x3FA4] =	sst s10  }
0x32: {  	s10 =	sld [smem:$0x3FA2];
	_ =	sdelay $0x3  }
0x33: {  	p0 =	seq.s32 s10, $0x1;
	s10 =	sld [smem:$0x3FA4];
	_ =	sdelay $0x3  }
0x34: {  	[smem:$0x3FA4] =	sst s10  }
0x35: {  	s10 =	sld [smem:$0x3FA3];
	_ =	sdelay $0x3  }
0x36: {  	p1 =	seq.s32 s10, $0x1;
	s10 =	sld [smem:$0x3FA4];
	_ =	sdelay $0x3  }
0x37: {  	[smem:$0x3FA4] =	sst s10  }
0x38: {  	s10 =	sld [smem:$0x3FA5]  }
0x39: {  	_ = 	snop;
	(pc) =	sbr.ind lr, $3  }
0x3a: {  	_ = 	snop  }
0x3b: {  	_ = 	snop  }
0x3c: {  	p2 =	seq.s32 s10, $0x1;
	s10 =	sld [smem:$0x3FA4]  }
0x3d: {  	_ =	shalt  }
0x3e: {  	_ =	shalt  }
0x3f: {  	_ =	shalt  }
0x40: {  	_ =	shalt  }
0x41: {  	_ =	shalt  }
0x42: {  	_ =	shalt  }
0x43: {  	_ =	shalt  }
0x44: {  	_ =	shalt  }
0x45: {  	_ =	shalt  }
0x46: {  	_ =	shalt  }
0x47: {  	_ =	shalt  }
0x48: {  	_ =	shalt  }
0x49: {  	_ =	shalt  }
0x4a: {  	_ =	shalt  }
0x4b: {  	_ =	shalt  }
0x4c: {  	_ =	shalt  }
0x4d: {  	_ =	shalt  }
0x4e: {  	_ =	shalt  }
0x4f: {  	_ =	shalt  }
0x50: {  	_ =	shalt  }
0x51: {  	_ =	shalt  }
0x52: {  	_ =	shalt  }
0x53: {  	_ =	shalt  }
0x54: {  	_ =	shalt  }
0x55: {  	_ =	shalt  }
0x56: {  	_ =	shalt  }
0x57: {  	_ =	shalt  }
0x58: {  	_ =	shalt  }
0x59: {  	_ =	shalt  }
0x5a: {  	_ =	shalt  }
0x5b: {  	_ =	shalt  }
0x5c: {  	_ =	shalt  }
0x5d: {  	_ =	shalt  }
0x5e: {  	_ =	shalt  }
0x5f: {  	_ =	shalt  }
0x60: {  	_ =	shalt  }
0x61: {  	_ =	shalt  }
0x62: {  	_ =	shalt  }
0x63: {  	_ =	shalt  }
0x64: {  	_ =	shalt  }
0x65: {  	_ =	shalt  }
0x66: {  	_ =	shalt  }
0x67: {  	_ =	shalt  }
0x68: {  	_ =	shalt  }
0x69: {  	_ =	shalt  }
0x6a: {  	_ =	shalt  }
0x6b: {  	_ =	shalt  }
0x6c: {  	_ =	shalt  }
0x6d: {  	_ =	shalt  }
0x6e: {  	_ =	shalt  }
0x6f: {  	_ =	shalt  }
0x70: {  	_ =	shalt  }
0x71: {  	_ =	shalt  }
0x72: {  	_ =	shalt  }
0x73: {  	_ =	shalt  }
0x74: {  	_ =	shalt  }
0x75: {  	_ =	shalt  }
0x76: {  	_ =	shalt  }
0x77: {  	_ =	shalt  }
0x78: {  	_ =	shalt  }
0x79: {  	_ =	shalt  }
0x7a: {  	_ =	shalt  }
0x7b: {  	_ =	shalt  }
0x7c: {  	_ =	shalt  }
0x7d: {  	_ =	shalt  }
0x7e: {  	_ =	shalt  }
0x7f: {  	_ =	shalt  }
0x80: {  	_ =	shalt  }
0x81: {  	_ =	shalt  }
0x82: {  	_ =	shalt  }
0x83: {  	_ =	shalt  }
0x84: {  	_ =	shalt  }
0x85: {  	_ =	shalt  }
0x86: {  	_ =	shalt  }
0x87: {  	_ =	shalt  }
.Lfunc_end0:
.L_simem_size_0:
called_computation.5_lowered:
.L_overlay_start_0:
0x88: {  	s2 =	sld [smem:$0x3FD9]  }
0x89: {  	s3 =	sld [smem:$0x3FFE];
	_ =	sdelay $0x1  }
0x8a: {  	s1 =	srdreg.scid  }
0x8b: {  	s0 =	sand.u32 $0x1, s1  }
0x8c: {  	s17 =	sshll.u32 s0, $0xA;
	s2 =	sadd.s32 s3, s2  }
0x8d: {  	s2 =	sadd.s32 s2, s17  }
0x8e: {  	[smem:$0x3FB0] =	sst s2  }
0x8f: {  	_ = 	snop  }
0x90: {  	(tm) =	ssettm $0x1  }
0x91: {  	s18 =	sld [smem:$0x3FFB];
	_ =	sdelay $0x3  }
0x92: {  	_ =	strace s18  }
0x93: {  	s2 =	sld [smem:$0x3FFC];
	_ =	sdelay $0x3  }
0x94: {  	_ =	strace s2  }
0x95: {  	s2 =	sld [smem:$0x3FFD];
	_ =	sdelay $0x3  }
0x96: {  	_ =	strace s2  }
0x97: {  	_ =	strace $0x8FFFFFFF  }
0x98: {  	s19 =	sld [smem:$0x3FDB];
	_ =	sdelay $0x1  }
0x99: {  	s20 =	simm.s32 $_scs_section_size  }
0x9a: {  	s4 =	simm.s32 $_size__tile_overlayer_lowered;
	s5 =	simm.s32 $_tile_overlayer_lowered  }
0x9b: {  	s6 =	simm.s32 $0x1BFF;
	s21 =	sshll.u32 s5, $0x1;
	s3 =	sadd.s32 s20, s19  }
0x9c: {  	s22 =	simm.s32 $0x0;
	s4 =	sshll.u32 s4, $0x1;
	s5 =	sadd.s32 s21, s3  }
0x9d: {  	[timem:s22], [sflag:s6] =	dma.local [hbm:s5], s4  }
0x9e: {  	_ =	swait.ge [sflag:s6], s4  }
0x9f: {  	s4 =	ssub.s32 $0x0, s4;
	[sflag:s6] =	ssyncset.done $0x0  }
0xa0: {  	[sflag:s6] =	ssyncadd.s32 s4;
	_ =	sdelay $0x1  }
0xa1: {  	s23 =	simm.s32 $0x1B8B  }
0xa2: {  	_ =	swait.ge [sflag:s23], $0x1  }
0xa3: {  	[sflag:s23] =	ssyncset.done $0x0  }
0xa4: {  	[sflag:s23] =	ssyncadd.s32 $0xFFFFFFFF  }
0xa5: {  	s4 =	sld [smem:$0x0]  }
0xa6: {  	s5 =	sand.u32 $0xFFFFFFFE, s1  }
0xa7: {  	p0 =	sne.s32 s1, s5  }
0xa8: {  	s5 =	sshll.u32 @p0 s5, $0xE  }
0xa9: {  	s5 =	sadd.s32 @p0 $0x11B8D, s5;
	s6 =	sshll.u32 @p0 s4, $0x11  }
0xaa: {  	s5 =	sor.u32 @p0 s6, s5  }
0xab: {  	[sflag:s5] =	ssyncadd.remote.s32 @p0 $0x1;
	_ =	sdelay $0x1  }
0xac: {  	s5 =	simm.s32 @p0 $0x1B8D  }
0xad: {  	_ =	swait.eq @p0 [sflag:s5], $0x1  }
0xae: {  	[sflag:s5] =	ssyncadd.s32 @p0 $0xFFFFFFFF  }
0xaf: {  	s6 =	sshll.u32 @!p0 s1, $0xE  }
0xb0: {  	s6 =	sor.u32 @!p0 $0x4000, s6;
	s5 =	simm.s32 @!p0 $0x1B8D  }
0xb1: {  	s4 =	sshll.u32 @!p0 s4, $0x11;
	s6 =	sadd.s32 @!p0 $0x11B8D, s6;
	_ =	swait.eq @!p0 [sflag:s5], $0x1  }
0xb2: {  	s4 =	sor.u32 @!p0 s4, s6;
	[sflag:s5] =	ssyncadd.s32 @!p0 $0xFFFFFFFF  }
0xb3: {  	s25 =	simm.s32 $0x1B8E;
	s24 =	sld [smem:$0x3FFE];
	[sflag:s4] =	ssyncadd.remote.s32 @!p0 $0x1  }
0xb4: {  	s26 =	simm.s32 $execute0_lowered;
	[smem:$0x3FD2] =	sst s25  }
0xb5: {  	s5 =	sshll.u32 s26, $0x1;
	_ =	strace $0x80000055;
	[dreg:$0x1] =	wrdreg $0xFFFFFFFF  }
0xb6: {  	s28 =	simm.s32 $_size_execute0_lowered;
	s3 =	sadd.s32 s3, s5;
	[dreg:$0x0] =	wrdreg $0x0  }
0xb7: {  	s5 =	sshll.u32 s28, $0x1;
	[dreg:$0x2] =	wrdreg s3  }
0xb8: {  	[dreg:$0x3] =	wrdreg s5  }
0xb9: {  	[dreg:$0x4] =	wrdreg $0xC0  }
0xba: {  	_ =	task [dreg:s22], $0x5FFFF  }
0xbb: {  	[dreg:$0x1] =	wrdreg $0xFFFFFFFF  }
0xbc: {  	[dreg:$0x0] =	wrdreg $0x60  }
0xbd: {  	[dreg:$0x2] =	wrdreg s24  }
0xbe: {  	[dreg:$0x3] =	wrdreg $0xA  }
0xbf: {  	_ =	task.clear_ibuf [dreg:s22], $0x4FFFF;
	_ =	strace $0x90000055  }
0xc0: {  	s29 =	simm.s32 $0xA;
	_ =	strace $0x80000057  }
0xc1: {  	_ =	swait.ge [sflag:s29], $0x1  }
0xc2: {  	[sflag:s29] =	ssyncadd.s32 $0xFFFFFFFF  }
0xc3: {  	_ =	strace $0x90000057  }
0xc4: {  	_ =	sfence  }
0xc5: {  	s30 =	sld [smem:$0x0];
	_ =	sdelay $0x2  }
0xc6: {  	s31 =	sshll.u32 s1, $0xD;
	s1 =	sshrl.u32 s1, $0x2  }
0xc7: {  	s4 =	sand.u32 $0x4000, s31;
	s1 =	sadd.s32 s1, s30  }
0xc8: {  	s0 =	sor.u32 s4, s0;
	s1 =	sshll.u32 s1, $0x11  }
0xc9: {  	s0 =	sor.u32 s1, s0  }
0xca: {  	s0 =	sadd.s32 $0x8F2B, s0  }
0xcb: {  	[sflag:s0] =	ssyncadd.remote.s32 $0x1  }
0xcc: {  	_ =	sfence.sel $0xFFFF  }
0xcd: {  	[dreg:$0x0] =	wrdreg $0xFFFFFFFF;
	(pc) =	sbr.abs _section_cstart, $3  }
0xce: {  	[dreg:$0x1] =	wrdreg $0xFFFFFFFF  }
0xcf: {  	_ =	task.clear_ibuf [dreg:s22], $0x2FFFF;
	_ =	strace $0x9FFFFFFF  }
0xd0: {  	(tm) =	ssettm $0x7FFFFFFF  }
0xd1: {  	_ =	shalt  }
tec
execute0_lowered:
.L_overlay_start_1:
0x0: {  	(tag) =	ssettag $0x1  }
0x1: {  	s4 =	rddreg [dreg:$0x0]  }
0x2: {  	s0 =	rddreg [dreg:$0x1]  }
0x3: {  	s3 =	srdreg.scid;
	s1 =	stileid.u32;
	s2 =	simm.s32 $0x0  }
0x4: {  	s11 =	simm.s32 $0x0;
	s5 =	sand.u32 $0x1, s3;
	s28 =	sshll.u32 s1, $0x1  }
0x5: {  	[smem:$0x7FF] =	sst s2;
	s7 =	smul.u32 $0x31000, s1;
	s3 =	sor.u32 s5, s28  }
0x6: {  	_ =	strace $0x80000056;
	s8 =	ssub.s32 $0x2, s5;
	s10 =	smul.u32 $0x18800, s5  }
0x7: {  	s6 =	smul.u32 $0x1880, s3;
	s3 =	sadd.s32 $0xA48200, s4;
	s9 =	sshrl.u32 s8, $0x1  }
0x8: {  	s30 =	sadd.s32 s7, s4;
	s7 =	simm.s32 $0x2;
	s31 =	ssub.s32 s8, s9  }
0x9: {  	s8 =	simm.s32 $0x40;
	s9 =	simm.s32 $0x1880;
	s6 =	sshrl.u32 s6, $0x3  }
0xa: {  	s5 =	smax.u32 s31, $0x1;
	s29 =	sadd.s32 s6, s4;
	s6 =	sadd.s32 s10, s30  }
0xb: {  	s10 =	simm.s32 $0x1;
	s4 =	sadd.s32 $0x984200, s29;
	s6 =	sadd.s32 $0xB6D200, s6  }
.LBB2_1:
0xc: {  	[tilespmem:s2], [sflag:$0x2] =	stream.linear.gather [hbm4b:s4+s2], $0x1880, $0x38;
	[tilespmem:$0x3880] =	vst v63  }
0xd: {  	_ =	swait.ge [sflag:s7], $0x1880  }
0xe: {  	[sflag:s7] =	ssyncset.done $0x0  }
0xf: {  	s12 =	simm.s32 $0x0;
	[sflag:s7] =	ssyncadd.s32 $0xFFFFE780  }
0x10: {  	[tilespmem:s9], [sflag:$0x1] =	stream.indirect.gather [hbm4b:s3+s8], $0x80, s12, s8, $0xb8;
	[tilespmem:$0x3880] =	vst v63  }
0x11: {  	_ =	swait.ge [sflag:s10], $0x2000  }
0x12: {  	[sflag:s10] =	ssyncset.done $0x0  }
0x13: {  	[sflag:s10] =	ssyncadd.s32 $0xFFFFE000  }
0x14: {  	[hbm4b:s6+s2] =	stream.linear.scatter [tilespmem:s9], [sflag:$0x2], $0x2000, $0x38;
	[tilespmem:$0x3880] =	vst v63  }
0x15: {  	s13 =	simm.s32 $0x100;
	_ =	swait.ge [sflag:s7], $0x2000  }
0x16: {  	s14 =	simm.s32 $0x200;
	s12 =	sadd.s32 $0x400, s6;
	[sflag:s7] =	ssyncset.done $0x0  }
.LBB2_2:
0x17: {  	s15 =	sshra.s32 s13, $0x2  }
0x18: {  	[sflag:s7] =	ssyncadd.s32 $0xFFFFE000;
	s13 =	smov.u32 s14;
	s16 =	sadd.s32 $0x100, s14  }
0x19: {  	[tilespmem:s9], [sflag:$0x1] =	stream.indirect.gather [hbm4b:s3+s8], $0x80, s15, s8, $0xb8;
	[tilespmem:$0x3880] =	vst v63  }
0x1a: {  	p0 =	sne.s32 s14, $0x6100;
	_ =	swait.ge [sflag:s10], $0x2000  }
.Ltmp0:
0x1b: {  	[sflag:s10] =	ssyncset.done $0x0;
	(pc) =	sbr.rel @p0 .LBB2_2-.Ltmp0, $4  }
0x1c: {  	[sflag:s10] =	ssyncadd.s32 $0xFFFFE000  }
0x1d: {  	[hbm4b:s12+s2] =	stream.linear.scatter [tilespmem:s9], [sflag:$0x2], $0x2000, $0x38;
	[tilespmem:$0x3880] =	vst v63  }
0x1e: {  	_ =	swait.ge [sflag:s7], $0x2000  }
0x1f: {  	s14 =	smov.u32 s16;
	s12 =	sadd.s32 $0x400, s12;
	[sflag:s7] =	ssyncset.done $0x0  }
0x20: {  	s13 =	sshra.s32 s13, $0x2;
	[sflag:s7] =	ssyncadd.s32 $0xFFFFE000  }
0x21: {  	[tilespmem:s9], [sflag:$0x1] =	stream.indirect.gather [hbm4b:s3+s8], $0x80, s13, s8, $0xb8;
	[tilespmem:$0x3880] =	vst v63  }
0x22: {  	s11 =	sadd.s32 $0x1, s11;
	_ =	swait.ge [sflag:s10], $0x2000  }
0x23: {  	p0 =	sne.s32 s11, s5;
	[sflag:s10] =	ssyncset.done $0x0  }
.Ltmp1:
0x24: {  	[sflag:s10] =	ssyncadd.s32 $0xFFFFE000;
	(pc) =	sbr.rel @p0 .LBB2_1-.Ltmp1, $4  }
0x25: {  	[hbm4b:s12+s2] =	stream.linear.scatter [tilespmem:s9], [sflag:$0x2], $0x2000, $0x38;
	[tilespmem:$0x3880] =	vst v63  }
0x26: {  	_ =	swait.ge [sflag:s7], $0x2000  }
0x27: {  	[sflag:s7] =	ssyncset.done $0x0  }
0x28: {  	[sflag:s7] =	ssyncadd.s32 $0xFFFFE000  }
0x29: {  	_ =	sfence.sel $0x180000  }
0x2a: {  	[bflag:$0x0] =	sbarrier.arrive $0xFFFF  }
0x2b: {  	p0 =	sne.s32 s1, $0x0;
	_ =	strace $0x90000056  }
0x2c: {  	s0 =	sadd.s32 @!p0 $0x100000, s0;
	[bflag:$0x2] =	sbarrier.arrive $0xFFFF  }
0x2d: {  	[sflag:s0] =	ssyncadd.tile.s32 @!p0 $0x1;
	_ =	shalt  }
.Lfunc_end2:
_tile_overlayer_lowered:
.L_overlay_start_2:
0x2e: {  	(tag) =	ssettag $0x2  }
0x2f: {  	s0 =	rddreg [dreg:$0x0];
	s2 =	stileid.u32  }
0x30: {  	s1 =	rddreg [dreg:$0x1];
	p0 =	sne.s32 s2, $0x0  }
0x31: {  	s3 =	rddreg [dreg:$0x2];
	[bflag:$0x3] =	sbarrier.arrive $0xFFFF;
	s2 =	simm.s32 @!p0 $0x1C02  }
0x32: {  	[timem:s3], [sflag:s2] =	dma.local @!p0 [hbm:s0], s1  }
0x33: {  	s0 =	simm.s32 @!p0 $0x2  }
0x34: {  	_ =	swait.ge @!p0 [sflag:s0], s1  }
0x35: {  	s1 =	ssub.s32 @!p0 $0x0, s1;
	[sflag:s0] =	ssyncset.done @!p0 $0x0  }
0x36: {  	[sflag:s0] =	ssyncadd.s32 @!p0 s1  }
0x37: {  	[bflag:$0x3] =	sbarrier.arrive $0xFFFF  }
0x38: {  	_ =	shalt  }

// kernel: kernel.34.cloned.1.call-start
scs
__scs_entry_jumppad:
0x0: {  	(pc) =	sbr.rel $0x88, $3  }
0x1: {  	(tag) =	ssettag $0x0;
	lr =	simm.s32 $0x1  }
0x2: {  	[smem:$0x3F89] =	sst lr;
	_ =	strace $0xD0000000  }
0x3: {  	_ = 	snop  }
0x4: {  	_ = 	snop  }
0x5: {  	_ = 	snop  }
0x6: {  	_ = 	snop  }
0x7: {  	_ = 	snop  }
__scs_overlays_trampoline_lowered:
0x8: {  	[smem:$0x3F98] =	sst s0  }
0x9: {  	[smem:$0x3F99] =	sst s1  }
0xa: {  	[smem:$0x3F9A] =	sst s2  }
0xb: {  	[smem:$0x3F9B] =	sst s3  }
0xc: {  	[smem:$0x3F9C] =	sst s4  }
0xd: {  	[smem:$0x3F9D] =	sst s5  }
0xe: {  	[smem:$0x3F9E] =	sst s6  }
0xf: {  	[smem:$0x3F9F] =	sst s7  }
0x10: {  	[smem:$0x3FA0] =	sst s8  }
0x11: {  	[smem:$0x3FA1] =	sst s9;
	s0 =	simm.s32 @!p0 $0x0  }
0x12: {  	s1 =	sld [smem:$0x3F87];
	s0 =	simm.s32 @p0 $0x1  }
0x13: {  	[smem:$0x3FA2] =	sst s0;
	s0 =	simm.s32 @!p1 $0x0  }
0x14: {  	s2 =	sld [smem:$0x3F86];
	s0 =	simm.s32 @p1 $0x1  }
0x15: {  	[smem:$0x3FA3] =	sst s0;
	s0 =	simm.s32 @!p2 $0x0  }
0x16: {  	s3 =	sld [smem:$0x3FDB];
	s0 =	simm.s32 @p2 $0x1  }
0x17: {  	s4 =	simm.s32 $0x1BF5;
	[smem:$0x3FA5] =	sst s0  }
0x18: {  	s0 =	sld [smem:$0x3F88];
	_ =	swait.ge [sflag:s4], $0x0  }
0x19: {  	s7 =	sld [smem:$0x3F89]  }
0x1a: {  	s8 =	sadd.s32 $0xFFFFE003, lr  }
0x1b: {  	s9 =	sadd.s32 $0xFFFFFEF7, lr;
	s5 =	simm.s32 $0xFFFFFFFF;
	p2 =	slt.u32 s8, $0xFFFFF086  }
0x1c: {  	p1 =	slt.u32 s9, $0xF7A;
	s5 =	simm.s32 @!p2 $0x0  }
0x1d: {  	s5 =	simm.s32 @p1 $0x1;
	p0 =	seq.s32 s7, s2  }
0x1e: {  	s7 =	smul.u32 @!p0 $0xF7A, s2;
	p2 =	seq.s32 @!p0 s5, $0x0  }
0x1f: {  	s9 =	smul.u32 $0xF7A, s1;
	s8 =	simm.s32 @!p0 $0x1BF5;
	p2 =	por !p2, p0  }
0x20: {  	[sflag:s8] =	ssyncset.s32 @!p0 $0xFFFFF086;
	s6 =	sadd.s32 @!p0 s3, s7;
	s7 =	simm.s32 @!p0 $0x108  }
0x21: {  	s3 =	sadd.s32 s3, s9;
	s6 =	sadd.s32 @!p0 $0x88, s6;
	s7 =	simm.s32 @p2 $0x1082  }
0x22: {  	[simem:s7], [sflag:s8] =	dma.local @!p0 [hbm:s6], $0xF7A  }
0x23: {  	s9 =	sor.u32 $0xD0000000, s2;
	s6 =	simm.s32 $0x108;
	_ =	swait.ge @!p0 [sflag:s8], $0x0  }
0x24: {  	s3 =	sadd.s32 $0x88, s3;
	s6 =	simm.s32 @!p1 $0x1082;
	[sflag:s4] =	ssyncset.s32 $0xFFFFF086  }
0x25: {  	[simem:s6], [sflag:s4] =	dma.local [hbm:s3], $0xF7A  }
0x26: {  	[smem:$0x3F89] =	sst s1;
	(tag) =	ssettag s2;
	_ =	strace s9  }
0x27: {  	s1 =	sld [smem:$0x3F99]  }
0x28: {  	s2 =	sld [smem:$0x3F9A]  }
0x29: {  	s4 =	sld [smem:$0x3F9C]  }
0x2a: {  	p0 =	seq.s32 s5, $0x0;
	s5 =	sld [smem:$0x3F9D]  }
0x2b: {  	s6 =	sld [smem:$0x3F9E]  }
0x2c: {  	s7 =	sld [smem:$0x3F9F]  }
0x2d: {  	s3 =	simm.s32 $0x108;
	s8 =	sld [smem:$0x3FA0]  }
0x2e: {  	s3 =	simm.s32 @!p0 $0x1082;
	s9 =	sld [smem:$0x3FA1]  }
0x2f: {  	lr =	sadd.s32 s0, s3;
	s0 =	sld [smem:$0x3F98]  }
0x30: {  	s3 =	sld [smem:$0x3F9B]  }
0x31: {  	[smem:$0x3FA4] =	sst s10  }
0x32: {  	s10 =	sld [smem:$0x3FA2];
	_ =	sdelay $0x3  }
0x33: {  	p0 =	seq.s32 s10, $0x1;
	s10 =	sld [smem:$0x3FA4];
	_ =	sdelay $0x3  }
0x34: {  	[smem:$0x3FA4] =	sst s10  }
0x35: {  	s10 =	sld [smem:$0x3FA3];
	_ =	sdelay $0x3  }
0x36: {  	p1 =	seq.s32 s10, $0x1;
	s10 =	sld [smem:$0x3FA4];
	_ =	sdelay $0x3  }
0x37: {  	[smem:$0x3FA4] =	sst s10  }
0x38: {  	s10 =	sld [smem:$0x3FA5]  }
0x39: {  	_ = 	snop;
	(pc) =	sbr.ind lr, $3  }
0x3a: {  	_ = 	snop  }
0x3b: {  	_ = 	snop  }
0x3c: {  	p2 =	seq.s32 s10, $0x1;
	s10 =	sld [smem:$0x3FA4]  }
0x3d: {  	_ =	shalt  }
0x3e: {  	_ =	shalt  }
0x3f: {  	_ =	shalt  }
0x40: {  	_ =	shalt  }
0x41: {  	_ =	shalt  }
0x42: {  	_ =	shalt  }
0x43: {  	_ =	shalt  }
0x44: {  	_ =	shalt  }
0x45: {  	_ =	shalt  }
0x46: {  	_ =	shalt  }
0x47: {  	_ =	shalt  }
0x48: {  	_ =	shalt  }
0x49: {  	_ =	shalt  }
0x4a: {  	_ =	shalt  }
0x4b: {  	_ =	shalt  }
0x4c: {  	_ =	shalt  }
0x4d: {  	_ =	shalt  }
0x4e: {  	_ =	shalt  }
0x4f: {  	_ =	shalt  }
0x50: {  	_ =	shalt  }
0x51: {  	_ =	shalt  }
0x52: {  	_ =	shalt  }
0x53: {  	_ =	shalt  }
0x54: {  	_ =	shalt  }
0x55: {  	_ =	shalt  }
0x56: {  	_ =	shalt  }
0x57: {  	_ =	shalt  }
0x58: {  	_ =	shalt  }
0x59: {  	_ =	shalt  }
0x5a: {  	_ =	shalt  }
0x5b: {  	_ =	shalt  }
0x5c: {  	_ =	shalt  }
0x5d: {  	_ =	shalt  }
0x5e: {  	_ =	shalt  }
0x5f: {  	_ =	shalt  }
0x60: {  	_ =	shalt  }
0x61: {  	_ =	shalt  }
0x62: {  	_ =	shalt  }
0x63: {  	_ =	shalt  }
0x64: {  	_ =	shalt  }
0x65: {  	_ =	shalt  }
0x66: {  	_ =	shalt  }
0x67: {  	_ =	shalt  }
0x68: {  	_ =	shalt  }
0x69: {  	_ =	shalt  }
0x6a: {  	_ =	shalt  }
0x6b: {  	_ =	shalt  }
0x6c: {  	_ =	shalt  }
0x6d: {  	_ =	shalt  }
0x6e: {  	_ =	shalt  }
0x6f: {  	_ =	shalt  }
0x70: {  	_ =	shalt  }
0x71: {  	_ =	shalt  }
0x72: {  	_ =	shalt  }
0x73: {  	_ =	shalt  }
0x74: {  	_ =	shalt  }
0x75: {  	_ =	shalt  }
0x76: {  	_ =	shalt  }
0x77: {  	_ =	shalt  }
0x78: {  	_ =	shalt  }
0x79: {  	_ =	shalt  }
0x7a: {  	_ =	shalt  }
0x7b: {  	_ =	shalt  }
0x7c: {  	_ =	shalt  }
0x7d: {  	_ =	shalt  }
0x7e: {  	_ =	shalt  }
0x7f: {  	_ =	shalt  }
0x80: {  	_ =	shalt  }
0x81: {  	_ =	shalt  }
0x82: {  	_ =	shalt  }
0x83: {  	_ =	shalt  }
0x84: {  	_ =	shalt  }
0x85: {  	_ =	shalt  }
0x86: {  	_ =	shalt  }
0x87: {  	_ =	shalt  }
.Lfunc_end0:
.L_simem_size_0:
called_computation.6_lowered:
.L_overlay_start_0:
0x88: {  	s2 =	sld [smem:$0x3FD9]  }
0x89: {  	s3 =	sld [smem:$0x3FFE];
	_ =	sdelay $0x1  }
0x8a: {  	s1 =	srdreg.scid  }
0x8b: {  	s0 =	sand.u32 $0x1, s1  }
0x8c: {  	s17 =	sshll.u32 s0, $0xA;
	s2 =	sadd.s32 s3, s2  }
0x8d: {  	s2 =	sadd.s32 s2, s17  }
0x8e: {  	[smem:$0x3FB0] =	sst s2  }
0x8f: {  	_ = 	snop  }
0x90: {  	(tm) =	ssettm $0x1  }
0x91: {  	s18 =	sld [smem:$0x3FFB];
	_ =	sdelay $0x3  }
0x92: {  	_ =	strace s18  }
0x93: {  	s2 =	sld [smem:$0x3FFC];
	_ =	sdelay $0x3  }
0x94: {  	_ =	strace s2  }
0x95: {  	s2 =	sld [smem:$0x3FFD];
	_ =	sdelay $0x3  }
0x96: {  	_ =	strace s2  }
0x97: {  	_ =	strace $0x8FFFFFFF  }
0x98: {  	s19 =	sld [smem:$0x3FDB];
	_ =	sdelay $0x1  }
0x99: {  	s20 =	simm.s32 $_scs_section_size  }
0x9a: {  	s4 =	simm.s32 $_size__tile_overlayer_lowered;
	s5 =	simm.s32 $_tile_overlayer_lowered  }
0x9b: {  	s6 =	simm.s32 $0x1BFF;
	s21 =	sshll.u32 s5, $0x1;
	s3 =	sadd.s32 s20, s19  }
0x9c: {  	s22 =	simm.s32 $0x0;
	s4 =	sshll.u32 s4, $0x1;
	s5 =	sadd.s32 s21, s3  }
0x9d: {  	[timem:s22], [sflag:s6] =	dma.local [hbm:s5], s4  }
0x9e: {  	_ =	swait.ge [sflag:s6], s4  }
0x9f: {  	s4 =	ssub.s32 $0x0, s4;
	[sflag:s6] =	ssyncset.done $0x0  }
0xa0: {  	[sflag:s6] =	ssyncadd.s32 s4;
	_ =	sdelay $0x1  }
0xa1: {  	s23 =	simm.s32 $0x1B8B  }
0xa2: {  	_ =	swait.ge [sflag:s23], $0x1  }
0xa3: {  	[sflag:s23] =	ssyncset.done $0x0  }
0xa4: {  	[sflag:s23] =	ssyncadd.s32 $0xFFFFFFFF  }
0xa5: {  	s4 =	sld [smem:$0x0]  }
0xa6: {  	s5 =	sand.u32 $0xFFFFFFFE, s1  }
0xa7: {  	p0 =	sne.s32 s1, s5  }
0xa8: {  	s5 =	sshll.u32 @p0 s5, $0xE  }
0xa9: {  	s5 =	sadd.s32 @p0 $0x11B8D, s5;
	s6 =	sshll.u32 @p0 s4, $0x11  }
0xaa: {  	s5 =	sor.u32 @p0 s6, s5  }
0xab: {  	[sflag:s5] =	ssyncadd.remote.s32 @p0 $0x1;
	_ =	sdelay $0x1  }
0xac: {  	s5 =	simm.s32 @p0 $0x1B8D  }
0xad: {  	_ =	swait.eq @p0 [sflag:s5], $0x1  }
0xae: {  	[sflag:s5] =	ssyncadd.s32 @p0 $0xFFFFFFFF  }
0xaf: {  	s6 =	sshll.u32 @!p0 s1, $0xE  }
0xb0: {  	s6 =	sor.u32 @!p0 $0x4000, s6;
	s5 =	simm.s32 @!p0 $0x1B8D  }
0xb1: {  	s4 =	sshll.u32 @!p0 s4, $0x11;
	s6 =	sadd.s32 @!p0 $0x11B8D, s6;
	_ =	swait.eq @!p0 [sflag:s5], $0x1  }
0xb2: {  	s4 =	sor.u32 @!p0 s4, s6;
	[sflag:s5] =	ssyncadd.s32 @!p0 $0xFFFFFFFF  }
0xb3: {  	s25 =	simm.s32 $0x1B8E;
	s24 =	sld [smem:$0x3FFE];
	[sflag:s4] =	ssyncadd.remote.s32 @!p0 $0x1  }
0xb4: {  	s26 =	simm.s32 $execute0_lowered;
	[smem:$0x3FD2] =	sst s25  }
0xb5: {  	s5 =	sshll.u32 s26, $0x1;
	_ =	strace $0x80000058;
	[dreg:$0x1] =	wrdreg $0xFFFFFFFF  }
0xb6: {  	s28 =	simm.s32 $_size_execute0_lowered;
	s3 =	sadd.s32 s3, s5;
	[dreg:$0x0] =	wrdreg $0x0  }
0xb7: {  	s5 =	sshll.u32 s28, $0x1;
	[dreg:$0x2] =	wrdreg s3  }
0xb8: {  	[dreg:$0x3] =	wrdreg s5  }
0xb9: {  	[dreg:$0x4] =	wrdreg $0xC0  }
0xba: {  	_ =	task [dreg:s22], $0x5FFFF  }
0xbb: {  	[dreg:$0x1] =	wrdreg $0xFFFFFFFF  }
0xbc: {  	[dreg:$0x0] =	wrdreg $0x60  }
0xbd: {  	[dreg:$0x2] =	wrdreg s24  }
0xbe: {  	[dreg:$0x3] =	wrdreg $0xB  }
0xbf: {  	_ =	task.clear_ibuf [dreg:s22], $0x4FFFF;
	_ =	strace $0x90000058  }
0xc0: {  	s29 =	simm.s32 $0xB;
	_ =	strace $0x8000005A  }
0xc1: {  	_ =	swait.ge [sflag:s29], $0x1  }
0xc2: {  	[sflag:s29] =	ssyncadd.s32 $0xFFFFFFFF  }
0xc3: {  	_ =	strace $0x9000005A  }
0xc4: {  	_ =	sfence  }
0xc5: {  	s30 =	sld [smem:$0x0];
	_ =	sdelay $0x2  }
0xc6: {  	s31 =	sshll.u32 s1, $0xD;
	s1 =	sshrl.u32 s1, $0x2  }
0xc7: {  	s4 =	sand.u32 $0x4000, s31;
	s1 =	sadd.s32 s1, s30  }
0xc8: {  	s0 =	sor.u32 s4, s0;
	s1 =	sshll.u32 s1, $0x11  }
0xc9: {  	s0 =	sor.u32 s1, s0  }
0xca: {  	s0 =	sadd.s32 $0x8F2B, s0  }
0xcb: {  	[sflag:s0] =	ssyncadd.remote.s32 $0x1  }
0xcc: {  	_ =	sfence.sel $0xFFFF  }
0xcd: {  	[dreg:$0x0] =	wrdreg $0xFFFFFFFF;
	(pc) =	sbr.abs _section_cstart, $3  }
0xce: {  	[dreg:$0x1] =	wrdreg $0xFFFFFFFF  }
0xcf: {  	_ =	task.clear_ibuf [dreg:s22], $0x2FFFF;
	_ =	strace $0x9FFFFFFF  }
0xd0: {  	(tm) =	ssettm $0x7FFFFFFF  }
0xd1: {  	_ =	shalt  }
tec
execute0_lowered:
.L_overlay_start_1:
0x0: {  	(tag) =	ssettag $0x1  }
0x1: {  	s4 =	rddreg [dreg:$0x0]  }
0x2: {  	s0 =	rddreg [dreg:$0x1]  }
0x3: {  	s3 =	srdreg.scid;
	s1 =	stileid.u32;
	s2 =	simm.s32 $0x0  }
0x4: {  	s11 =	simm.s32 $0x0;
	s5 =	sand.u32 $0x1, s3;
	s28 =	sshll.u32 s1, $0x1  }
0x5: {  	[smem:$0x7FF] =	sst s2;
	s7 =	smul.u32 $0x31000, s1;
	s3 =	sor.u32 s5, s28  }
0x6: {  	_ =	strace $0x80000059;
	s8 =	ssub.s32 $0x2, s5;
	s10 =	smul.u32 $0x18800, s5  }
0x7: {  	s6 =	smul.u32 $0x1880, s3;
	s3 =	sadd.s32 $0xE7D200, s4;
	s9 =	sshrl.u32 s8, $0x1  }
0x8: {  	s30 =	sadd.s32 s7, s4;
	s7 =	simm.s32 $0x2;
	s31 =	ssub.s32 s8, s9  }
0x9: {  	s8 =	simm.s32 $0x40;
	s9 =	simm.s32 $0x1880;
	s6 =	sshrl.u32 s6, $0x3  }
0xa: {  	s5 =	smax.u32 s31, $0x1;
	s29 =	sadd.s32 s6, s4;
	s6 =	sadd.s32 s10, s30  }
0xb: {  	s10 =	simm.s32 $0x1;
	s4 =	sadd.s32 $0x984200, s29;
	s6 =	sadd.s32 $0x6800, s6  }
.LBB2_1:
0xc: {  	[tilespmem:s2], [sflag:$0x2] =	stream.linear.gather [hbm4b:s4+s2], $0x1880, $0x38;
	[tilespmem:$0x3880] =	vst v63  }
0xd: {  	_ =	swait.ge [sflag:s7], $0x1880  }
0xe: {  	[sflag:s7] =	ssyncset.done $0x0  }
0xf: {  	s12 =	simm.s32 $0x0;
	[sflag:s7] =	ssyncadd.s32 $0xFFFFE780  }
0x10: {  	[tilespmem:s9], [sflag:$0x1] =	stream.indirect.gather [hbm4b:s3+s8], $0x80, s12, s8, $0xb8;
	[tilespmem:$0x3880] =	vst v63  }
0x11: {  	_ =	swait.ge [sflag:s10], $0x2000  }
0x12: {  	[sflag:s10] =	ssyncset.done $0x0  }
0x13: {  	[sflag:s10] =	ssyncadd.s32 $0xFFFFE000  }
0x14: {  	[hbm4b:s6+s2] =	stream.linear.scatter [tilespmem:s9], [sflag:$0x2], $0x2000, $0x38;
	[tilespmem:$0x3880] =	vst v63  }
0x15: {  	s13 =	simm.s32 $0x100;
	_ =	swait.ge [sflag:s7], $0x2000  }
0x16: {  	s14 =	simm.s32 $0x200;
	s12 =	sadd.s32 $0x400, s6;
	[sflag:s7] =	ssyncset.done $0x0  }
.LBB2_2:
0x17: {  	s15 =	sshra.s32 s13, $0x2  }
0x18: {  	[sflag:s7] =	ssyncadd.s32 $0xFFFFE000;
	s13 =	smov.u32 s14;
	s16 =	sadd.s32 $0x100, s14  }
0x19: {  	[tilespmem:s9], [sflag:$0x1] =	stream.indirect.gather [hbm4b:s3+s8], $0x80, s15, s8, $0xb8;
	[tilespmem:$0x3880] =	vst v63  }
0x1a: {  	p0 =	sne.s32 s14, $0x6100;
	_ =	swait.ge [sflag:s10], $0x2000  }
.Ltmp0:
0x1b: {  	[sflag:s10] =	ssyncset.done $0x0;
	(pc) =	sbr.rel @p0 .LBB2_2-.Ltmp0, $4  }
0x1c: {  	[sflag:s10] =	ssyncadd.s32 $0xFFFFE000  }
0x1d: {  	[hbm4b:s12+s2] =	stream.linear.scatter [tilespmem:s9], [sflag:$0x2], $0x2000, $0x38;
	[tilespmem:$0x3880] =	vst v63  }
0x1e: {  	_ =	swait.ge [sflag:s7], $0x2000  }
0x1f: {  	s14 =	smov.u32 s16;
	s12 =	sadd.s32 $0x400, s12;
	[sflag:s7] =	ssyncset.done $0x0  }
0x20: {  	s13 =	sshra.s32 s13, $0x2;
	[sflag:s7] =	ssyncadd.s32 $0xFFFFE000  }
0x21: {  	[tilespmem:s9], [sflag:$0x1] =	stream.indirect.gather [hbm4b:s3+s8], $0x80, s13, s8, $0xb8;
	[tilespmem:$0x3880] =	vst v63  }
0x22: {  	s11 =	sadd.s32 $0x1, s11;
	_ =	swait.ge [sflag:s10], $0x2000  }
0x23: {  	p0 =	sne.s32 s11, s5;
	[sflag:s10] =	ssyncset.done $0x0  }
.Ltmp1:
0x24: {  	[sflag:s10] =	ssyncadd.s32 $0xFFFFE000;
	(pc) =	sbr.rel @p0 .LBB2_1-.Ltmp1, $4  }
0x25: {  	[hbm4b:s12+s2] =	stream.linear.scatter [tilespmem:s9], [sflag:$0x2], $0x2000, $0x38;
	[tilespmem:$0x3880] =	vst v63  }
0x26: {  	_ =	swait.ge [sflag:s7], $0x2000  }
0x27: {  	[sflag:s7] =	ssyncset.done $0x0  }
0x28: {  	[sflag:s7] =	ssyncadd.s32 $0xFFFFE000  }
0x29: {  	_ =	sfence.sel $0x180000  }
0x2a: {  	[bflag:$0x0] =	sbarrier.arrive $0xFFFF  }
0x2b: {  	p0 =	sne.s32 s1, $0x0;
	_ =	strace $0x90000059  }
0x2c: {  	s0 =	sadd.s32 @!p0 $0x100000, s0;
	[bflag:$0x2] =	sbarrier.arrive $0xFFFF  }
0x2d: {  	[sflag:s0] =	ssyncadd.tile.s32 @!p0 $0x1;
	_ =	shalt  }
.Lfunc_end2:
_tile_overlayer_lowered:
.L_overlay_start_2:
0x2e: {  	(tag) =	ssettag $0x2  }
0x2f: {  	s0 =	rddreg [dreg:$0x0];
	s2 =	stileid.u32  }
0x30: {  	s1 =	rddreg [dreg:$0x1];
	p0 =	sne.s32 s2, $0x0  }
0x31: {  	s3 =	rddreg [dreg:$0x2];
	[bflag:$0x3] =	sbarrier.arrive $0xFFFF;
	s2 =	simm.s32 @!p0 $0x1C02  }
0x32: {  	[timem:s3], [sflag:s2] =	dma.local @!p0 [hbm:s0], s1  }
0x33: {  	s0 =	simm.s32 @!p0 $0x2  }
0x34: {  	_ =	swait.ge @!p0 [sflag:s0], s1  }
0x35: {  	s1 =	ssub.s32 @!p0 $0x0, s1;
	[sflag:s0] =	ssyncset.done @!p0 $0x0  }
0x36: {  	[sflag:s0] =	ssyncadd.s32 @!p0 s1  }
0x37: {  	[bflag:$0x3] =	sbarrier.arrive $0xFFFF  }
0x38: {  	_ =	shalt  }

// kernel: kernel.37.cloned.1.call-start
scs
__scs_entry_jumppad:
0x0: {  	(pc) =	sbr.rel $0x88, $3  }
0x1: {  	(tag) =	ssettag $0x0;
	lr =	simm.s32 $0x1  }
0x2: {  	[smem:$0x3F89] =	sst lr;
	_ =	strace $0xD0000000  }
0x3: {  	_ = 	snop  }
0x4: {  	_ = 	snop  }
0x5: {  	_ = 	snop  }
0x6: {  	_ = 	snop  }
0x7: {  	_ = 	snop  }
__scs_overlays_trampoline_lowered:
0x8: {  	[smem:$0x3F98] =	sst s0  }
0x9: {  	[smem:$0x3F99] =	sst s1  }
0xa: {  	[smem:$0x3F9A] =	sst s2  }
0xb: {  	[smem:$0x3F9B] =	sst s3  }
0xc: {  	[smem:$0x3F9C] =	sst s4  }
0xd: {  	[smem:$0x3F9D] =	sst s5  }
0xe: {  	[smem:$0x3F9E] =	sst s6  }
0xf: {  	[smem:$0x3F9F] =	sst s7  }
0x10: {  	[smem:$0x3FA0] =	sst s8  }
0x11: {  	[smem:$0x3FA1] =	sst s9;
	s0 =	simm.s32 @!p0 $0x0  }
0x12: {  	s1 =	sld [smem:$0x3F87];
	s0 =	simm.s32 @p0 $0x1  }
0x13: {  	[smem:$0x3FA2] =	sst s0;
	s0 =	simm.s32 @!p1 $0x0  }
0x14: {  	s2 =	sld [smem:$0x3F86];
	s0 =	simm.s32 @p1 $0x1  }
0x15: {  	[smem:$0x3FA3] =	sst s0;
	s0 =	simm.s32 @!p2 $0x0  }
0x16: {  	s3 =	sld [smem:$0x3FDB];
	s0 =	simm.s32 @p2 $0x1  }
0x17: {  	s4 =	simm.s32 $0x1BF5;
	[smem:$0x3FA5] =	sst s0  }
0x18: {  	s0 =	sld [smem:$0x3F88];
	_ =	swait.ge [sflag:s4], $0x0  }
0x19: {  	s7 =	sld [smem:$0x3F89]  }
0x1a: {  	s8 =	sadd.s32 $0xFFFFE003, lr  }
0x1b: {  	s9 =	sadd.s32 $0xFFFFFEF7, lr;
	s5 =	simm.s32 $0xFFFFFFFF;
	p2 =	slt.u32 s8, $0xFFFFF086  }
0x1c: {  	p1 =	slt.u32 s9, $0xF7A;
	s5 =	simm.s32 @!p2 $0x0  }
0x1d: {  	s5 =	simm.s32 @p1 $0x1;
	p0 =	seq.s32 s7, s2  }
0x1e: {  	s7 =	smul.u32 @!p0 $0xF7A, s2;
	p2 =	seq.s32 @!p0 s5, $0x0  }
0x1f: {  	s9 =	smul.u32 $0xF7A, s1;
	s8 =	simm.s32 @!p0 $0x1BF5;
	p2 =	por !p2, p0  }
0x20: {  	[sflag:s8] =	ssyncset.s32 @!p0 $0xFFFFF086;
	s6 =	sadd.s32 @!p0 s3, s7;
	s7 =	simm.s32 @!p0 $0x108  }
0x21: {  	s3 =	sadd.s32 s3, s9;
	s6 =	sadd.s32 @!p0 $0x88, s6;
	s7 =	simm.s32 @p2 $0x1082  }
0x22: {  	[simem:s7], [sflag:s8] =	dma.local @!p0 [hbm:s6], $0xF7A  }
0x23: {  	s9 =	sor.u32 $0xD0000000, s2;
	s6 =	simm.s32 $0x108;
	_ =	swait.ge @!p0 [sflag:s8], $0x0  }
0x24: {  	s3 =	sadd.s32 $0x88, s3;
	s6 =	simm.s32 @!p1 $0x1082;
	[sflag:s4] =	ssyncset.s32 $0xFFFFF086  }
0x25: {  	[simem:s6], [sflag:s4] =	dma.local [hbm:s3], $0xF7A  }
0x26: {  	[smem:$0x3F89] =	sst s1;
	(tag) =	ssettag s2;
	_ =	strace s9  }
0x27: {  	s1 =	sld [smem:$0x3F99]  }
0x28: {  	s2 =	sld [smem:$0x3F9A]  }
0x29: {  	s4 =	sld [smem:$0x3F9C]  }
0x2a: {  	p0 =	seq.s32 s5, $0x0;
	s5 =	sld [smem:$0x3F9D]  }
0x2b: {  	s6 =	sld [smem:$0x3F9E]  }
0x2c: {  	s7 =	sld [smem:$0x3F9F]  }
0x2d: {  	s3 =	simm.s32 $0x108;
	s8 =	sld [smem:$0x3FA0]  }
0x2e: {  	s3 =	simm.s32 @!p0 $0x1082;
	s9 =	sld [smem:$0x3FA1]  }
0x2f: {  	lr =	sadd.s32 s0, s3;
	s0 =	sld [smem:$0x3F98]  }
0x30: {  	s3 =	sld [smem:$0x3F9B]  }
0x31: {  	[smem:$0x3FA4] =	sst s10  }
0x32: {  	s10 =	sld [smem:$0x3FA2];
	_ =	sdelay $0x3  }
0x33: {  	p0 =	seq.s32 s10, $0x1;
	s10 =	sld [smem:$0x3FA4];
	_ =	sdelay $0x3  }
0x34: {  	[smem:$0x3FA4] =	sst s10  }
0x35: {  	s10 =	sld [smem:$0x3FA3];
	_ =	sdelay $0x3  }
0x36: {  	p1 =	seq.s32 s10, $0x1;
	s10 =	sld [smem:$0x3FA4];
	_ =	sdelay $0x3  }
0x37: {  	[smem:$0x3FA4] =	sst s10  }
0x38: {  	s10 =	sld [smem:$0x3FA5]  }
0x39: {  	_ = 	snop;
	(pc) =	sbr.ind lr, $3  }
0x3a: {  	_ = 	snop  }
0x3b: {  	_ = 	snop  }
0x3c: {  	p2 =	seq.s32 s10, $0x1;
	s10 =	sld [smem:$0x3FA4]  }
0x3d: {  	_ =	shalt  }
0x3e: {  	_ =	shalt  }
0x3f: {  	_ =	shalt  }
0x40: {  	_ =	shalt  }
0x41: {  	_ =	shalt  }
0x42: {  	_ =	shalt  }
0x43: {  	_ =	shalt  }
0x44: {  	_ =	shalt  }
0x45: {  	_ =	shalt  }
0x46: {  	_ =	shalt  }
0x47: {  	_ =	shalt  }
0x48: {  	_ =	shalt  }
0x49: {  	_ =	shalt  }
0x4a: {  	_ =	shalt  }
0x4b: {  	_ =	shalt  }
0x4c: {  	_ =	shalt  }
0x4d: {  	_ =	shalt  }
0x4e: {  	_ =	shalt  }
0x4f: {  	_ =	shalt  }
0x50: {  	_ =	shalt  }
0x51: {  	_ =	shalt  }
0x52: {  	_ =	shalt  }
0x53: {  	_ =	shalt  }
0x54: {  	_ =	shalt  }
0x55: {  	_ =	shalt  }
0x56: {  	_ =	shalt  }
0x57: {  	_ =	shalt  }
0x58: {  	_ =	shalt  }
0x59: {  	_ =	shalt  }
0x5a: {  	_ =	shalt  }
0x5b: {  	_ =	shalt  }
0x5c: {  	_ =	shalt  }
0x5d: {  	_ =	shalt  }
0x5e: {  	_ =	shalt  }
0x5f: {  	_ =	shalt  }
0x60: {  	_ =	shalt  }
0x61: {  	_ =	shalt  }
0x62: {  	_ =	shalt  }
0x63: {  	_ =	shalt  }
0x64: {  	_ =	shalt  }
0x65: {  	_ =	shalt  }
0x66: {  	_ =	shalt  }
0x67: {  	_ =	shalt  }
0x68: {  	_ =	shalt  }
0x69: {  	_ =	shalt  }
0x6a: {  	_ =	shalt  }
0x6b: {  	_ =	shalt  }
0x6c: {  	_ =	shalt  }
0x6d: {  	_ =	shalt  }
0x6e: {  	_ =	shalt  }
0x6f: {  	_ =	shalt  }
0x70: {  	_ =	shalt  }
0x71: {  	_ =	shalt  }
0x72: {  	_ =	shalt  }
0x73: {  	_ =	shalt  }
0x74: {  	_ =	shalt  }
0x75: {  	_ =	shalt  }
0x76: {  	_ =	shalt  }
0x77: {  	_ =	shalt  }
0x78: {  	_ =	shalt  }
0x79: {  	_ =	shalt  }
0x7a: {  	_ =	shalt  }
0x7b: {  	_ =	shalt  }
0x7c: {  	_ =	shalt  }
0x7d: {  	_ =	shalt  }
0x7e: {  	_ =	shalt  }
0x7f: {  	_ =	shalt  }
0x80: {  	_ =	shalt  }
0x81: {  	_ =	shalt  }
0x82: {  	_ =	shalt  }
0x83: {  	_ =	shalt  }
0x84: {  	_ =	shalt  }
0x85: {  	_ =	shalt  }
0x86: {  	_ =	shalt  }
0x87: {  	_ =	shalt  }
.Lfunc_end0:
.L_simem_size_0:
called_computation.7_lowered:
.L_overlay_start_0:
0x88: {  	s2 =	sld [smem:$0x3FD9]  }
0x89: {  	s3 =	sld [smem:$0x3FFE];
	_ =	sdelay $0x1  }
0x8a: {  	s1 =	srdreg.scid  }
0x8b: {  	s0 =	sand.u32 $0x1, s1  }
0x8c: {  	s16 =	sshll.u32 s0, $0xA;
	s2 =	sadd.s32 s3, s2  }
0x8d: {  	s2 =	sadd.s32 s2, s16  }
0x8e: {  	[smem:$0x3FB0] =	sst s2  }
0x8f: {  	_ = 	snop  }
0x90: {  	(tm) =	ssettm $0x1  }
0x91: {  	s17 =	sld [smem:$0x3FFB];
	_ =	sdelay $0x3  }
0x92: {  	_ =	strace s17  }
0x93: {  	s2 =	sld [smem:$0x3FFC];
	_ =	sdelay $0x3  }
0x94: {  	_ =	strace s2  }
0x95: {  	s2 =	sld [smem:$0x3FFD];
	_ =	sdelay $0x3  }
0x96: {  	_ =	strace s2  }
0x97: {  	_ =	strace $0x8FFFFFFF  }
0x98: {  	s18 =	sld [smem:$0x3FDB];
	_ =	sdelay $0x1  }
0x99: {  	s19 =	simm.s32 $_scs_section_size  }
0x9a: {  	s4 =	simm.s32 $_size__tile_overlayer_lowered;
	s5 =	simm.s32 $_tile_overlayer_lowered  }
0x9b: {  	s22 =	simm.s32 $0x1BFF;
	s21 =	sshll.u32 s5, $0x1;
	s2 =	sadd.s32 s19, s18  }
0x9c: {  	s6 =	simm.s32 $0x0;
	s20 =	sshll.u32 s4, $0x1;
	s4 =	sadd.s32 s21, s2  }
0x9d: {  	[timem:s6], [sflag:s22] =	dma.local [hbm:s4], s20  }
0x9e: {  	_ =	swait.ge [sflag:s22], s20  }
0x9f: {  	s3 =	ssub.s32 $0x0, s20;
	[sflag:s22] =	ssyncset.done $0x0  }
0xa0: {  	[sflag:s22] =	ssyncadd.s32 s3;
	_ =	sdelay $0x1  }
0xa1: {  	s23 =	simm.s32 $0x1B8B  }
0xa2: {  	_ =	swait.ge [sflag:s23], $0x1  }
0xa3: {  	[sflag:s23] =	ssyncset.done $0x0  }
0xa4: {  	s25 =	simm.s32 $0x1B8E;
	s24 =	sld [smem:$0x3FFE];
	[sflag:s23] =	ssyncadd.s32 $0xFFFFFFFF  }
0xa5: {  	s26 =	simm.s32 $execute0_lowered;
	[smem:$0x3FD2] =	sst s25  }
0xa6: {  	s4 =	sshll.u32 s26, $0x1;
	_ =	strace $0x8000005B;
	[dreg:$0x1] =	wrdreg $0xFFFFFFFF  }
0xa7: {  	s28 =	simm.s32 $_size_execute0_lowered;
	s2 =	sadd.s32 s2, s4;
	[dreg:$0x0] =	wrdreg $0x0  }
0xa8: {  	s4 =	sshll.u32 s28, $0x1;
	[dreg:$0x2] =	wrdreg s2  }
0xa9: {  	[dreg:$0x3] =	wrdreg s4  }
0xaa: {  	[dreg:$0x4] =	wrdreg $0xC0  }
0xab: {  	_ =	task [dreg:s6], $0x5FFFF  }
0xac: {  	[dreg:$0x1] =	wrdreg $0xFFFFFFFF  }
0xad: {  	[dreg:$0x0] =	wrdreg $0x60  }
0xae: {  	[dreg:$0x2] =	wrdreg s24  }
0xaf: {  	[dreg:$0x3] =	wrdreg $0x9  }
0xb0: {  	_ =	task.clear_ibuf [dreg:s6], $0x4FFFF;
	_ =	strace $0x9000005B  }
0xb1: {  	s29 =	simm.s32 $0x9;
	_ =	strace $0x8000005D  }
0xb2: {  	_ =	swait.ge [sflag:s29], $0x1  }
0xb3: {  	[sflag:s29] =	ssyncadd.s32 $0xFFFFFFFF  }
0xb4: {  	_ =	strace $0x9000005D  }
0xb5: {  	_ =	sfence  }
0xb6: {  	s30 =	sld [smem:$0x0];
	_ =	sdelay $0x2  }
0xb7: {  	s31 =	sshll.u32 s1, $0xD;
	s1 =	sshrl.u32 s1, $0x2  }
0xb8: {  	s3 =	sand.u32 $0x4000, s31;
	s1 =	sadd.s32 s1, s30  }
0xb9: {  	s0 =	sor.u32 s3, s0;
	s1 =	sshll.u32 s1, $0x11  }
0xba: {  	s0 =	sor.u32 s1, s0  }
0xbb: {  	s0 =	sadd.s32 $0x8F2B, s0  }
0xbc: {  	[sflag:s0] =	ssyncadd.remote.s32 $0x1  }
0xbd: {  	_ =	sfence.sel $0xFFFF  }
0xbe: {  	[dreg:$0x0] =	wrdreg $0xFFFFFFFF;
	(pc) =	sbr.abs _section_cstart, $3  }
0xbf: {  	[dreg:$0x1] =	wrdreg $0xFFFFFFFF  }
0xc0: {  	_ =	task.clear_ibuf [dreg:s6], $0x2FFFF;
	_ =	strace $0x9FFFFFFF  }
0xc1: {  	(tm) =	ssettm $0x7FFFFFFF  }
tec
execute0_lowered:
.L_overlay_start_1:
0x0: {  	(tag) =	ssettag $0x1  }
0x1: {  	s4 =	rddreg [dreg:$0x0]  }
0x2: {  	s0 =	rddreg [dreg:$0x1]  }
0x3: {  	s3 =	srdreg.scid;
	s2 =	simm.s32 $0x0;
	s1 =	stileid.u32  }
0x4: {  	s10 =	simm.s32 $0x1;
	s11 =	simm.s32 $0x0;
	s5 =	sand.u32 $0x1, s3  }
0x5: {  	[smem:$0x7FF] =	sst s2;
	s29 =	sshll.u32 s1, $0xB;
	s3 =	sadd.s32 $0x9ED400, s4  }
0x6: {  	s8 =	sshll.u32 s1, $0xF;
	s6 =	sshll.u32 s5, $0xA;
	_ =	strace $0x8000005C  }
0x7: {  	s7 =	ssub.s32 $0x2, s5;
	s8 =	sadd.s32 s8, s4;
	s30 =	sshll.u32 s5, $0xE  }
0x8: {  	s6 =	sor.u32 s6, s29;
	s9 =	sshrl.u32 s7, $0x1;
	s31 =	sadd.s32 s30, s8  }
0x9: {  	s8 =	simm.s32 $0x40;
	s6 =	sshrl.u32 s6, $0x3;
	s7 =	ssub.s32 s7, s9  }
0xa: {  	s9 =	simm.s32 $0x400;
	s6 =	sadd.s32 s6, s4;
	s5 =	smax.u32 s7, $0x1  }
0xb: {  	s7 =	simm.s32 $0x2;
	s4 =	sadd.s32 $0x9EC400, s6;
	s6 =	sadd.s32 $0x6800, s31  }
.LBB2_1:
0xc: {  	[tilespmem:s2], [sflag:$0x2] =	stream.linear.gather [hbm4b:s4+s2], $0x400, $0x38;
	[tilespmem:$0x2400] =	vst v63  }
0xd: {  	_ =	swait.ge [sflag:s7], $0x400  }
0xe: {  	[sflag:s7] =	ssyncset.done $0x0  }
0xf: {  	s12 =	simm.s32 $0x0;
	[sflag:s7] =	ssyncadd.s32 $0xFFFFFC00  }
0x10: {  	[tilespmem:s9], [sflag:$0x1] =	stream.indirect.gather [hbm4b:s3+s8], $0x80, s12, s8, $0xb8;
	[tilespmem:$0x2400] =	vst v63  }
0x11: {  	_ =	swait.ge [sflag:s10], $0x2000  }
0x12: {  	[sflag:s10] =	ssyncset.done $0x0  }
0x13: {  	[sflag:s10] =	ssyncadd.s32 $0xFFFFE000  }
0x14: {  	[hbm4b:s6+s2] =	stream.linear.scatter [tilespmem:s9], [sflag:$0x2], $0x2000, $0x38;
	[tilespmem:$0x2400] =	vst v63  }
0x15: {  	s13 =	simm.s32 $0x100;
	_ =	swait.ge [sflag:s7], $0x2000  }
0x16: {  	s14 =	simm.s32 $0x200;
	s12 =	sadd.s32 $0x400, s6;
	[sflag:s7] =	ssyncset.done $0x0  }
.LBB2_2:
0x17: {  	s15 =	sshra.s32 s13, $0x2  }
0x18: {  	[sflag:s7] =	ssyncadd.s32 $0xFFFFE000;
	s13 =	smov.u32 s14;
	s16 =	sadd.s32 $0x100, s14  }
0x19: {  	[tilespmem:s9], [sflag:$0x1] =	stream.indirect.gather [hbm4b:s3+s8], $0x80, s15, s8, $0xb8;
	[tilespmem:$0x2400] =	vst v63  }
0x1a: {  	p0 =	sne.s32 s14, $0xF00;
	_ =	swait.ge [sflag:s10], $0x2000  }
.Ltmp0:
0x1b: {  	[sflag:s10] =	ssyncset.done $0x0;
	(pc) =	sbr.rel @p0 .LBB2_2-.Ltmp0, $4  }
0x1c: {  	[sflag:s10] =	ssyncadd.s32 $0xFFFFE000  }
0x1d: {  	[hbm4b:s12+s2] =	stream.linear.scatter [tilespmem:s9], [sflag:$0x2], $0x2000, $0x38;
	[tilespmem:$0x2400] =	vst v63  }
0x1e: {  	_ =	swait.ge [sflag:s7], $0x2000  }
0x1f: {  	s14 =	smov.u32 s16;
	s12 =	sadd.s32 $0x400, s12;
	[sflag:s7] =	ssyncset.done $0x0  }
0x20: {  	s13 =	sshra.s32 s13, $0x2;
	[sflag:s7] =	ssyncadd.s32 $0xFFFFE000  }
0x21: {  	[tilespmem:s9], [sflag:$0x1] =	stream.indirect.gather [hbm4b:s3+s8], $0x80, s13, s8, $0xb8;
	[tilespmem:$0x2400] =	vst v63  }
0x22: {  	s11 =	sadd.s32 $0x1, s11;
	_ =	swait.ge [sflag:s10], $0x2000  }
0x23: {  	p0 =	sne.s32 s11, s5;
	[sflag:s10] =	ssyncset.done $0x0  }
.Ltmp1:
0x24: {  	[sflag:s10] =	ssyncadd.s32 $0xFFFFE000;
	(pc) =	sbr.rel @p0 .LBB2_1-.Ltmp1, $4  }
0x25: {  	[hbm4b:s12+s2] =	stream.linear.scatter [tilespmem:s9], [sflag:$0x2], $0x2000, $0x38;
	[tilespmem:$0x2400] =	vst v63  }
0x26: {  	_ =	swait.ge [sflag:s7], $0x2000  }
0x27: {  	[sflag:s7] =	ssyncset.done $0x0  }
0x28: {  	[sflag:s7] =	ssyncadd.s32 $0xFFFFE000  }
0x29: {  	_ =	sfence.sel $0x180000  }
0x2a: {  	[bflag:$0x0] =	sbarrier.arrive $0xFFFF  }
0x2b: {  	p0 =	sne.s32 s1, $0x0;
	_ =	strace $0x9000005C  }
0x2c: {  	s0 =	sadd.s32 @!p0 $0x100000, s0;
	[bflag:$0x2] =	sbarrier.arrive $0xFFFF  }
0x2d: {  	[sflag:s0] =	ssyncadd.tile.s32 @!p0 $0x1;
	_ =	shalt  }
.Lfunc_end2:
_tile_overlayer_lowered:
.L_overlay_start_2:
0x2e: {  	(tag) =	ssettag $0x2  }
0x2f: {  	s0 =	rddreg [dreg:$0x0];
	s2 =	stileid.u32  }
0x30: {  	s1 =	rddreg [dreg:$0x1];
	p0 =	sne.s32 s2, $0x0  }
0x31: {  	s3 =	rddreg [dreg:$0x2];
	[bflag:$0x3] =	sbarrier.arrive $0xFFFF;
	s2 =	simm.s32 @!p0 $0x1C02  }
0x32: {  	[timem:s3], [sflag:s2] =	dma.local @!p0 [hbm:s0], s1  }
0x33: {  	s0 =	simm.s32 @!p0 $0x2  }
0x34: {  	_ =	swait.ge @!p0 [sflag:s0], s1  }
0x35: {  	s1 =	ssub.s32 @!p0 $0x0, s1;
	[sflag:s0] =	ssyncset.done @!p0 $0x0  }
0x36: {  	[sflag:s0] =	ssyncadd.s32 @!p0 s1  }
0x37: {  	[bflag:$0x3] =	sbarrier.arrive $0xFFFF  }
0x38: {  	_ =	shalt  }

</sc_bundles>
